<compile_context>
chip_gen: v7x
topology: tpu7x:2x2x1
jax: 0.10.2.dev20260603
libtpu: 0.0.44.dev20260713+nightly
codegen_flags: <defaults>
</compile_context>

<pallas_src>
import functools

import numpy as np

import jax
import jax.numpy as jnp
from jax import lax
from jax.experimental import pallas as pl
from jax.experimental.pallas import tpu as pltpu
from jax.experimental.pallas import tpu_sc as plsc

NUM_CORES = 2
NUM_SUBCORES = 16
LANES = 16
EPS = 1e-10
CH = 32

PERM = np.concatenate(
    [np.concatenate([32 * j + 2 * np.arange(16),
                     32 * j + 2 * np.arange(16) + 1]) for j in range(4)]
).astype(np.int32)


def _kv_body(nf_ref, rhs_ref, out_ref):
    out_ref[0] = jnp.dot(nf_ref[...], rhs_ref[0],
                         preferred_element_type=jnp.float32
                         ).astype(jnp.bfloat16)


def _q_body(nf_ref, rhs_ref, out_ref):
    out_ref[0] = jnp.dot(nf_ref[...], rhs_ref[0],
                         preferred_element_type=jnp.float32)


def _final_body(za_ref, zb_ref, wo_ref, out_ref):
    d = wo_ref.shape[1]
    out_ref[...] = (
        jnp.dot(za_ref[0], wo_ref[0:d, :], preferred_element_type=jnp.float32)
        + jnp.dot(zb_ref[0], wo_ref[d:2 * d, :],
                  preferred_element_type=jnp.float32))


def _idx_body(n_nodes, n_rel, src_ref, et_ref, dst_ref, kidx_ref, qidx_ref):
    h = pl.program_id(0)
    kidx_ref[0] = et_ref[...] * n_nodes + src_ref[...] + h * (n_rel * n_nodes)
    qidx_ref[0] = dst_ref[...] + h * n_nodes


def _make_sc_kernel(n_nodes, n_edges, d, n_rel):
    total_ch = n_edges // CH
    base_ch = total_ch // NUM_SUBCORES
    rem_ch = total_ch % NUM_SUBCORES
    max_nch = base_ch + (1 if rem_ch else 0)
    outer_n = (max_nch + 3) // 2
    scale = 1.0 / (float(d * NUM_CORES) ** 0.5)
    assert total_ch * CH == n_edges
    assert CH % LANES == 0 and n_nodes % 1000 == 0

    def body(kidx_hbm, qidx_hbm, kh_hbm, vh_hbm, qh_hbm, zout_hbm,
             ki0, ki1, qi0, qi1, ds0, ds1, nb0, nb1, winv, denom_l,
             ka0, ka1, vb0, vb1, qb0, qb1, rb0, rb1, denom_sh, z_sh,
             s_ik0, s_ik1, s_iq0, s_iq1, s_gk0, s_gk1, s_gq0, s_gq1,
             s_gv0, s_gv1, s_nb0, s_nb1, s_z0, s_z1):
        ki = [ki0, ki1]
        qi = [qi0, qi1]
        dsb = [ds0, ds1]
        nb = [nb0, nb1]
        ka = [ka0, ka1]
        vb = [vb0, vb1]
        qb = [qb0, qb1]
        rb = [rb0, rb1]
        s_gv = [s_gv0, s_gv1]
        s_ik = [s_ik0, s_ik1]
        s_iq = [s_iq0, s_iq1]
        s_gk = [s_gk0, s_gk1]
        s_gq = [s_gq0, s_gq1]
        s_nb = [s_nb0, s_nb1]
        s_z = [s_z0, s_z1]

        c = lax.axis_index("c")
        s = lax.axis_index("s")
        start_ch = s * base_ch + jnp.minimum(s, rem_ch)
        nch = base_ch + jnp.where(s < rem_ch, 1, 0)
        ebase = c * n_edges + start_ch * CH
        zero16 = jnp.zeros((LANES,), jnp.float32)
        iota16 = lax.iota(jnp.int32, LANES)
        unpk = functools.partial(plsc.unpack,
                                 format=plsc.PackFormat.INTERLEAVED)

        def issue_idx(i, b):
            sl = pl.ds(ebase + i * CH, CH)
            pltpu.async_copy(kidx_hbm.at[sl], ki[b], s_ik[b])
            pltpu.async_copy(qidx_hbm.at[sl], qi[b], s_iq[b])

        def wait_idx(b):
            sl = pl.ds(0, CH)
            pltpu.make_async_copy(kidx_hbm.at[sl], ki[b], s_ik[b]).wait()
            pltpu.make_async_copy(qidx_hbm.at[sl], qi[b], s_iq[b]).wait()

        def issue_g(b):
            pltpu.async_copy(kh_hbm.at[ki[b]], ka[b], s_gk[b])
            pltpu.async_copy(qh_hbm.at[qi[b]], qb[b], s_gq[b])
            pltpu.async_copy(vh_hbm.at[ki[b]], vb[b], s_gv[b])

        def wait_g(b):
            pltpu.make_async_copy(kh_hbm.at[ki[b]], ka[b], s_gk[b]).wait()
            pltpu.make_async_copy(qh_hbm.at[qi[b]], qb[b], s_gq[b]).wait()
            pltpu.make_async_copy(vh_hbm.at[ki[b]], vb[b], s_gv[b]).wait()

        def wait_out(b):
            pltpu.make_async_copy(nb[b], denom_sh.at[dsb[b]], s_nb[b]).wait()
            pltpu.make_async_copy(rb[b], z_sh.at[dsb[b]], s_z[b]).wait()

        def rz_loop(i, _):
            for j in range(d // LANES):
                rb0[i, pl.ds(j * LANES, LANES)] = zero16
            return 0
        lax.fori_loop(0, CH, rz_loop, 0)

        @pl.when(s == 0)
        def _():
            def dz_loop(i, _):
                denom_l[pl.ds(i * LANES, LANES)] = zero16
                return 0
            lax.fori_loop(0, (n_nodes + 2 * LANES) // LANES, dz_loop, 0)
            pltpu.sync_copy(denom_l.at[pl.ds(0, n_nodes)], denom_sh)

        @pl.when(s < n_nodes // 1000)
        def _():
            done = 0
            while done < 1000:
                zc = min(CH, 1000 - done)
                pltpu.sync_copy(rb0.at[pl.ds(0, zc)],
                                z_sh.at[pl.ds(s * 1000 + done, zc)])
                done += zc

        issue_idx(0, 0)
        wait_idx(0)
        issue_g(0)
        issue_idx(1, 1)
        plsc.subcore_barrier()

        def pass_outer(io, _):
            for b in range(2):
                i = io * 2 + b

                @pl.when(i + 1 < nch)
                def _(b=b):
                    wait_idx(1 - b)
                    issue_g(1 - b)

                @pl.when(i < nch)
                def _(b=b, i=i):
                    wait_g(b)

                    def dloop(j, _):
                        sl = pl.ds(j * LANES, LANES)
                        dsb[b][sl] = qi[b][sl] - c * n_nodes
                        return 0
                    lax.fori_loop(0, CH // LANES, dloop, 0)

                    def group_loop(g, _):
                        def e_loop(e2, sv):
                            e = g * LANES + e2
                            acc = zero16
                            for j in range(d // LANES):
                                sl = pl.ds(j * LANES, LANES)
                                acc = acc + ka[b][e, sl] * qb[b][e, sl]
                            sc = jnp.maximum(jnp.sum(acc) * scale, 0.0)
                            nmr = sc * sc + EPS
                            for j4 in range(d // 32):
                                vw = vb[b][e, pl.ds(LANES * j4, LANES)]
                                ve, vo = unpk(plsc.bitcast(vw, jnp.bfloat16))
                                rb[b][e, pl.ds(32 * j4, LANES)] = ve * nmr
                                rb[b][e, pl.ds(32 * j4 + LANES, LANES)] = (
                                    vo * nmr)
                            return jnp.where(iota16 == e2, nmr, sv)
                        sv = lax.fori_loop(0, LANES, e_loop,
                                           jnp.zeros((LANES,), jnp.float32))
                        nb[b][pl.ds(g * LANES, LANES)] = sv
                        return 0
                    lax.fori_loop(0, CH // LANES, group_loop, 0)

                    pltpu.async_copy(nb[b], denom_sh.at[dsb[b]], s_nb[b],
                                     add=True)
                    pltpu.async_copy(rb[b], z_sh.at[dsb[b]], s_z[b],
                                     add=True)
                    wait_out(b)

                @pl.when(i + 2 < nch)
                def _(b=b, i=i):
                    issue_idx(i + 2, b)
            return 0
        lax.fori_loop(0, outer_n, pass_outer, 0)
        plsc.subcore_barrier()

        pltpu.sync_copy(denom_sh, denom_l.at[pl.ds(0, n_nodes)])

        @pl.when(s < n_nodes // 1000)
        def _():
            def wb_chunk(r0, rc):
                pltpu.sync_copy(z_sh.at[pl.ds(r0, rc)], rb0.at[pl.ds(0, rc)])
                for j in range((rc + LANES - 1) // LANES):
                    sl = pl.ds(j * LANES, LANES)
                    winv[sl] = 1.0 / (denom_l[pl.ds(r0 + j * LANES, LANES)]
                                      + 1e-30)

                def row_loop(r, _):
                    spl = plsc.load_gather(
                        winv, [jnp.full((LANES,), r, jnp.int32)])
                    for j in range(d // LANES):
                        sl = pl.ds(j * LANES, LANES)
                        rb0[r, sl] = rb0[r, sl] * spl
                    return 0
                lax.fori_loop(0, rc, row_loop, 0)
                pltpu.sync_copy(rb0.at[pl.ds(0, rc)],
                                zout_hbm.at[pl.ds(c * n_nodes + r0, rc)])

            def wb_loop(t, _):
                wb_chunk(s * 1000 + t * CH, CH)
                return 0
            lax.fori_loop(0, 1000 // CH, wb_loop, 0)
            if 1000 % CH:
                wb_chunk(s * 1000 + (1000 // CH) * CH, 1000 % CH)

    mesh = plsc.VectorSubcoreMesh(core_axis_name="c", subcore_axis_name="s",
                                  num_cores=NUM_CORES,
                                  num_subcores=NUM_SUBCORES)
    return pl.kernel(
        body,
        out_type=jax.ShapeDtypeStruct((NUM_CORES * n_nodes, d), jnp.float32),
        mesh=mesh,
        compiler_params=pltpu.CompilerParams(needs_layout_passes=False),
        scratch_types=[
            pltpu.VMEM((CH,), jnp.int32),
            pltpu.VMEM((CH,), jnp.int32),
            pltpu.VMEM((CH,), jnp.int32),
            pltpu.VMEM((CH,), jnp.int32),
            pltpu.VMEM((CH,), jnp.int32),
            pltpu.VMEM((CH,), jnp.int32),
            pltpu.VMEM((CH,), jnp.float32),
            pltpu.VMEM((CH,), jnp.float32),
            pltpu.VMEM((CH,), jnp.float32),
            pltpu.VMEM((n_nodes + 2 * LANES,), jnp.float32),
            pltpu.VMEM((CH, d), jnp.float32),
            pltpu.VMEM((CH, d), jnp.float32),
            pltpu.VMEM((CH, d), jnp.int32),
            pltpu.VMEM((CH, d), jnp.int32),
            pltpu.VMEM((CH, d), jnp.float32),
            pltpu.VMEM((CH, d), jnp.float32),
            pltpu.VMEM((CH, d), jnp.float32),
            pltpu.VMEM((CH, d), jnp.float32),
            pltpu.VMEM_SHARED((n_nodes,), jnp.float32),
            pltpu.VMEM_SHARED((n_nodes, d), jnp.float32),
        ] + [pltpu.SemaphoreType.DMA] * 14,
    )


@jax.jit
def kernel(node_feature, edge_index, edge_type, WQ, WK, WV, WO):
    n, d = node_feature.shape
    n_rel = WK.shape[0]
    hd = WQ.shape[1]
    h = hd // d
    e = edge_index.shape[1]
    assert h == NUM_CORES

    src2 = edge_index[0].reshape(e // 128, 128)
    et2 = edge_type.reshape(e // 128, 128)
    dst2 = edge_index[1].reshape(e // 128, 128)

    kidx, qidx = pl.pallas_call(
        functools.partial(_idx_body, n, n_rel),
        grid=(h,),
        in_specs=[
            pl.BlockSpec((e // 128, 128), lambda hi: (0, 0)),
            pl.BlockSpec((e // 128, 128), lambda hi: (0, 0)),
            pl.BlockSpec((e // 128, 128), lambda hi: (0, 0)),
        ],
        out_specs=[
            pl.BlockSpec((1, e // 128, 128), lambda hi: (hi, 0, 0)),
            pl.BlockSpec((1, e // 128, 128), lambda hi: (hi, 0, 0)),
        ],
        out_shape=[
            jax.ShapeDtypeStruct((h, e // 128, 128), jnp.int32),
            jax.ShapeDtypeStruct((h, e // 128, 128), jnp.int32),
        ],
    )(src2, et2, dst2)
    kidx = kidx.reshape(h * e)
    qidx = qidx.reshape(h * e)

    wk_stack = WK.reshape(n_rel, d, h, d).transpose(2, 0, 1, 3)
    wk_stack = wk_stack.reshape(h * n_rel, d, d)
    wv_stack = WV.reshape(n_rel, d, h, d).transpose(2, 0, 1, 3)
    wv_stack = wv_stack.reshape(h * n_rel, d, d)
    wq_stack = WQ.reshape(d, h, d).transpose(1, 0, 2)

    bn = 1000
    g = h * n_rel

    def _mm(rhs, out_dtype, body_fn):
        gg = rhs.shape[0]
        return pl.pallas_call(
            body_fn,
            grid=(gg, n // bn),
            in_specs=[
                pl.BlockSpec((bn, d), lambda gi, nb: (nb, 0)),
                pl.BlockSpec((1, d, d), lambda gi, nb: (gi, 0, 0)),
            ],
            out_specs=pl.BlockSpec((1, bn, d), lambda gi, nb: (gi, nb, 0)),
            out_shape=jax.ShapeDtypeStruct((gg, n, d), out_dtype),
        )(node_feature, rhs)

    kh = _mm(wk_stack, jnp.float32, _q_body).reshape(g * n, d)
    vh = _mm(wv_stack, jnp.bfloat16, _kv_body)
    vh = lax.bitcast_convert_type(vh.reshape(g * n, d // 2, 2), jnp.int32)
    vh = jnp.pad(vh, ((0, 0), (0, d // 2)))
    qh = _mm(wq_stack, jnp.float32, _q_body).reshape(h * n, d)

    sc_fn = _make_sc_kernel(n, e, d, n_rel)
    zout = sc_fn(kidx, qidx, kh, vh, qh)
    zr = zout.reshape(h, n, d)

    wo_perm = jnp.concatenate(
        [WO[hh * d + PERM, :] for hh in range(h)], axis=0)

    out = pl.pallas_call(
        _final_body,
        grid=(n // bn,),
        in_specs=[
            pl.BlockSpec((1, bn, d), lambda nb: (0, nb, 0)),
            pl.BlockSpec((1, bn, d), lambda nb: (1, nb, 0)),
            pl.BlockSpec((h * d, d), lambda nb: (0, 0)),
        ],
        out_specs=pl.BlockSpec((bn, d), lambda nb: (nb, 0)),
        out_shape=jax.ShapeDtypeStruct((n, d), jnp.float32),
    )(zr, zr, wo_perm)
    return out

# --- scband reference (transcript-rebuilt; emitter-appended) ---
"""Pipeline reference for scband-relational-attention-layer-19791209300468 (READ-ONLY COPY).

The authoritative reference and input builder live on the scoring server;
editing this copy changes nothing except your own understanding.
"""

import jax, jax.numpy as jnp
import numpy as np

N_NODES = 10000
N_EDGES = 160000
MODEL_DIM = 128
NUM_HEAD = 2
NUM_RELATIONS = 4
EPS = 1e-10


def setup_inputs(seed: int = 0) -> dict:
    key = jax.random.key(seed)
    ks = jax.random.split(key, 8)
    d = MODEL_DIM
    hd = MODEL_DIM * NUM_HEAD
    scale = 1.0 / np.sqrt(d)
    node_feature = jax.random.normal(ks[0], (N_NODES, d), dtype=jnp.float32)
    edge_index = jax.random.randint(ks[1], (2, N_EDGES), 0, N_NODES, dtype=jnp.int32)
    edge_type = jax.random.randint(ks[2], (N_EDGES,), 0, NUM_RELATIONS, dtype=jnp.int32)
    WQ = jax.random.normal(ks[3], (d, hd), dtype=jnp.float32) * scale
    WK = jax.random.normal(ks[4], (NUM_RELATIONS, d, hd), dtype=jnp.float32) * scale
    WV = jax.random.normal(ks[5], (NUM_RELATIONS, d, hd), dtype=jnp.float32) * scale
    WO = jax.random.normal(ks[6], (hd, d), dtype=jnp.float32) * (1.0 / np.sqrt(hd))
    return {"node_feature": node_feature, "edge_index": edge_index, "edge_type": edge_type,
            "WQ": WQ, "WK": WK, "WV": WV, "WO": WO}


def reference(node_feature, edge_index, edge_type, WQ, WK, WV, WO):
    d = MODEL_DIM
    H = NUM_HEAD
    E = edge_index.shape[1]
    N = node_feature.shape[0]
    src = edge_index[0]
    dst = edge_index[1]
    # message function: per-relation key/value projections of source node features
    x_src = jnp.take(node_feature, src, axis=0)  # [E, d] gather
    keys = jnp.zeros((E, H * d), dtype=node_feature.dtype)
    values = jnp.zeros((E, H * d), dtype=node_feature.dtype)
    for r in range(NUM_RELATIONS):
        mask = (edge_type == r)[:, None]
        keys = keys + jnp.where(mask, x_src @ WK[r], 0.0)
        values = values + jnp.where(mask, x_src @ WV[r], 0.0)
    # reduce function: relational attention with relu pooling, reduced at dst nodes
    queries = node_feature @ WQ  # [N, H*d]
    q_e = jnp.take(queries, dst, axis=0)  # [E, H*d] gather
    scores = (q_e * keys).reshape(E, H, d).sum(axis=2)  # [E, H]
    scores = scores / jnp.sqrt(jnp.asarray(d * H, dtype=scores.dtype))
    numer = jnp.square(jax.nn.relu(scores)) + EPS  # [E, H]
    denom = jax.ops.segment_sum(numer, dst, num_segments=N)  # [N, H] scatter-add
    normalized = numer / jnp.take(denom, dst, axis=0)  # [E, H]
    weighted = normalized[:, :, None] * values.reshape(E, H, d)  # [E, H, d]
    z = jax.ops.segment_sum(weighted, dst, num_segments=N)  # [N, H, d] scatter-add
    z = z.reshape(N, H * d)
    # apply node function (concat_self_o = False)
    out = z @ WO  # [N, d]
    return out

if __name__ == "__main__":
    import jax
    _d = setup_inputs()
    print(jax.jit(kernel)(*tuple(_d.values())))

</pallas_src>

<mosaic_0001>
#map = affine_map<(d0, d1) -> (0)>
#map1 = affine_map<(d0, d1) -> (0, 0)>
module attributes {stable_mosaic.version = 14 : i64} {
  func.func @body(%arg0: i32, %arg1: i32, %arg2: memref<320000xi32, #tpu.memory_space<hbm>>, %arg3: memref<320000xi32, #tpu.memory_space<hbm>>, %arg4: memref<80000x128xf32, #tpu.memory_space<hbm>>, %arg5: memref<80000x128xi32, #tpu.memory_space<hbm>>, %arg6: memref<20000x128xf32, #tpu.memory_space<hbm>>, %arg7: memref<20000x128xf32, #tpu.memory_space<hbm>>, %arg8: memref<32xi32, #tpu.memory_space<vmem>>, %arg9: memref<32xi32, #tpu.memory_space<vmem>>, %arg10: memref<32xi32, #tpu.memory_space<vmem>>, %arg11: memref<32xi32, #tpu.memory_space<vmem>>, %arg12: memref<32xi32, #tpu.memory_space<vmem>>, %arg13: memref<32xi32, #tpu.memory_space<vmem>>, %arg14: memref<32xf32, #tpu.memory_space<vmem>>, %arg15: memref<32xf32, #tpu.memory_space<vmem>>, %arg16: memref<32xf32, #tpu.memory_space<vmem>>, %arg17: memref<10032xf32, #tpu.memory_space<vmem>>, %arg18: memref<32x128xf32, #tpu.memory_space<vmem>>, %arg19: memref<32x128xf32, #tpu.memory_space<vmem>>, %arg20: memref<32x128xi32, #tpu.memory_space<vmem>>, %arg21: memref<32x128xi32, #tpu.memory_space<vmem>>, %arg22: memref<32x128xf32, #tpu.memory_space<vmem>>, %arg23: memref<32x128xf32, #tpu.memory_space<vmem>>, %arg24: memref<32x128xf32, #tpu.memory_space<vmem>>, %arg25: memref<32x128xf32, #tpu.memory_space<vmem>>, %arg26: memref<10000xf32, #tpu.memory_space<vmem_shared>>, %arg27: memref<10000x128xf32, #tpu.memory_space<vmem_shared>>, %arg28: memref<!tpu.dma_semaphore, #tpu.memory_space<semaphore_mem>>, %arg29: memref<!tpu.dma_semaphore, #tpu.memory_space<semaphore_mem>>, %arg30: memref<!tpu.dma_semaphore, #tpu.memory_space<semaphore_mem>>, %arg31: memref<!tpu.dma_semaphore, #tpu.memory_space<semaphore_mem>>, %arg32: memref<!tpu.dma_semaphore, #tpu.memory_space<semaphore_mem>>, %arg33: memref<!tpu.dma_semaphore, #tpu.memory_space<semaphore_mem>>, %arg34: memref<!tpu.dma_semaphore, #tpu.memory_space<semaphore_mem>>, %arg35: memref<!tpu.dma_semaphore, #tpu.memory_space<semaphore_mem>>, %arg36: memref<!tpu.dma_semaphore, #tpu.memory_space<semaphore_mem>>, %arg37: memref<!tpu.dma_semaphore, #tpu.memory_space<semaphore_mem>>, %arg38: memref<!tpu.dma_semaphore, #tpu.memory_space<semaphore_mem>>, %arg39: memref<!tpu.dma_semaphore, #tpu.memory_space<semaphore_mem>>, %arg40: memref<!tpu.dma_semaphore, #tpu.memory_space<semaphore_mem>>, %arg41: memref<!tpu.dma_semaphore, #tpu.memory_space<semaphore_mem>>) attributes {dimension_semantics = [#tpu.dimension_semantics<core_parallel>, #tpu.dimension_semantics<subcore_parallel>], iteration_bounds = array<i64: 2, 16>, scalar_prefetch = 0 : i64, scratch_operands = 34 : i64, tpu.core_type = #tpu.core_type<sc_vector_subcore>, window_params = [{transform_indices = #map}, {transform_indices = #map}, {transform_indices = #map1}, {transform_indices = #map1}, {transform_indices = #map1}, {transform_indices = #map1}]} {
    %mul3A = arith.constant 312 : i32
    %mul3A_0 = arith.muli %arg1, %mul3A : i32
    %min3A = arith.constant 8 : i32
    %min3A_1 = arith.minsi %arg1, %min3A : i32
    %add3A = arith.addi %mul3A_0, %min3A_1 : i32
    %lt3A = arith.constant 8 : i32
    %lt3A_2 = arith.cmpi slt, %arg1, %lt3A : i32
    %jit3A = arith.constant 1 : i32
    %jit3A_3 = arith.constant 0 : i32
    %select_n3A = arith.select %lt3A_2, %jit3A, %jit3A_3 : i32
    %add3A_4 = arith.constant 312 : i32
    %add3A_5 = arith.addi %add3A_4, %select_n3A : i32
    %mul3A_6 = arith.constant 160000 : i32
    %mul3A_7 = arith.muli %arg0, %mul3A_6 : i32
    %mul3A_8 = arith.constant 32 : i32
    %mul3A_9 = arith.muli %add3A, %mul3A_8 : i32
    %add3A_10 = arith.addi %mul3A_7, %mul3A_9 : i32
    %broadcast_in_dim3A = arith.constant 0.000000e+00 : f32
    %broadcast_in_dim3A_11 = vector.broadcast %broadcast_in_dim3A : f32 to vector<16xf32>
    %iota3A = tpu.iota {dimensions = array<i32: 0>} : vector<16xi32>
    %scan3A = arith.constant 0 : i32
    %scan3A_12 = arith.constant 0 : i32
    %scan3A_13 = arith.constant 32 : i32
    %scan3A_14 = arith.addi %scan3A_12, %scan3A_13 : i32
    %scan3A_15 = arith.constant 1 : i32
    %scan3A_16 = scf.for %scan3A_65 = %scan3A_12 to %scan3A_14 step %scan3A_15 iter_args(%scan3A_66 = %scan3A) -> (i32)  : i32 {
      %swap3A = arith.index_cast %scan3A_65 : i32 to index
      %swap3A_67 = arith.constant 0 : index
      %swap3A_68 = tpu.vector_load %arg24[%swap3A, %swap3A_67] {strides = array<i32>} : memref<32x128xf32, #tpu.memory_space<vmem>>, vector<16xf32>,
      tpu.vector_store %arg24[%swap3A, %swap3A_67], %broadcast_in_dim3A_11 {strides = array<i32>} : memref<32x128xf32, #tpu.memory_space<vmem>>, vector<16xf32>,
      %swap3A_69 = arith.index_cast %scan3A_65 : i32 to index
      %swap3A_70 = arith.constant 16 : index
      %swap3A_71 = tpu.vector_load %arg24[%swap3A_69, %swap3A_70] {strides = array<i32>} : memref<32x128xf32, #tpu.memory_space<vmem>>, vector<16xf32>,
      tpu.vector_store %arg24[%swap3A_69, %swap3A_70], %broadcast_in_dim3A_11 {strides = array<i32>} : memref<32x128xf32, #tpu.memory_space<vmem>>, vector<16xf32>,
      %swap3A_72 = arith.index_cast %scan3A_65 : i32 to index
      %swap3A_73 = arith.constant 32 : index
      %swap3A_74 = tpu.vector_load %arg24[%swap3A_72, %swap3A_73] {strides = array<i32>} : memref<32x128xf32, #tpu.memory_space<vmem>>, vector<16xf32>,
      tpu.vector_store %arg24[%swap3A_72, %swap3A_73], %broadcast_in_dim3A_11 {strides = array<i32>} : memref<32x128xf32, #tpu.memory_space<vmem>>, vector<16xf32>,
      %swap3A_75 = arith.index_cast %scan3A_65 : i32 to index
      %swap3A_76 = arith.constant 48 : index
      %swap3A_77 = tpu.vector_load %arg24[%swap3A_75, %swap3A_76] {strides = array<i32>} : memref<32x128xf32, #tpu.memory_space<vmem>>, vector<16xf32>,
      tpu.vector_store %arg24[%swap3A_75, %swap3A_76], %broadcast_in_dim3A_11 {strides = array<i32>} : memref<32x128xf32, #tpu.memory_space<vmem>>, vector<16xf32>,
      %swap3A_78 = arith.index_cast %scan3A_65 : i32 to index
      %swap3A_79 = arith.constant 64 : index
      %swap3A_80 = tpu.vector_load %arg24[%swap3A_78, %swap3A_79] {strides = array<i32>} : memref<32x128xf32, #tpu.memory_space<vmem>>, vector<16xf32>,
      tpu.vector_store %arg24[%swap3A_78, %swap3A_79], %broadcast_in_dim3A_11 {strides = array<i32>} : memref<32x128xf32, #tpu.memory_space<vmem>>, vector<16xf32>,
      %swap3A_81 = arith.index_cast %scan3A_65 : i32 to index
      %swap3A_82 = arith.constant 80 : index
      %swap3A_83 = tpu.vector_load %arg24[%swap3A_81, %swap3A_82] {strides = array<i32>} : memref<32x128xf32, #tpu.memory_space<vmem>>, vector<16xf32>,
      tpu.vector_store %arg24[%swap3A_81, %swap3A_82], %broadcast_in_dim3A_11 {strides = array<i32>} : memref<32x128xf32, #tpu.memory_space<vmem>>, vector<16xf32>,
      %swap3A_84 = arith.index_cast %scan3A_65 : i32 to index
      %swap3A_85 = arith.constant 96 : index
      %swap3A_86 = tpu.vector_load %arg24[%swap3A_84, %swap3A_85] {strides = array<i32>} : memref<32x128xf32, #tpu.memory_space<vmem>>, vector<16xf32>,
      tpu.vector_store %arg24[%swap3A_84, %swap3A_85], %broadcast_in_dim3A_11 {strides = array<i32>} : memref<32x128xf32, #tpu.memory_space<vmem>>, vector<16xf32>,
      %swap3A_87 = arith.index_cast %scan3A_65 : i32 to index
      %swap3A_88 = arith.constant 112 : index
      %swap3A_89 = tpu.vector_load %arg24[%swap3A_87, %swap3A_88] {strides = array<i32>} : memref<32x128xf32, #tpu.memory_space<vmem>>, vector<16xf32>,
      tpu.vector_store %arg24[%swap3A_87, %swap3A_88], %broadcast_in_dim3A_11 {strides = array<i32>} : memref<32x128xf32, #tpu.memory_space<vmem>>, vector<16xf32>,
      %scan3A_90 = arith.constant 0 : i32
      scf.yield %scan3A_90 : i32
    }
    %scan3A_17 = arith.constant 32 : i32
    %eq3A = arith.constant 0 : i32
    %eq3A_18 = arith.cmpi eq, %arg1, %eq3A : i32
    %convert_element_type3A = arith.extui %eq3A_18 : i1 to i32
    %cond3A = arith.constant 0 : i32
    %cond3A_19 = arith.cmpi ne, %convert_element_type3A, %cond3A : i32
    scf.if %cond3A_19 {
      %scan3A_65 = arith.constant 0 : i32
      %scan3A_66 = arith.constant 0 : i32
      %scan3A_67 = arith.constant 627 : i32
      %scan3A_68 = arith.addi %scan3A_66, %scan3A_67 : i32
      %scan3A_69 = arith.constant 1 : i32
      %scan3A_70 = scf.for %scan3A_72 = %scan3A_66 to %scan3A_68 step %scan3A_69 iter_args(%scan3A_73 = %scan3A_65) -> (i32)  : i32 {
        %mul3A_74 = arith.constant 16 : i32
        %mul3A_75 = arith.muli %scan3A_72, %mul3A_74 : i32
        %swap3A = arith.index_cast %mul3A_75 : i32 to index
        %swap3A_76 = tpu.vector_load %arg17[%swap3A] {strides = array<i32>} : memref<10032xf32, #tpu.memory_space<vmem>>, vector<16xf32>,
        tpu.vector_store %arg17[%swap3A], %broadcast_in_dim3A_11 {strides = array<i32>} : memref<10032xf32, #tpu.memory_space<vmem>>, vector<16xf32>,
        %scan3A_77 = arith.constant 0 : i32
        scf.yield %scan3A_77 : i32
      }
      %scan3A_71 = arith.constant 627 : i32
      "tpu.region"() ({
        %run_scoped3A = tpu.sem_alloc : memref<!tpu.dma_semaphore, #tpu.memory_space<semaphore_mem>>
        %dma_start3A_72 = arith.constant 0 : i32
        %dma_start3A_73 = tpu.memref_slice %arg17[%dma_start3A_72] : memref<10032xf32, #tpu.memory_space<vmem>> -> memref<10000xf32, #tpu.memory_space<vmem>>
        %dma_start3A_74 = arith.constant 0 : i32
        %dma_start3A_75 = tpu.memref_slice %arg17[%dma_start3A_74] : memref<10032xf32, #tpu.memory_space<vmem>> -> memref<10000xf32, #tpu.memory_space<vmem>>
        tpu.enqueue_dma source(%dma_start3A_75 : memref<10000xf32, #tpu.memory_space<vmem>>) target(%arg26 : memref<10000xf32, #tpu.memory_space<vmem_shared>>) target_semaphore(%run_scoped3A : memref<!tpu.dma_semaphore, #tpu.memory_space<semaphore_mem>>)
        %dma_wait3A_76 = arith.constant 0 : i32
        %dma_wait3A_77 = tpu.memref_slice %arg17[%dma_wait3A_76] : memref<10032xf32, #tpu.memory_space<vmem>> -> memref<10000xf32, #tpu.memory_space<vmem>>
        %dma_wait3A_78 = arith.constant 0 : i32
        %dma_wait3A_79 = tpu.memref_slice %arg17[%dma_wait3A_78] : memref<10032xf32, #tpu.memory_space<vmem>> -> memref<10000xf32, #tpu.memory_space<vmem>>
        tpu.wait_dma2 semaphore(%run_scoped3A : memref<!tpu.dma_semaphore, #tpu.memory_space<semaphore_mem>>) src(%dma_wait3A_79 : memref<10000xf32, #tpu.memory_space<vmem>>) dst(%arg26 : memref<10000xf32, #tpu.memory_space<vmem_shared>>)
        tpu.yield
      }) : () -> ()
    } else {
    }
    %lt3A_20 = arith.constant 10 : i32
    %lt3A_21 = arith.cmpi slt, %arg1, %lt3A_20 : i32
    %convert_element_type3A_22 = arith.extui %lt3A_21 : i1 to i32
    %cond3A_23 = arith.constant 0 : i32
    %cond3A_24 = arith.cmpi ne, %convert_element_type3A_22, %cond3A_23 : i32
    scf.if %cond3A_24 {
      %mul3A_65 = arith.constant 1000 : i32
      %mul3A_66 = arith.muli %arg1, %mul3A_65 : i32
      %add3A_67 = arith.constant 0 : i32
      %add3A_68 = arith.addi %mul3A_66, %add3A_67 : i32
      "tpu.region"() ({
        %run_scoped3A = tpu.sem_alloc : memref<!tpu.dma_semaphore, #tpu.memory_space<semaphore_mem>>
        %dma_start3A_193 = arith.constant 0 : i32
        %dma_start3A_194 = arith.constant 0 : i32
        %dma_start3A_195 = tpu.memref_slice %arg24[%dma_start3A_193, %dma_start3A_194] : memref<32x128xf32, #tpu.memory_space<vmem>> -> memref<32x128xf32, #tpu.memory_space<vmem>>
        %dma_start3A_196 = arith.constant 0 : i32
        %dma_start3A_197 = tpu.memref_slice %arg27[%add3A_68, %dma_start3A_196] : memref<10000x128xf32, #tpu.memory_space<vmem_shared>> -> memref<32x128xf32, #tpu.memory_space<vmem_shared>>
        %dma_start3A_198 = arith.constant 0 : i32
        %dma_start3A_199 = tpu.memref_slice %arg27[%add3A_68, %dma_start3A_198] : memref<10000x128xf32, #tpu.memory_space<vmem_shared>> -> memref<32x128xf32, #tpu.memory_space<vmem_shared>>
        %dma_start3A_200 = arith.constant 0 : i32
        %dma_start3A_201 = arith.constant 0 : i32
        %dma_start3A_202 = tpu.memref_slice %arg24[%dma_start3A_200, %dma_start3A_201] : memref<32x128xf32, #tpu.memory_space<vmem>> -> memref<32x128xf32, #tpu.memory_space<vmem>>
        tpu.enqueue_dma source(%dma_start3A_202 : memref<32x128xf32, #tpu.memory_space<vmem>>) target(%dma_start3A_199 : memref<32x128xf32, #tpu.memory_space<vmem_shared>>) target_semaphore(%run_scoped3A : memref<!tpu.dma_semaphore, #tpu.memory_space<semaphore_mem>>)
        %dma_wait3A_203 = arith.constant 0 : i32
        %dma_wait3A_204 = arith.constant 0 : i32
        %dma_wait3A_205 = tpu.memref_slice %arg24[%dma_wait3A_203, %dma_wait3A_204] : memref<32x128xf32, #tpu.memory_space<vmem>> -> memref<32x128xf32, #tpu.memory_space<vmem>>
        %dma_wait3A_206 = arith.constant 0 : i32
        %dma_wait3A_207 = tpu.memref_slice %arg27[%add3A_68, %dma_wait3A_206] : memref<10000x128xf32, #tpu.memory_space<vmem_shared>> -> memref<32x128xf32, #tpu.memory_space<vmem_shared>>
        %dma_wait3A_208 = arith.constant 0 : i32
        %dma_wait3A_209 = tpu.memref_slice %arg27[%add3A_68, %dma_wait3A_208] : memref<10000x128xf32, #tpu.memory_space<vmem_shared>> -> memref<32x128xf32, #tpu.memory_space<vmem_shared>>
        %dma_wait3A_210 = arith.constant 0 : i32
        %dma_wait3A_211 = arith.constant 0 : i32
        %dma_wait3A_212 = tpu.memref_slice %arg24[%dma_wait3A_210, %dma_wait3A_211] : memref<32x128xf32, #tpu.memory_space<vmem>> -> memref<32x128xf32, #tpu.memory_space<vmem>>
        tpu.wait_dma2 semaphore(%run_scoped3A : memref<!tpu.dma_semaphore, #tpu.memory_space<semaphore_mem>>) src(%dma_wait3A_212 : memref<32x128xf32, #tpu.memory_space<vmem>>) dst(%dma_wait3A_209 : memref<32x128xf32, #tpu.memory_space<vmem_shared>>)
        tpu.yield
      }) : () -> ()
      %mul3A_69 = arith.constant 1000 : i32
      %mul3A_70 = arith.muli %arg1, %mul3A_69 : i32
      %add3A_71 = arith.constant 32 : i32
      %add3A_72 = arith.addi %mul3A_70, %add3A_71 : i32
      "tpu.region"() ({
        %run_scoped3A = tpu.sem_alloc : memref<!tpu.dma_semaphore, #tpu.memory_space<semaphore_mem>>
        %dma_start3A_193 = arith.constant 0 : i32
        %dma_start3A_194 = arith.constant 0 : i32
        %dma_start3A_195 = tpu.memref_slice %arg24[%dma_start3A_193, %dma_start3A_194] : memref<32x128xf32, #tpu.memory_space<vmem>> -> memref<32x128xf32, #tpu.memory_space<vmem>>
        %dma_start3A_196 = arith.constant 0 : i32
        %dma_start3A_197 = tpu.memref_slice %arg27[%add3A_72, %dma_start3A_196] : memref<10000x128xf32, #tpu.memory_space<vmem_shared>> -> memref<32x128xf32, #tpu.memory_space<vmem_shared>>
        %dma_start3A_198 = arith.constant 0 : i32
        %dma_start3A_199 = tpu.memref_slice %arg27[%add3A_72, %dma_start3A_198] : memref<10000x128xf32, #tpu.memory_space<vmem_shared>> -> memref<32x128xf32, #tpu.memory_space<vmem_shared>>
        %dma_start3A_200 = arith.constant 0 : i32
        %dma_start3A_201 = arith.constant 0 : i32
        %dma_start3A_202 = tpu.memref_slice %arg24[%dma_start3A_200, %dma_start3A_201] : memref<32x128xf32, #tpu.memory_space<vmem>> -> memref<32x128xf32, #tpu.memory_space<vmem>>
        tpu.enqueue_dma source(%dma_start3A_202 : memref<32x128xf32, #tpu.memory_space<vmem>>) target(%dma_start3A_199 : memref<32x128xf32, #tpu.memory_space<vmem_shared>>) target_semaphore(%run_scoped3A : memref<!tpu.dma_semaphore, #tpu.memory_space<semaphore_mem>>)
        %dma_wait3A_203 = arith.constant 0 : i32
        %dma_wait3A_204 = arith.constant 0 : i32
        %dma_wait3A_205 = tpu.memref_slice %arg24[%dma_wait3A_203, %dma_wait3A_204] : memref<32x128xf32, #tpu.memory_space<vmem>> -> memref<32x128xf32, #tpu.memory_space<vmem>>
        %dma_wait3A_206 = arith.constant 0 : i32
        %dma_wait3A_207 = tpu.memref_slice %arg27[%add3A_72, %dma_wait3A_206] : memref<10000x128xf32, #tpu.memory_space<vmem_shared>> -> memref<32x128xf32, #tpu.memory_space<vmem_shared>>
        %dma_wait3A_208 = arith.constant 0 : i32
        %dma_wait3A_209 = tpu.memref_slice %arg27[%add3A_72, %dma_wait3A_208] : memref<10000x128xf32, #tpu.memory_space<vmem_shared>> -> memref<32x128xf32, #tpu.memory_space<vmem_shared>>
        %dma_wait3A_210 = arith.constant 0 : i32
        %dma_wait3A_211 = arith.constant 0 : i32
        %dma_wait3A_212 = tpu.memref_slice %arg24[%dma_wait3A_210, %dma_wait3A_211] : memref<32x128xf32, #tpu.memory_space<vmem>> -> memref<32x128xf32, #tpu.memory_space<vmem>>
        tpu.wait_dma2 semaphore(%run_scoped3A : memref<!tpu.dma_semaphore, #tpu.memory_space<semaphore_mem>>) src(%dma_wait3A_212 : memref<32x128xf32, #tpu.memory_space<vmem>>) dst(%dma_wait3A_209 : memref<32x128xf32, #tpu.memory_space<vmem_shared>>)
        tpu.yield
      }) : () -> ()
      %mul3A_73 = arith.constant 1000 : i32
      %mul3A_74 = arith.muli %arg1, %mul3A_73 : i32
      %add3A_75 = arith.constant 64 : i32
      %add3A_76 = arith.addi %mul3A_74, %add3A_75 : i32
      "tpu.region"() ({
        %run_scoped3A = tpu.sem_alloc : memref<!tpu.dma_semaphore, #tpu.memory_space<semaphore_mem>>
        %dma_start3A_193 = arith.constant 0 : i32
        %dma_start3A_194 = arith.constant 0 : i32
        %dma_start3A_195 = tpu.memref_slice %arg24[%dma_start3A_193, %dma_start3A_194] : memref<32x128xf32, #tpu.memory_space<vmem>> -> memref<32x128xf32, #tpu.memory_space<vmem>>
        %dma_start3A_196 = arith.constant 0 : i32
        %dma_start3A_197 = tpu.memref_slice %arg27[%add3A_76, %dma_start3A_196] : memref<10000x128xf32, #tpu.memory_space<vmem_shared>> -> memref<32x128xf32, #tpu.memory_space<vmem_shared>>
        %dma_start3A_198 = arith.constant 0 : i32
        %dma_start3A_199 = tpu.memref_slice %arg27[%add3A_76, %dma_start3A_198] : memref<10000x128xf32, #tpu.memory_space<vmem_shared>> -> memref<32x128xf32, #tpu.memory_space<vmem_shared>>
        %dma_start3A_200 = arith.constant 0 : i32
        %dma_start3A_201 = arith.constant 0 : i32
        %dma_start3A_202 = tpu.memref_slice %arg24[%dma_start3A_200, %dma_start3A_201] : memref<32x128xf32, #tpu.memory_space<vmem>> -> memref<32x128xf32, #tpu.memory_space<vmem>>
        tpu.enqueue_dma source(%dma_start3A_202 : memref<32x128xf32, #tpu.memory_space<vmem>>) target(%dma_start3A_199 : memref<32x128xf32, #tpu.memory_space<vmem_shared>>) target_semaphore(%run_scoped3A : memref<!tpu.dma_semaphore, #tpu.memory_space<semaphore_mem>>)
        %dma_wait3A_203 = arith.constant 0 : i32
        %dma_wait3A_204 = arith.constant 0 : i32
        %dma_wait3A_205 = tpu.memref_slice %arg24[%dma_wait3A_203, %dma_wait3A_204] : memref<32x128xf32, #tpu.memory_space<vmem>> -> memref<32x128xf32, #tpu.memory_space<vmem>>
        %dma_wait3A_206 = arith.constant 0 : i32
        %dma_wait3A_207 = tpu.memref_slice %arg27[%add3A_76, %dma_wait3A_206] : memref<10000x128xf32, #tpu.memory_space<vmem_shared>> -> memref<32x128xf32, #tpu.memory_space<vmem_shared>>
        %dma_wait3A_208 = arith.constant 0 : i32
        %dma_wait3A_209 = tpu.memref_slice %arg27[%add3A_76, %dma_wait3A_208] : memref<10000x128xf32, #tpu.memory_space<vmem_shared>> -> memref<32x128xf32, #tpu.memory_space<vmem_shared>>
        %dma_wait3A_210 = arith.constant 0 : i32
        %dma_wait3A_211 = arith.constant 0 : i32
        %dma_wait3A_212 = tpu.memref_slice %arg24[%dma_wait3A_210, %dma_wait3A_211] : memref<32x128xf32, #tpu.memory_space<vmem>> -> memref<32x128xf32, #tpu.memory_space<vmem>>
        tpu.wait_dma2 semaphore(%run_scoped3A : memref<!tpu.dma_semaphore, #tpu.memory_space<semaphore_mem>>) src(%dma_wait3A_212 : memref<32x128xf32, #tpu.memory_space<vmem>>) dst(%dma_wait3A_209 : memref<32x128xf32, #tpu.memory_space<vmem_shared>>)
        tpu.yield
      }) : () -> ()
      %mul3A_77 = arith.constant 1000 : i32
      %mul3A_78 = arith.muli %arg1, %mul3A_77 : i32
      %add3A_79 = arith.constant 96 : i32
      %add3A_80 = arith.addi %mul3A_78, %add3A_79 : i32
      "tpu.region"() ({
        %run_scoped3A = tpu.sem_alloc : memref<!tpu.dma_semaphore, #tpu.memory_space<semaphore_mem>>
        %dma_start3A_193 = arith.constant 0 : i32
        %dma_start3A_194 = arith.constant 0 : i32
        %dma_start3A_195 = tpu.memref_slice %arg24[%dma_start3A_193, %dma_start3A_194] : memref<32x128xf32, #tpu.memory_space<vmem>> -> memref<32x128xf32, #tpu.memory_space<vmem>>
        %dma_start3A_196 = arith.constant 0 : i32
        %dma_start3A_197 = tpu.memref_slice %arg27[%add3A_80, %dma_start3A_196] : memref<10000x128xf32, #tpu.memory_space<vmem_shared>> -> memref<32x128xf32, #tpu.memory_space<vmem_shared>>
        %dma_start3A_198 = arith.constant 0 : i32
        %dma_start3A_199 = tpu.memref_slice %arg27[%add3A_80, %dma_start3A_198] : memref<10000x128xf32, #tpu.memory_space<vmem_shared>> -> memref<32x128xf32, #tpu.memory_space<vmem_shared>>
        %dma_start3A_200 = arith.constant 0 : i32
        %dma_start3A_201 = arith.constant 0 : i32
        %dma_start3A_202 = tpu.memref_slice %arg24[%dma_start3A_200, %dma_start3A_201] : memref<32x128xf32, #tpu.memory_space<vmem>> -> memref<32x128xf32, #tpu.memory_space<vmem>>
        tpu.enqueue_dma source(%dma_start3A_202 : memref<32x128xf32, #tpu.memory_space<vmem>>) target(%dma_start3A_199 : memref<32x128xf32, #tpu.memory_space<vmem_shared>>) target_semaphore(%run_scoped3A : memref<!tpu.dma_semaphore, #tpu.memory_space<semaphore_mem>>)
        %dma_wait3A_203 = arith.constant 0 : i32
        %dma_wait3A_204 = arith.constant 0 : i32
        %dma_wait3A_205 = tpu.memref_slice %arg24[%dma_wait3A_203, %dma_wait3A_204] : memref<32x128xf32, #tpu.memory_space<vmem>> -> memref<32x128xf32, #tpu.memory_space<vmem>>
        %dma_wait3A_206 = arith.constant 0 : i32
        %dma_wait3A_207 = tpu.memref_slice %arg27[%add3A_80, %dma_wait3A_206] : memref<10000x128xf32, #tpu.memory_space<vmem_shared>> -> memref<32x128xf32, #tpu.memory_space<vmem_shared>>
        %dma_wait3A_208 = arith.constant 0 : i32
        %dma_wait3A_209 = tpu.memref_slice %arg27[%add3A_80, %dma_wait3A_208] : memref<10000x128xf32, #tpu.memory_space<vmem_shared>> -> memref<32x128xf32, #tpu.memory_space<vmem_shared>>
        %dma_wait3A_210 = arith.constant 0 : i32
        %dma_wait3A_211 = arith.constant 0 : i32
        %dma_wait3A_212 = tpu.memref_slice %arg24[%dma_wait3A_210, %dma_wait3A_211] : memref<32x128xf32, #tpu.memory_space<vmem>> -> memref<32x128xf32, #tpu.memory_space<vmem>>
        tpu.wait_dma2 semaphore(%run_scoped3A : memref<!tpu.dma_semaphore, #tpu.memory_space<semaphore_mem>>) src(%dma_wait3A_212 : memref<32x128xf32, #tpu.memory_space<vmem>>) dst(%dma_wait3A_209 : memref<32x128xf32, #tpu.memory_space<vmem_shared>>)
        tpu.yield
      }) : () -> ()
      %mul3A_81 = arith.constant 1000 : i32
      %mul3A_82 = arith.muli %arg1, %mul3A_81 : i32
      %add3A_83 = arith.constant 128 : i32
      %add3A_84 = arith.addi %mul3A_82, %add3A_83 : i32
      "tpu.region"() ({
        %run_scoped3A = tpu.sem_alloc : memref<!tpu.dma_semaphore, #tpu.memory_space<semaphore_mem>>
        %dma_start3A_193 = arith.constant 0 : i32
        %dma_start3A_194 = arith.constant 0 : i32
        %dma_start3A_195 = tpu.memref_slice %arg24[%dma_start3A_193, %dma_start3A_194] : memref<32x128xf32, #tpu.memory_space<vmem>> -> memref<32x128xf32, #tpu.memory_space<vmem>>
        %dma_start3A_196 = arith.constant 0 : i32
        %dma_start3A_197 = tpu.memref_slice %arg27[%add3A_84, %dma_start3A_196] : memref<10000x128xf32, #tpu.memory_space<vmem_shared>> -> memref<32x128xf32, #tpu.memory_space<vmem_shared>>
        %dma_start3A_198 = arith.constant 0 : i32
        %dma_start3A_199 = tpu.memref_slice %arg27[%add3A_84, %dma_start3A_198] : memref<10000x128xf32, #tpu.memory_space<vmem_shared>> -> memref<32x128xf32, #tpu.memory_space<vmem_shared>>
        %dma_start3A_200 = arith.constant 0 : i32
        %dma_start3A_201 = arith.constant 0 : i32
        %dma_start3A_202 = tpu.memref_slice %arg24[%dma_start3A_200, %dma_start3A_201] : memref<32x128xf32, #tpu.memory_space<vmem>> -> memref<32x128xf32, #tpu.memory_space<vmem>>
        tpu.enqueue_dma source(%dma_start3A_202 : memref<32x128xf32, #tpu.memory_space<vmem>>) target(%dma_start3A_199 : memref<32x128xf32, #tpu.memory_space<vmem_shared>>) target_semaphore(%run_scoped3A : memref<!tpu.dma_semaphore, #tpu.memory_space<semaphore_mem>>)
        %dma_wait3A_203 = arith.constant 0 : i32
        %dma_wait3A_204 = arith.constant 0 : i32
        %dma_wait3A_205 = tpu.memref_slice %arg24[%dma_wait3A_203, %dma_wait3A_204] : memref<32x128xf32, #tpu.memory_space<vmem>> -> memref<32x128xf32, #tpu.memory_space<vmem>>
        %dma_wait3A_206 = arith.constant 0 : i32
        %dma_wait3A_207 = tpu.memref_slice %arg27[%add3A_84, %dma_wait3A_206] : memref<10000x128xf32, #tpu.memory_space<vmem_shared>> -> memref<32x128xf32, #tpu.memory_space<vmem_shared>>
        %dma_wait3A_208 = arith.constant 0 : i32
        %dma_wait3A_209 = tpu.memref_slice %arg27[%add3A_84, %dma_wait3A_208] : memref<10000x128xf32, #tpu.memory_space<vmem_shared>> -> memref<32x128xf32, #tpu.memory_space<vmem_shared>>
        %dma_wait3A_210 = arith.constant 0 : i32
        %dma_wait3A_211 = arith.constant 0 : i32
        %dma_wait3A_212 = tpu.memref_slice %arg24[%dma_wait3A_210, %dma_wait3A_211] : memref<32x128xf32, #tpu.memory_space<vmem>> -> memref<32x128xf32, #tpu.memory_space<vmem>>
        tpu.wait_dma2 semaphore(%run_scoped3A : memref<!tpu.dma_semaphore, #tpu.memory_space<semaphore_mem>>) src(%dma_wait3A_212 : memref<32x128xf32, #tpu.memory_space<vmem>>) dst(%dma_wait3A_209 : memref<32x128xf32, #tpu.memory_space<vmem_shared>>)
        tpu.yield
      }) : () -> ()
      %mul3A_85 = arith.constant 1000 : i32
      %mul3A_86 = arith.muli %arg1, %mul3A_85 : i32
      %add3A_87 = arith.constant 160 : i32
      %add3A_88 = arith.addi %mul3A_86, %add3A_87 : i32
      "tpu.region"() ({
        %run_scoped3A = tpu.sem_alloc : memref<!tpu.dma_semaphore, #tpu.memory_space<semaphore_mem>>
        %dma_start3A_193 = arith.constant 0 : i32
        %dma_start3A_194 = arith.constant 0 : i32
        %dma_start3A_195 = tpu.memref_slice %arg24[%dma_start3A_193, %dma_start3A_194] : memref<32x128xf32, #tpu.memory_space<vmem>> -> memref<32x128xf32, #tpu.memory_space<vmem>>
        %dma_start3A_196 = arith.constant 0 : i32
        %dma_start3A_197 = tpu.memref_slice %arg27[%add3A_88, %dma_start3A_196] : memref<10000x128xf32, #tpu.memory_space<vmem_shared>> -> memref<32x128xf32, #tpu.memory_space<vmem_shared>>
        %dma_start3A_198 = arith.constant 0 : i32
        %dma_start3A_199 = tpu.memref_slice %arg27[%add3A_88, %dma_start3A_198] : memref<10000x128xf32, #tpu.memory_space<vmem_shared>> -> memref<32x128xf32, #tpu.memory_space<vmem_shared>>
        %dma_start3A_200 = arith.constant 0 : i32
        %dma_start3A_201 = arith.constant 0 : i32
        %dma_start3A_202 = tpu.memref_slice %arg24[%dma_start3A_200, %dma_start3A_201] : memref<32x128xf32, #tpu.memory_space<vmem>> -> memref<32x128xf32, #tpu.memory_space<vmem>>
        tpu.enqueue_dma source(%dma_start3A_202 : memref<32x128xf32, #tpu.memory_space<vmem>>) target(%dma_start3A_199 : memref<32x128xf32, #tpu.memory_space<vmem_shared>>) target_semaphore(%run_scoped3A : memref<!tpu.dma_semaphore, #tpu.memory_space<semaphore_mem>>)
        %dma_wait3A_203 = arith.constant 0 : i32
        %dma_wait3A_204 = arith.constant 0 : i32
        %dma_wait3A_205 = tpu.memref_slice %arg24[%dma_wait3A_203, %dma_wait3A_204] : memref<32x128xf32, #tpu.memory_space<vmem>> -> memref<32x128xf32, #tpu.memory_space<vmem>>
        %dma_wait3A_206 = arith.constant 0 : i32
        %dma_wait3A_207 = tpu.memref_slice %arg27[%add3A_88, %dma_wait3A_206] : memref<10000x128xf32, #tpu.memory_space<vmem_shared>> -> memref<32x128xf32, #tpu.memory_space<vmem_shared>>
        %dma_wait3A_208 = arith.constant 0 : i32
        %dma_wait3A_209 = tpu.memref_slice %arg27[%add3A_88, %dma_wait3A_208] : memref<10000x128xf32, #tpu.memory_space<vmem_shared>> -> memref<32x128xf32, #tpu.memory_space<vmem_shared>>
        %dma_wait3A_210 = arith.constant 0 : i32
        %dma_wait3A_211 = arith.constant 0 : i32
        %dma_wait3A_212 = tpu.memref_slice %arg24[%dma_wait3A_210, %dma_wait3A_211] : memref<32x128xf32, #tpu.memory_space<vmem>> -> memref<32x128xf32, #tpu.memory_space<vmem>>
        tpu.wait_dma2 semaphore(%run_scoped3A : memref<!tpu.dma_semaphore, #tpu.memory_space<semaphore_mem>>) src(%dma_wait3A_212 : memref<32x128xf32, #tpu.memory_space<vmem>>) dst(%dma_wait3A_209 : memref<32x128xf32, #tpu.memory_space<vmem_shared>>)
        tpu.yield
      }) : () -> ()
      %mul3A_89 = arith.constant 1000 : i32
      %mul3A_90 = arith.muli %arg1, %mul3A_89 : i32
      %add3A_91 = arith.constant 192 : i32
      %add3A_92 = arith.addi %mul3A_90, %add3A_91 : i32
      "tpu.region"() ({
        %run_scoped3A = tpu.sem_alloc : memref<!tpu.dma_semaphore, #tpu.memory_space<semaphore_mem>>
        %dma_start3A_193 = arith.constant 0 : i32
        %dma_start3A_194 = arith.constant 0 : i32
        %dma_start3A_195 = tpu.memref_slice %arg24[%dma_start3A_193, %dma_start3A_194] : memref<32x128xf32, #tpu.memory_space<vmem>> -> memref<32x128xf32, #tpu.memory_space<vmem>>
        %dma_start3A_196 = arith.constant 0 : i32
        %dma_start3A_197 = tpu.memref_slice %arg27[%add3A_92, %dma_start3A_196] : memref<10000x128xf32, #tpu.memory_space<vmem_shared>> -> memref<32x128xf32, #tpu.memory_space<vmem_shared>>
        %dma_start3A_198 = arith.constant 0 : i32
        %dma_start3A_199 = tpu.memref_slice %arg27[%add3A_92, %dma_start3A_198] : memref<10000x128xf32, #tpu.memory_space<vmem_shared>> -> memref<32x128xf32, #tpu.memory_space<vmem_shared>>
        %dma_start3A_200 = arith.constant 0 : i32
        %dma_start3A_201 = arith.constant 0 : i32
        %dma_start3A_202 = tpu.memref_slice %arg24[%dma_start3A_200, %dma_start3A_201] : memref<32x128xf32, #tpu.memory_space<vmem>> -> memref<32x128xf32, #tpu.memory_space<vmem>>
        tpu.enqueue_dma source(%dma_start3A_202 : memref<32x128xf32, #tpu.memory_space<vmem>>) target(%dma_start3A_199 : memref<32x128xf32, #tpu.memory_space<vmem_shared>>) target_semaphore(%run_scoped3A : memref<!tpu.dma_semaphore, #tpu.memory_space<semaphore_mem>>)
        %dma_wait3A_203 = arith.constant 0 : i32
        %dma_wait3A_204 = arith.constant 0 : i32
        %dma_wait3A_205 = tpu.memref_slice %arg24[%dma_wait3A_203, %dma_wait3A_204] : memref<32x128xf32, #tpu.memory_space<vmem>> -> memref<32x128xf32, #tpu.memory_space<vmem>>
        %dma_wait3A_206 = arith.constant 0 : i32
        %dma_wait3A_207 = tpu.memref_slice %arg27[%add3A_92, %dma_wait3A_206] : memref<10000x128xf32, #tpu.memory_space<vmem_shared>> -> memref<32x128xf32, #tpu.memory_space<vmem_shared>>
        %dma_wait3A_208 = arith.constant 0 : i32
        %dma_wait3A_209 = tpu.memref_slice %arg27[%add3A_92, %dma_wait3A_208] : memref<10000x128xf32, #tpu.memory_space<vmem_shared>> -> memref<32x128xf32, #tpu.memory_space<vmem_shared>>
        %dma_wait3A_210 = arith.constant 0 : i32
        %dma_wait3A_211 = arith.constant 0 : i32
        %dma_wait3A_212 = tpu.memref_slice %arg24[%dma_wait3A_210, %dma_wait3A_211] : memref<32x128xf32, #tpu.memory_space<vmem>> -> memref<32x128xf32, #tpu.memory_space<vmem>>
        tpu.wait_dma2 semaphore(%run_scoped3A : memref<!tpu.dma_semaphore, #tpu.memory_space<semaphore_mem>>) src(%dma_wait3A_212 : memref<32x128xf32, #tpu.memory_space<vmem>>) dst(%dma_wait3A_209 : memref<32x128xf32, #tpu.memory_space<vmem_shared>>)
        tpu.yield
      }) : () -> ()
      %mul3A_93 = arith.constant 1000 : i32
      %mul3A_94 = arith.muli %arg1, %mul3A_93 : i32
      %add3A_95 = arith.constant 224 : i32
      %add3A_96 = arith.addi %mul3A_94, %add3A_95 : i32
      "tpu.region"() ({
        %run_scoped3A = tpu.sem_alloc : memref<!tpu.dma_semaphore, #tpu.memory_space<semaphore_mem>>
        %dma_start3A_193 = arith.constant 0 : i32
        %dma_start3A_194 = arith.constant 0 : i32
        %dma_start3A_195 = tpu.memref_slice %arg24[%dma_start3A_193, %dma_start3A_194] : memref<32x128xf32, #tpu.memory_space<vmem>> -> memref<32x128xf32, #tpu.memory_space<vmem>>
        %dma_start3A_196 = arith.constant 0 : i32
        %dma_start3A_197 = tpu.memref_slice %arg27[%add3A_96, %dma_start3A_196] : memref<10000x128xf32, #tpu.memory_space<vmem_shared>> -> memref<32x128xf32, #tpu.memory_space<vmem_shared>>
        %dma_start3A_198 = arith.constant 0 : i32
        %dma_start3A_199 = tpu.memref_slice %arg27[%add3A_96, %dma_start3A_198] : memref<10000x128xf32, #tpu.memory_space<vmem_shared>> -> memref<32x128xf32, #tpu.memory_space<vmem_shared>>
        %dma_start3A_200 = arith.constant 0 : i32
        %dma_start3A_201 = arith.constant 0 : i32
        %dma_start3A_202 = tpu.memref_slice %arg24[%dma_start3A_200, %dma_start3A_201] : memref<32x128xf32, #tpu.memory_space<vmem>> -> memref<32x128xf32, #tpu.memory_space<vmem>>
        tpu.enqueue_dma source(%dma_start3A_202 : memref<32x128xf32, #tpu.memory_space<vmem>>) target(%dma_start3A_199 : memref<32x128xf32, #tpu.memory_space<vmem_shared>>) target_semaphore(%run_scoped3A : memref<!tpu.dma_semaphore, #tpu.memory_space<semaphore_mem>>)
        %dma_wait3A_203 = arith.constant 0 : i32
        %dma_wait3A_204 = arith.constant 0 : i32
        %dma_wait3A_205 = tpu.memref_slice %arg24[%dma_wait3A_203, %dma_wait3A_204] : memref<32x128xf32, #tpu.memory_space<vmem>> -> memref<32x128xf32, #tpu.memory_space<vmem>>
        %dma_wait3A_206 = arith.constant 0 : i32
        %dma_wait3A_207 = tpu.memref_slice %arg27[%add3A_96, %dma_wait3A_206] : memref<10000x128xf32, #tpu.memory_space<vmem_shared>> -> memref<32x128xf32, #tpu.memory_space<vmem_shared>>
        %dma_wait3A_208 = arith.constant 0 : i32
        %dma_wait3A_209 = tpu.memref_slice %arg27[%add3A_96, %dma_wait3A_208] : memref<10000x128xf32, #tpu.memory_space<vmem_shared>> -> memref<32x128xf32, #tpu.memory_space<vmem_shared>>
        %dma_wait3A_210 = arith.constant 0 : i32
        %dma_wait3A_211 = arith.constant 0 : i32
        %dma_wait3A_212 = tpu.memref_slice %arg24[%dma_wait3A_210, %dma_wait3A_211] : memref<32x128xf32, #tpu.memory_space<vmem>> -> memref<32x128xf32, #tpu.memory_space<vmem>>
        tpu.wait_dma2 semaphore(%run_scoped3A : memref<!tpu.dma_semaphore, #tpu.memory_space<semaphore_mem>>) src(%dma_wait3A_212 : memref<32x128xf32, #tpu.memory_space<vmem>>) dst(%dma_wait3A_209 : memref<32x128xf32, #tpu.memory_space<vmem_shared>>)
        tpu.yield
      }) : () -> ()
      %mul3A_97 = arith.constant 1000 : i32
      %mul3A_98 = arith.muli %arg1, %mul3A_97 : i32
      %add3A_99 = arith.constant 256 : i32
      %add3A_100 = arith.addi %mul3A_98, %add3A_99 : i32
      "tpu.region"() ({
        %run_scoped3A = tpu.sem_alloc : memref<!tpu.dma_semaphore, #tpu.memory_space<semaphore_mem>>
        %dma_start3A_193 = arith.constant 0 : i32
        %dma_start3A_194 = arith.constant 0 : i32
        %dma_start3A_195 = tpu.memref_slice %arg24[%dma_start3A_193, %dma_start3A_194] : memref<32x128xf32, #tpu.memory_space<vmem>> -> memref<32x128xf32, #tpu.memory_space<vmem>>
        %dma_start3A_196 = arith.constant 0 : i32
        %dma_start3A_197 = tpu.memref_slice %arg27[%add3A_100, %dma_start3A_196] : memref<10000x128xf32, #tpu.memory_space<vmem_shared>> -> memref<32x128xf32, #tpu.memory_space<vmem_shared>>
        %dma_start3A_198 = arith.constant 0 : i32
        %dma_start3A_199 = tpu.memref_slice %arg27[%add3A_100, %dma_start3A_198] : memref<10000x128xf32, #tpu.memory_space<vmem_shared>> -> memref<32x128xf32, #tpu.memory_space<vmem_shared>>
        %dma_start3A_200 = arith.constant 0 : i32
        %dma_start3A_201 = arith.constant 0 : i32
        %dma_start3A_202 = tpu.memref_slice %arg24[%dma_start3A_200, %dma_start3A_201] : memref<32x128xf32, #tpu.memory_space<vmem>> -> memref<32x128xf32, #tpu.memory_space<vmem>>
        tpu.enqueue_dma source(%dma_start3A_202 : memref<32x128xf32, #tpu.memory_space<vmem>>) target(%dma_start3A_199 : memref<32x128xf32, #tpu.memory_space<vmem_shared>>) target_semaphore(%run_scoped3A : memref<!tpu.dma_semaphore, #tpu.memory_space<semaphore_mem>>)
        %dma_wait3A_203 = arith.constant 0 : i32
        %dma_wait3A_204 = arith.constant 0 : i32
        %dma_wait3A_205 = tpu.memref_slice %arg24[%dma_wait3A_203, %dma_wait3A_204] : memref<32x128xf32, #tpu.memory_space<vmem>> -> memref<32x128xf32, #tpu.memory_space<vmem>>
        %dma_wait3A_206 = arith.constant 0 : i32
        %dma_wait3A_207 = tpu.memref_slice %arg27[%add3A_100, %dma_wait3A_206] : memref<10000x128xf32, #tpu.memory_space<vmem_shared>> -> memref<32x128xf32, #tpu.memory_space<vmem_shared>>
        %dma_wait3A_208 = arith.constant 0 : i32
        %dma_wait3A_209 = tpu.memref_slice %arg27[%add3A_100, %dma_wait3A_208] : memref<10000x128xf32, #tpu.memory_space<vmem_shared>> -> memref<32x128xf32, #tpu.memory_space<vmem_shared>>
        %dma_wait3A_210 = arith.constant 0 : i32
        %dma_wait3A_211 = arith.constant 0 : i32
        %dma_wait3A_212 = tpu.memref_slice %arg24[%dma_wait3A_210, %dma_wait3A_211] : memref<32x128xf32, #tpu.memory_space<vmem>> -> memref<32x128xf32, #tpu.memory_space<vmem>>
        tpu.wait_dma2 semaphore(%run_scoped3A : memref<!tpu.dma_semaphore, #tpu.memory_space<semaphore_mem>>) src(%dma_wait3A_212 : memref<32x128xf32, #tpu.memory_space<vmem>>) dst(%dma_wait3A_209 : memref<32x128xf32, #tpu.memory_space<vmem_shared>>)
        tpu.yield
      }) : () -> ()
      %mul3A_101 = arith.constant 1000 : i32
      %mul3A_102 = arith.muli %arg1, %mul3A_101 : i32
      %add3A_103 = arith.constant 288 : i32
      %add3A_104 = arith.addi %mul3A_102, %add3A_103 : i32
      "tpu.region"() ({
        %run_scoped3A = tpu.sem_alloc : memref<!tpu.dma_semaphore, #tpu.memory_space<semaphore_mem>>
        %dma_start3A_193 = arith.constant 0 : i32
        %dma_start3A_194 = arith.constant 0 : i32
        %dma_start3A_195 = tpu.memref_slice %arg24[%dma_start3A_193, %dma_start3A_194] : memref<32x128xf32, #tpu.memory_space<vmem>> -> memref<32x128xf32, #tpu.memory_space<vmem>>
        %dma_start3A_196 = arith.constant 0 : i32
        %dma_start3A_197 = tpu.memref_slice %arg27[%add3A_104, %dma_start3A_196] : memref<10000x128xf32, #tpu.memory_space<vmem_shared>> -> memref<32x128xf32, #tpu.memory_space<vmem_shared>>
        %dma_start3A_198 = arith.constant 0 : i32
        %dma_start3A_199 = tpu.memref_slice %arg27[%add3A_104, %dma_start3A_198] : memref<10000x128xf32, #tpu.memory_space<vmem_shared>> -> memref<32x128xf32, #tpu.memory_space<vmem_shared>>
        %dma_start3A_200 = arith.constant 0 : i32
        %dma_start3A_201 = arith.constant 0 : i32
        %dma_start3A_202 = tpu.memref_slice %arg24[%dma_start3A_200, %dma_start3A_201] : memref<32x128xf32, #tpu.memory_space<vmem>> -> memref<32x128xf32, #tpu.memory_space<vmem>>
        tpu.enqueue_dma source(%dma_start3A_202 : memref<32x128xf32, #tpu.memory_space<vmem>>) target(%dma_start3A_199 : memref<32x128xf32, #tpu.memory_space<vmem_shared>>) target_semaphore(%run_scoped3A : memref<!tpu.dma_semaphore, #tpu.memory_space<semaphore_mem>>)
        %dma_wait3A_203 = arith.constant 0 : i32
        %dma_wait3A_204 = arith.constant 0 : i32
        %dma_wait3A_205 = tpu.memref_slice %arg24[%dma_wait3A_203, %dma_wait3A_204] : memref<32x128xf32, #tpu.memory_space<vmem>> -> memref<32x128xf32, #tpu.memory_space<vmem>>
        %dma_wait3A_206 = arith.constant 0 : i32
        %dma_wait3A_207 = tpu.memref_slice %arg27[%add3A_104, %dma_wait3A_206] : memref<10000x128xf32, #tpu.memory_space<vmem_shared>> -> memref<32x128xf32, #tpu.memory_space<vmem_shared>>
        %dma_wait3A_208 = arith.constant 0 : i32
        %dma_wait3A_209 = tpu.memref_slice %arg27[%add3A_104, %dma_wait3A_208] : memref<10000x128xf32, #tpu.memory_space<vmem_shared>> -> memref<32x128xf32, #tpu.memory_space<vmem_shared>>
        %dma_wait3A_210 = arith.constant 0 : i32
        %dma_wait3A_211 = arith.constant 0 : i32
        %dma_wait3A_212 = tpu.memref_slice %arg24[%dma_wait3A_210, %dma_wait3A_211] : memref<32x128xf32, #tpu.memory_space<vmem>> -> memref<32x128xf32, #tpu.memory_space<vmem>>
        tpu.wait_dma2 semaphore(%run_scoped3A : memref<!tpu.dma_semaphore, #tpu.memory_space<semaphore_mem>>) src(%dma_wait3A_212 : memref<32x128xf32, #tpu.memory_space<vmem>>) dst(%dma_wait3A_209 : memref<32x128xf32, #tpu.memory_space<vmem_shared>>)
        tpu.yield
      }) : () -> ()
      %mul3A_105 = arith.constant 1000 : i32
      %mul3A_106 = arith.muli %arg1, %mul3A_105 : i32
      %add3A_107 = arith.constant 320 : i32
      %add3A_108 = arith.addi %mul3A_106, %add3A_107 : i32
      "tpu.region"() ({
        %run_scoped3A = tpu.sem_alloc : memref<!tpu.dma_semaphore, #tpu.memory_space<semaphore_mem>>
        %dma_start3A_193 = arith.constant 0 : i32
        %dma_start3A_194 = arith.constant 0 : i32
        %dma_start3A_195 = tpu.memref_slice %arg24[%dma_start3A_193, %dma_start3A_194] : memref<32x128xf32, #tpu.memory_space<vmem>> -> memref<32x128xf32, #tpu.memory_space<vmem>>
        %dma_start3A_196 = arith.constant 0 : i32
        %dma_start3A_197 = tpu.memref_slice %arg27[%add3A_108, %dma_start3A_196] : memref<10000x128xf32, #tpu.memory_space<vmem_shared>> -> memref<32x128xf32, #tpu.memory_space<vmem_shared>>
        %dma_start3A_198 = arith.constant 0 : i32
        %dma_start3A_199 = tpu.memref_slice %arg27[%add3A_108, %dma_start3A_198] : memref<10000x128xf32, #tpu.memory_space<vmem_shared>> -> memref<32x128xf32, #tpu.memory_space<vmem_shared>>
        %dma_start3A_200 = arith.constant 0 : i32
        %dma_start3A_201 = arith.constant 0 : i32
        %dma_start3A_202 = tpu.memref_slice %arg24[%dma_start3A_200, %dma_start3A_201] : memref<32x128xf32, #tpu.memory_space<vmem>> -> memref<32x128xf32, #tpu.memory_space<vmem>>
        tpu.enqueue_dma source(%dma_start3A_202 : memref<32x128xf32, #tpu.memory_space<vmem>>) target(%dma_start3A_199 : memref<32x128xf32, #tpu.memory_space<vmem_shared>>) target_semaphore(%run_scoped3A : memref<!tpu.dma_semaphore, #tpu.memory_space<semaphore_mem>>)
        %dma_wait3A_203 = arith.constant 0 : i32
        %dma_wait3A_204 = arith.constant 0 : i32
        %dma_wait3A_205 = tpu.memref_slice %arg24[%dma_wait3A_203, %dma_wait3A_204] : memref<32x128xf32, #tpu.memory_space<vmem>> -> memref<32x128xf32, #tpu.memory_space<vmem>>
        %dma_wait3A_206 = arith.constant 0 : i32
        %dma_wait3A_207 = tpu.memref_slice %arg27[%add3A_108, %dma_wait3A_206] : memref<10000x128xf32, #tpu.memory_space<vmem_shared>> -> memref<32x128xf32, #tpu.memory_space<vmem_shared>>
        %dma_wait3A_208 = arith.constant 0 : i32
        %dma_wait3A_209 = tpu.memref_slice %arg27[%add3A_108, %dma_wait3A_208] : memref<10000x128xf32, #tpu.memory_space<vmem_shared>> -> memref<32x128xf32, #tpu.memory_space<vmem_shared>>
        %dma_wait3A_210 = arith.constant 0 : i32
        %dma_wait3A_211 = arith.constant 0 : i32
        %dma_wait3A_212 = tpu.memref_slice %arg24[%dma_wait3A_210, %dma_wait3A_211] : memref<32x128xf32, #tpu.memory_space<vmem>> -> memref<32x128xf32, #tpu.memory_space<vmem>>
        tpu.wait_dma2 semaphore(%run_scoped3A : memref<!tpu.dma_semaphore, #tpu.memory_space<semaphore_mem>>) src(%dma_wait3A_212 : memref<32x128xf32, #tpu.memory_space<vmem>>) dst(%dma_wait3A_209 : memref<32x128xf32, #tpu.memory_space<vmem_shared>>)
        tpu.yield
      }) : () -> ()
      %mul3A_109 = arith.constant 1000 : i32
      %mul3A_110 = arith.muli %arg1, %mul3A_109 : i32
      %add3A_111 = arith.constant 352 : i32
      %add3A_112 = arith.addi %mul3A_110, %add3A_111 : i32
      "tpu.region"() ({
        %run_scoped3A = tpu.sem_alloc : memref<!tpu.dma_semaphore, #tpu.memory_space<semaphore_mem>>
        %dma_start3A_193 = arith.constant 0 : i32
        %dma_start3A_194 = arith.constant 0 : i32
        %dma_start3A_195 = tpu.memref_slice %arg24[%dma_start3A_193, %dma_start3A_194] : memref<32x128xf32, #tpu.memory_space<vmem>> -> memref<32x128xf32, #tpu.memory_space<vmem>>
        %dma_start3A_196 = arith.constant 0 : i32
        %dma_start3A_197 = tpu.memref_slice %arg27[%add3A_112, %dma_start3A_196] : memref<10000x128xf32, #tpu.memory_space<vmem_shared>> -> memref<32x128xf32, #tpu.memory_space<vmem_shared>>
        %dma_start3A_198 = arith.constant 0 : i32
        %dma_start3A_199 = tpu.memref_slice %arg27[%add3A_112, %dma_start3A_198] : memref<10000x128xf32, #tpu.memory_space<vmem_shared>> -> memref<32x128xf32, #tpu.memory_space<vmem_shared>>
        %dma_start3A_200 = arith.constant 0 : i32
        %dma_start3A_201 = arith.constant 0 : i32
        %dma_start3A_202 = tpu.memref_slice %arg24[%dma_start3A_200, %dma_start3A_201] : memref<32x128xf32, #tpu.memory_space<vmem>> -> memref<32x128xf32, #tpu.memory_space<vmem>>
        tpu.enqueue_dma source(%dma_start3A_202 : memref<32x128xf32, #tpu.memory_space<vmem>>) target(%dma_start3A_199 : memref<32x128xf32, #tpu.memory_space<vmem_shared>>) target_semaphore(%run_scoped3A : memref<!tpu.dma_semaphore, #tpu.memory_space<semaphore_mem>>)
        %dma_wait3A_203 = arith.constant 0 : i32
        %dma_wait3A_204 = arith.constant 0 : i32
        %dma_wait3A_205 = tpu.memref_slice %arg24[%dma_wait3A_203, %dma_wait3A_204] : memref<32x128xf32, #tpu.memory_space<vmem>> -> memref<32x128xf32, #tpu.memory_space<vmem>>
        %dma_wait3A_206 = arith.constant 0 : i32
        %dma_wait3A_207 = tpu.memref_slice %arg27[%add3A_112, %dma_wait3A_206] : memref<10000x128xf32, #tpu.memory_space<vmem_shared>> -> memref<32x128xf32, #tpu.memory_space<vmem_shared>>
        %dma_wait3A_208 = arith.constant 0 : i32
        %dma_wait3A_209 = tpu.memref_slice %arg27[%add3A_112, %dma_wait3A_208] : memref<10000x128xf32, #tpu.memory_space<vmem_shared>> -> memref<32x128xf32, #tpu.memory_space<vmem_shared>>
        %dma_wait3A_210 = arith.constant 0 : i32
        %dma_wait3A_211 = arith.constant 0 : i32
        %dma_wait3A_212 = tpu.memref_slice %arg24[%dma_wait3A_210, %dma_wait3A_211] : memref<32x128xf32, #tpu.memory_space<vmem>> -> memref<32x128xf32, #tpu.memory_space<vmem>>
        tpu.wait_dma2 semaphore(%run_scoped3A : memref<!tpu.dma_semaphore, #tpu.memory_space<semaphore_mem>>) src(%dma_wait3A_212 : memref<32x128xf32, #tpu.memory_space<vmem>>) dst(%dma_wait3A_209 : memref<32x128xf32, #tpu.memory_space<vmem_shared>>)
        tpu.yield
      }) : () -> ()
      %mul3A_113 = arith.constant 1000 : i32
      %mul3A_114 = arith.muli %arg1, %mul3A_113 : i32
      %add3A_115 = arith.constant 384 : i32
      %add3A_116 = arith.addi %mul3A_114, %add3A_115 : i32
      "tpu.region"() ({
        %run_scoped3A = tpu.sem_alloc : memref<!tpu.dma_semaphore, #tpu.memory_space<semaphore_mem>>
        %dma_start3A_193 = arith.constant 0 : i32
        %dma_start3A_194 = arith.constant 0 : i32
        %dma_start3A_195 = tpu.memref_slice %arg24[%dma_start3A_193, %dma_start3A_194] : memref<32x128xf32, #tpu.memory_space<vmem>> -> memref<32x128xf32, #tpu.memory_space<vmem>>
        %dma_start3A_196 = arith.constant 0 : i32
        %dma_start3A_197 = tpu.memref_slice %arg27[%add3A_116, %dma_start3A_196] : memref<10000x128xf32, #tpu.memory_space<vmem_shared>> -> memref<32x128xf32, #tpu.memory_space<vmem_shared>>
        %dma_start3A_198 = arith.constant 0 : i32
        %dma_start3A_199 = tpu.memref_slice %arg27[%add3A_116, %dma_start3A_198] : memref<10000x128xf32, #tpu.memory_space<vmem_shared>> -> memref<32x128xf32, #tpu.memory_space<vmem_shared>>
        %dma_start3A_200 = arith.constant 0 : i32
        %dma_start3A_201 = arith.constant 0 : i32
        %dma_start3A_202 = tpu.memref_slice %arg24[%dma_start3A_200, %dma_start3A_201] : memref<32x128xf32, #tpu.memory_space<vmem>> -> memref<32x128xf32, #tpu.memory_space<vmem>>
        tpu.enqueue_dma source(%dma_start3A_202 : memref<32x128xf32, #tpu.memory_space<vmem>>) target(%dma_start3A_199 : memref<32x128xf32, #tpu.memory_space<vmem_shared>>) target_semaphore(%run_scoped3A : memref<!tpu.dma_semaphore, #tpu.memory_space<semaphore_mem>>)
        %dma_wait3A_203 = arith.constant 0 : i32
        %dma_wait3A_204 = arith.constant 0 : i32
        %dma_wait3A_205 = tpu.memref_slice %arg24[%dma_wait3A_203, %dma_wait3A_204] : memref<32x128xf32, #tpu.memory_space<vmem>> -> memref<32x128xf32, #tpu.memory_space<vmem>>
        %dma_wait3A_206 = arith.constant 0 : i32
        %dma_wait3A_207 = tpu.memref_slice %arg27[%add3A_116, %dma_wait3A_206] : memref<10000x128xf32, #tpu.memory_space<vmem_shared>> -> memref<32x128xf32, #tpu.memory_space<vmem_shared>>
        %dma_wait3A_208 = arith.constant 0 : i32
        %dma_wait3A_209 = tpu.memref_slice %arg27[%add3A_116, %dma_wait3A_208] : memref<10000x128xf32, #tpu.memory_space<vmem_shared>> -> memref<32x128xf32, #tpu.memory_space<vmem_shared>>
        %dma_wait3A_210 = arith.constant 0 : i32
        %dma_wait3A_211 = arith.constant 0 : i32
        %dma_wait3A_212 = tpu.memref_slice %arg24[%dma_wait3A_210, %dma_wait3A_211] : memref<32x128xf32, #tpu.memory_space<vmem>> -> memref<32x128xf32, #tpu.memory_space<vmem>>
        tpu.wait_dma2 semaphore(%run_scoped3A : memref<!tpu.dma_semaphore, #tpu.memory_space<semaphore_mem>>) src(%dma_wait3A_212 : memref<32x128xf32, #tpu.memory_space<vmem>>) dst(%dma_wait3A_209 : memref<32x128xf32, #tpu.memory_space<vmem_shared>>)
        tpu.yield
      }) : () -> ()
      %mul3A_117 = arith.constant 1000 : i32
      %mul3A_118 = arith.muli %arg1, %mul3A_117 : i32
      %add3A_119 = arith.constant 416 : i32
      %add3A_120 = arith.addi %mul3A_118, %add3A_119 : i32
      "tpu.region"() ({
        %run_scoped3A = tpu.sem_alloc : memref<!tpu.dma_semaphore, #tpu.memory_space<semaphore_mem>>
        %dma_start3A_193 = arith.constant 0 : i32
        %dma_start3A_194 = arith.constant 0 : i32
        %dma_start3A_195 = tpu.memref_slice %arg24[%dma_start3A_193, %dma_start3A_194] : memref<32x128xf32, #tpu.memory_space<vmem>> -> memref<32x128xf32, #tpu.memory_space<vmem>>
        %dma_start3A_196 = arith.constant 0 : i32
        %dma_start3A_197 = tpu.memref_slice %arg27[%add3A_120, %dma_start3A_196] : memref<10000x128xf32, #tpu.memory_space<vmem_shared>> -> memref<32x128xf32, #tpu.memory_space<vmem_shared>>
        %dma_start3A_198 = arith.constant 0 : i32
        %dma_start3A_199 = tpu.memref_slice %arg27[%add3A_120, %dma_start3A_198] : memref<10000x128xf32, #tpu.memory_space<vmem_shared>> -> memref<32x128xf32, #tpu.memory_space<vmem_shared>>
        %dma_start3A_200 = arith.constant 0 : i32
        %dma_start3A_201 = arith.constant 0 : i32
        %dma_start3A_202 = tpu.memref_slice %arg24[%dma_start3A_200, %dma_start3A_201] : memref<32x128xf32, #tpu.memory_space<vmem>> -> memref<32x128xf32, #tpu.memory_space<vmem>>
        tpu.enqueue_dma source(%dma_start3A_202 : memref<32x128xf32, #tpu.memory_space<vmem>>) target(%dma_start3A_199 : memref<32x128xf32, #tpu.memory_space<vmem_shared>>) target_semaphore(%run_scoped3A : memref<!tpu.dma_semaphore, #tpu.memory_space<semaphore_mem>>)
        %dma_wait3A_203 = arith.constant 0 : i32
        %dma_wait3A_204 = arith.constant 0 : i32
        %dma_wait3A_205 = tpu.memref_slice %arg24[%dma_wait3A_203, %dma_wait3A_204] : memref<32x128xf32, #tpu.memory_space<vmem>> -> memref<32x128xf32, #tpu.memory_space<vmem>>
        %dma_wait3A_206 = arith.constant 0 : i32
        %dma_wait3A_207 = tpu.memref_slice %arg27[%add3A_120, %dma_wait3A_206] : memref<10000x128xf32, #tpu.memory_space<vmem_shared>> -> memref<32x128xf32, #tpu.memory_space<vmem_shared>>
        %dma_wait3A_208 = arith.constant 0 : i32
        %dma_wait3A_209 = tpu.memref_slice %arg27[%add3A_120, %dma_wait3A_208] : memref<10000x128xf32, #tpu.memory_space<vmem_shared>> -> memref<32x128xf32, #tpu.memory_space<vmem_shared>>
        %dma_wait3A_210 = arith.constant 0 : i32
        %dma_wait3A_211 = arith.constant 0 : i32
        %dma_wait3A_212 = tpu.memref_slice %arg24[%dma_wait3A_210, %dma_wait3A_211] : memref<32x128xf32, #tpu.memory_space<vmem>> -> memref<32x128xf32, #tpu.memory_space<vmem>>
        tpu.wait_dma2 semaphore(%run_scoped3A : memref<!tpu.dma_semaphore, #tpu.memory_space<semaphore_mem>>) src(%dma_wait3A_212 : memref<32x128xf32, #tpu.memory_space<vmem>>) dst(%dma_wait3A_209 : memref<32x128xf32, #tpu.memory_space<vmem_shared>>)
        tpu.yield
      }) : () -> ()
      %mul3A_121 = arith.constant 1000 : i32
      %mul3A_122 = arith.muli %arg1, %mul3A_121 : i32
      %add3A_123 = arith.constant 448 : i32
      %add3A_124 = arith.addi %mul3A_122, %add3A_123 : i32
      "tpu.region"() ({
        %run_scoped3A = tpu.sem_alloc : memref<!tpu.dma_semaphore, #tpu.memory_space<semaphore_mem>>
        %dma_start3A_193 = arith.constant 0 : i32
        %dma_start3A_194 = arith.constant 0 : i32
        %dma_start3A_195 = tpu.memref_slice %arg24[%dma_start3A_193, %dma_start3A_194] : memref<32x128xf32, #tpu.memory_space<vmem>> -> memref<32x128xf32, #tpu.memory_space<vmem>>
        %dma_start3A_196 = arith.constant 0 : i32
        %dma_start3A_197 = tpu.memref_slice %arg27[%add3A_124, %dma_start3A_196] : memref<10000x128xf32, #tpu.memory_space<vmem_shared>> -> memref<32x128xf32, #tpu.memory_space<vmem_shared>>
        %dma_start3A_198 = arith.constant 0 : i32
        %dma_start3A_199 = tpu.memref_slice %arg27[%add3A_124, %dma_start3A_198] : memref<10000x128xf32, #tpu.memory_space<vmem_shared>> -> memref<32x128xf32, #tpu.memory_space<vmem_shared>>
        %dma_start3A_200 = arith.constant 0 : i32
        %dma_start3A_201 = arith.constant 0 : i32
        %dma_start3A_202 = tpu.memref_slice %arg24[%dma_start3A_200, %dma_start3A_201] : memref<32x128xf32, #tpu.memory_space<vmem>> -> memref<32x128xf32, #tpu.memory_space<vmem>>
        tpu.enqueue_dma source(%dma_start3A_202 : memref<32x128xf32, #tpu.memory_space<vmem>>) target(%dma_start3A_199 : memref<32x128xf32, #tpu.memory_space<vmem_shared>>) target_semaphore(%run_scoped3A : memref<!tpu.dma_semaphore, #tpu.memory_space<semaphore_mem>>)
        %dma_wait3A_203 = arith.constant 0 : i32
        %dma_wait3A_204 = arith.constant 0 : i32
        %dma_wait3A_205 = tpu.memref_slice %arg24[%dma_wait3A_203, %dma_wait3A_204] : memref<32x128xf32, #tpu.memory_space<vmem>> -> memref<32x128xf32, #tpu.memory_space<vmem>>
        %dma_wait3A_206 = arith.constant 0 : i32
        %dma_wait3A_207 = tpu.memref_slice %arg27[%add3A_124, %dma_wait3A_206] : memref<10000x128xf32, #tpu.memory_space<vmem_shared>> -> memref<32x128xf32, #tpu.memory_space<vmem_shared>>
        %dma_wait3A_208 = arith.constant 0 : i32
        %dma_wait3A_209 = tpu.memref_slice %arg27[%add3A_124, %dma_wait3A_208] : memref<10000x128xf32, #tpu.memory_space<vmem_shared>> -> memref<32x128xf32, #tpu.memory_space<vmem_shared>>
        %dma_wait3A_210 = arith.constant 0 : i32
        %dma_wait3A_211 = arith.constant 0 : i32
        %dma_wait3A_212 = tpu.memref_slice %arg24[%dma_wait3A_210, %dma_wait3A_211] : memref<32x128xf32, #tpu.memory_space<vmem>> -> memref<32x128xf32, #tpu.memory_space<vmem>>
        tpu.wait_dma2 semaphore(%run_scoped3A : memref<!tpu.dma_semaphore, #tpu.memory_space<semaphore_mem>>) src(%dma_wait3A_212 : memref<32x128xf32, #tpu.memory_space<vmem>>) dst(%dma_wait3A_209 : memref<32x128xf32, #tpu.memory_space<vmem_shared>>)
        tpu.yield
      }) : () -> ()
      %mul3A_125 = arith.constant 1000 : i32
      %mul3A_126 = arith.muli %arg1, %mul3A_125 : i32
      %add3A_127 = arith.constant 480 : i32
      %add3A_128 = arith.addi %mul3A_126, %add3A_127 : i32
      "tpu.region"() ({
        %run_scoped3A = tpu.sem_alloc : memref<!tpu.dma_semaphore, #tpu.memory_space<semaphore_mem>>
        %dma_start3A_193 = arith.constant 0 : i32
        %dma_start3A_194 = arith.constant 0 : i32
        %dma_start3A_195 = tpu.memref_slice %arg24[%dma_start3A_193, %dma_start3A_194] : memref<32x128xf32, #tpu.memory_space<vmem>> -> memref<32x128xf32, #tpu.memory_space<vmem>>
        %dma_start3A_196 = arith.constant 0 : i32
        %dma_start3A_197 = tpu.memref_slice %arg27[%add3A_128, %dma_start3A_196] : memref<10000x128xf32, #tpu.memory_space<vmem_shared>> -> memref<32x128xf32, #tpu.memory_space<vmem_shared>>
        %dma_start3A_198 = arith.constant 0 : i32
        %dma_start3A_199 = tpu.memref_slice %arg27[%add3A_128, %dma_start3A_198] : memref<10000x128xf32, #tpu.memory_space<vmem_shared>> -> memref<32x128xf32, #tpu.memory_space<vmem_shared>>
        %dma_start3A_200 = arith.constant 0 : i32
        %dma_start3A_201 = arith.constant 0 : i32
        %dma_start3A_202 = tpu.memref_slice %arg24[%dma_start3A_200, %dma_start3A_201] : memref<32x128xf32, #tpu.memory_space<vmem>> -> memref<32x128xf32, #tpu.memory_space<vmem>>
        tpu.enqueue_dma source(%dma_start3A_202 : memref<32x128xf32, #tpu.memory_space<vmem>>) target(%dma_start3A_199 : memref<32x128xf32, #tpu.memory_space<vmem_shared>>) target_semaphore(%run_scoped3A : memref<!tpu.dma_semaphore, #tpu.memory_space<semaphore_mem>>)
        %dma_wait3A_203 = arith.constant 0 : i32
        %dma_wait3A_204 = arith.constant 0 : i32
        %dma_wait3A_205 = tpu.memref_slice %arg24[%dma_wait3A_203, %dma_wait3A_204] : memref<32x128xf32, #tpu.memory_space<vmem>> -> memref<32x128xf32, #tpu.memory_space<vmem>>
        %dma_wait3A_206 = arith.constant 0 : i32
        %dma_wait3A_207 = tpu.memref_slice %arg27[%add3A_128, %dma_wait3A_206] : memref<10000x128xf32, #tpu.memory_space<vmem_shared>> -> memref<32x128xf32, #tpu.memory_space<vmem_shared>>
        %dma_wait3A_208 = arith.constant 0 : i32
        %dma_wait3A_209 = tpu.memref_slice %arg27[%add3A_128, %dma_wait3A_208] : memref<10000x128xf32, #tpu.memory_space<vmem_shared>> -> memref<32x128xf32, #tpu.memory_space<vmem_shared>>
        %dma_wait3A_210 = arith.constant 0 : i32
        %dma_wait3A_211 = arith.constant 0 : i32
        %dma_wait3A_212 = tpu.memref_slice %arg24[%dma_wait3A_210, %dma_wait3A_211] : memref<32x128xf32, #tpu.memory_space<vmem>> -> memref<32x128xf32, #tpu.memory_space<vmem>>
        tpu.wait_dma2 semaphore(%run_scoped3A : memref<!tpu.dma_semaphore, #tpu.memory_space<semaphore_mem>>) src(%dma_wait3A_212 : memref<32x128xf32, #tpu.memory_space<vmem>>) dst(%dma_wait3A_209 : memref<32x128xf32, #tpu.memory_space<vmem_shared>>)
        tpu.yield
      }) : () -> ()
      %mul3A_129 = arith.constant 1000 : i32
      %mul3A_130 = arith.muli %arg1, %mul3A_129 : i32
      %add3A_131 = arith.constant 512 : i32
      %add3A_132 = arith.addi %mul3A_130, %add3A_131 : i32
      "tpu.region"() ({
        %run_scoped3A = tpu.sem_alloc : memref<!tpu.dma_semaphore, #tpu.memory_space<semaphore_mem>>
        %dma_start3A_193 = arith.constant 0 : i32
        %dma_start3A_194 = arith.constant 0 : i32
        %dma_start3A_195 = tpu.memref_slice %arg24[%dma_start3A_193, %dma_start3A_194] : memref<32x128xf32, #tpu.memory_space<vmem>> -> memref<32x128xf32, #tpu.memory_space<vmem>>
        %dma_start3A_196 = arith.constant 0 : i32
        %dma_start3A_197 = tpu.memref_slice %arg27[%add3A_132, %dma_start3A_196] : memref<10000x128xf32, #tpu.memory_space<vmem_shared>> -> memref<32x128xf32, #tpu.memory_space<vmem_shared>>
        %dma_start3A_198 = arith.constant 0 : i32
        %dma_start3A_199 = tpu.memref_slice %arg27[%add3A_132, %dma_start3A_198] : memref<10000x128xf32, #tpu.memory_space<vmem_shared>> -> memref<32x128xf32, #tpu.memory_space<vmem_shared>>
        %dma_start3A_200 = arith.constant 0 : i32
        %dma_start3A_201 = arith.constant 0 : i32
        %dma_start3A_202 = tpu.memref_slice %arg24[%dma_start3A_200, %dma_start3A_201] : memref<32x128xf32, #tpu.memory_space<vmem>> -> memref<32x128xf32, #tpu.memory_space<vmem>>
        tpu.enqueue_dma source(%dma_start3A_202 : memref<32x128xf32, #tpu.memory_space<vmem>>) target(%dma_start3A_199 : memref<32x128xf32, #tpu.memory_space<vmem_shared>>) target_semaphore(%run_scoped3A : memref<!tpu.dma_semaphore, #tpu.memory_space<semaphore_mem>>)
        %dma_wait3A_203 = arith.constant 0 : i32
        %dma_wait3A_204 = arith.constant 0 : i32
        %dma_wait3A_205 = tpu.memref_slice %arg24[%dma_wait3A_203, %dma_wait3A_204] : memref<32x128xf32, #tpu.memory_space<vmem>> -> memref<32x128xf32, #tpu.memory_space<vmem>>
        %dma_wait3A_206 = arith.constant 0 : i32
        %dma_wait3A_207 = tpu.memref_slice %arg27[%add3A_132, %dma_wait3A_206] : memref<10000x128xf32, #tpu.memory_space<vmem_shared>> -> memref<32x128xf32, #tpu.memory_space<vmem_shared>>
        %dma_wait3A_208 = arith.constant 0 : i32
        %dma_wait3A_209 = tpu.memref_slice %arg27[%add3A_132, %dma_wait3A_208] : memref<10000x128xf32, #tpu.memory_space<vmem_shared>> -> memref<32x128xf32, #tpu.memory_space<vmem_shared>>
        %dma_wait3A_210 = arith.constant 0 : i32
        %dma_wait3A_211 = arith.constant 0 : i32
        %dma_wait3A_212 = tpu.memref_slice %arg24[%dma_wait3A_210, %dma_wait3A_211] : memref<32x128xf32, #tpu.memory_space<vmem>> -> memref<32x128xf32, #tpu.memory_space<vmem>>
        tpu.wait_dma2 semaphore(%run_scoped3A : memref<!tpu.dma_semaphore, #tpu.memory_space<semaphore_mem>>) src(%dma_wait3A_212 : memref<32x128xf32, #tpu.memory_space<vmem>>) dst(%dma_wait3A_209 : memref<32x128xf32, #tpu.memory_space<vmem_shared>>)
        tpu.yield
      }) : () -> ()
      %mul3A_133 = arith.constant 1000 : i32
      %mul3A_134 = arith.muli %arg1, %mul3A_133 : i32
      %add3A_135 = arith.constant 544 : i32
      %add3A_136 = arith.addi %mul3A_134, %add3A_135 : i32
      "tpu.region"() ({
        %run_scoped3A = tpu.sem_alloc : memref<!tpu.dma_semaphore, #tpu.memory_space<semaphore_mem>>
        %dma_start3A_193 = arith.constant 0 : i32
        %dma_start3A_194 = arith.constant 0 : i32
        %dma_start3A_195 = tpu.memref_slice %arg24[%dma_start3A_193, %dma_start3A_194] : memref<32x128xf32, #tpu.memory_space<vmem>> -> memref<32x128xf32, #tpu.memory_space<vmem>>
        %dma_start3A_196 = arith.constant 0 : i32
        %dma_start3A_197 = tpu.memref_slice %arg27[%add3A_136, %dma_start3A_196] : memref<10000x128xf32, #tpu.memory_space<vmem_shared>> -> memref<32x128xf32, #tpu.memory_space<vmem_shared>>
        %dma_start3A_198 = arith.constant 0 : i32
        %dma_start3A_199 = tpu.memref_slice %arg27[%add3A_136, %dma_start3A_198] : memref<10000x128xf32, #tpu.memory_space<vmem_shared>> -> memref<32x128xf32, #tpu.memory_space<vmem_shared>>
        %dma_start3A_200 = arith.constant 0 : i32
        %dma_start3A_201 = arith.constant 0 : i32
        %dma_start3A_202 = tpu.memref_slice %arg24[%dma_start3A_200, %dma_start3A_201] : memref<32x128xf32, #tpu.memory_space<vmem>> -> memref<32x128xf32, #tpu.memory_space<vmem>>
        tpu.enqueue_dma source(%dma_start3A_202 : memref<32x128xf32, #tpu.memory_space<vmem>>) target(%dma_start3A_199 : memref<32x128xf32, #tpu.memory_space<vmem_shared>>) target_semaphore(%run_scoped3A : memref<!tpu.dma_semaphore, #tpu.memory_space<semaphore_mem>>)
        %dma_wait3A_203 = arith.constant 0 : i32
        %dma_wait3A_204 = arith.constant 0 : i32
        %dma_wait3A_205 = tpu.memref_slice %arg24[%dma_wait3A_203, %dma_wait3A_204] : memref<32x128xf32, #tpu.memory_space<vmem>> -> memref<32x128xf32, #tpu.memory_space<vmem>>
        %dma_wait3A_206 = arith.constant 0 : i32
        %dma_wait3A_207 = tpu.memref_slice %arg27[%add3A_136, %dma_wait3A_206] : memref<10000x128xf32, #tpu.memory_space<vmem_shared>> -> memref<32x128xf32, #tpu.memory_space<vmem_shared>>
        %dma_wait3A_208 = arith.constant 0 : i32
        %dma_wait3A_209 = tpu.memref_slice %arg27[%add3A_136, %dma_wait3A_208] : memref<10000x128xf32, #tpu.memory_space<vmem_shared>> -> memref<32x128xf32, #tpu.memory_space<vmem_shared>>
        %dma_wait3A_210 = arith.constant 0 : i32
        %dma_wait3A_211 = arith.constant 0 : i32
        %dma_wait3A_212 = tpu.memref_slice %arg24[%dma_wait3A_210, %dma_wait3A_211] : memref<32x128xf32, #tpu.memory_space<vmem>> -> memref<32x128xf32, #tpu.memory_space<vmem>>
        tpu.wait_dma2 semaphore(%run_scoped3A : memref<!tpu.dma_semaphore, #tpu.memory_space<semaphore_mem>>) src(%dma_wait3A_212 : memref<32x128xf32, #tpu.memory_space<vmem>>) dst(%dma_wait3A_209 : memref<32x128xf32, #tpu.memory_space<vmem_shared>>)
        tpu.yield
      }) : () -> ()
      %mul3A_137 = arith.constant 1000 : i32
      %mul3A_138 = arith.muli %arg1, %mul3A_137 : i32
      %add3A_139 = arith.constant 576 : i32
      %add3A_140 = arith.addi %mul3A_138, %add3A_139 : i32
      "tpu.region"() ({
        %run_scoped3A = tpu.sem_alloc : memref<!tpu.dma_semaphore, #tpu.memory_space<semaphore_mem>>
        %dma_start3A_193 = arith.constant 0 : i32
        %dma_start3A_194 = arith.constant 0 : i32
        %dma_start3A_195 = tpu.memref_slice %arg24[%dma_start3A_193, %dma_start3A_194] : memref<32x128xf32, #tpu.memory_space<vmem>> -> memref<32x128xf32, #tpu.memory_space<vmem>>
        %dma_start3A_196 = arith.constant 0 : i32
        %dma_start3A_197 = tpu.memref_slice %arg27[%add3A_140, %dma_start3A_196] : memref<10000x128xf32, #tpu.memory_space<vmem_shared>> -> memref<32x128xf32, #tpu.memory_space<vmem_shared>>
        %dma_start3A_198 = arith.constant 0 : i32
        %dma_start3A_199 = tpu.memref_slice %arg27[%add3A_140, %dma_start3A_198] : memref<10000x128xf32, #tpu.memory_space<vmem_shared>> -> memref<32x128xf32, #tpu.memory_space<vmem_shared>>
        %dma_start3A_200 = arith.constant 0 : i32
        %dma_start3A_201 = arith.constant 0 : i32
        %dma_start3A_202 = tpu.memref_slice %arg24[%dma_start3A_200, %dma_start3A_201] : memref<32x128xf32, #tpu.memory_space<vmem>> -> memref<32x128xf32, #tpu.memory_space<vmem>>
        tpu.enqueue_dma source(%dma_start3A_202 : memref<32x128xf32, #tpu.memory_space<vmem>>) target(%dma_start3A_199 : memref<32x128xf32, #tpu.memory_space<vmem_shared>>) target_semaphore(%run_scoped3A : memref<!tpu.dma_semaphore, #tpu.memory_space<semaphore_mem>>)
        %dma_wait3A_203 = arith.constant 0 : i32
        %dma_wait3A_204 = arith.constant 0 : i32
        %dma_wait3A_205 = tpu.memref_slice %arg24[%dma_wait3A_203, %dma_wait3A_204] : memref<32x128xf32, #tpu.memory_space<vmem>> -> memref<32x128xf32, #tpu.memory_space<vmem>>
        %dma_wait3A_206 = arith.constant 0 : i32
        %dma_wait3A_207 = tpu.memref_slice %arg27[%add3A_140, %dma_wait3A_206] : memref<10000x128xf32, #tpu.memory_space<vmem_shared>> -> memref<32x128xf32, #tpu.memory_space<vmem_shared>>
        %dma_wait3A_208 = arith.constant 0 : i32
        %dma_wait3A_209 = tpu.memref_slice %arg27[%add3A_140, %dma_wait3A_208] : memref<10000x128xf32, #tpu.memory_space<vmem_shared>> -> memref<32x128xf32, #tpu.memory_space<vmem_shared>>
        %dma_wait3A_210 = arith.constant 0 : i32
        %dma_wait3A_211 = arith.constant 0 : i32
        %dma_wait3A_212 = tpu.memref_slice %arg24[%dma_wait3A_210, %dma_wait3A_211] : memref<32x128xf32, #tpu.memory_space<vmem>> -> memref<32x128xf32, #tpu.memory_space<vmem>>
        tpu.wait_dma2 semaphore(%run_scoped3A : memref<!tpu.dma_semaphore, #tpu.memory_space<semaphore_mem>>) src(%dma_wait3A_212 : memref<32x128xf32, #tpu.memory_space<vmem>>) dst(%dma_wait3A_209 : memref<32x128xf32, #tpu.memory_space<vmem_shared>>)
        tpu.yield
      }) : () -> ()
      %mul3A_141 = arith.constant 1000 : i32
      %mul3A_142 = arith.muli %arg1, %mul3A_141 : i32
      %add3A_143 = arith.constant 608 : i32
      %add3A_144 = arith.addi %mul3A_142, %add3A_143 : i32
      "tpu.region"() ({
        %run_scoped3A = tpu.sem_alloc : memref<!tpu.dma_semaphore, #tpu.memory_space<semaphore_mem>>
        %dma_start3A_193 = arith.constant 0 : i32
        %dma_start3A_194 = arith.constant 0 : i32
        %dma_start3A_195 = tpu.memref_slice %arg24[%dma_start3A_193, %dma_start3A_194] : memref<32x128xf32, #tpu.memory_space<vmem>> -> memref<32x128xf32, #tpu.memory_space<vmem>>
        %dma_start3A_196 = arith.constant 0 : i32
        %dma_start3A_197 = tpu.memref_slice %arg27[%add3A_144, %dma_start3A_196] : memref<10000x128xf32, #tpu.memory_space<vmem_shared>> -> memref<32x128xf32, #tpu.memory_space<vmem_shared>>
        %dma_start3A_198 = arith.constant 0 : i32
        %dma_start3A_199 = tpu.memref_slice %arg27[%add3A_144, %dma_start3A_198] : memref<10000x128xf32, #tpu.memory_space<vmem_shared>> -> memref<32x128xf32, #tpu.memory_space<vmem_shared>>
        %dma_start3A_200 = arith.constant 0 : i32
        %dma_start3A_201 = arith.constant 0 : i32
        %dma_start3A_202 = tpu.memref_slice %arg24[%dma_start3A_200, %dma_start3A_201] : memref<32x128xf32, #tpu.memory_space<vmem>> -> memref<32x128xf32, #tpu.memory_space<vmem>>
        tpu.enqueue_dma source(%dma_start3A_202 : memref<32x128xf32, #tpu.memory_space<vmem>>) target(%dma_start3A_199 : memref<32x128xf32, #tpu.memory_space<vmem_shared>>) target_semaphore(%run_scoped3A : memref<!tpu.dma_semaphore, #tpu.memory_space<semaphore_mem>>)
        %dma_wait3A_203 = arith.constant 0 : i32
        %dma_wait3A_204 = arith.constant 0 : i32
        %dma_wait3A_205 = tpu.memref_slice %arg24[%dma_wait3A_203, %dma_wait3A_204] : memref<32x128xf32, #tpu.memory_space<vmem>> -> memref<32x128xf32, #tpu.memory_space<vmem>>
        %dma_wait3A_206 = arith.constant 0 : i32
        %dma_wait3A_207 = tpu.memref_slice %arg27[%add3A_144, %dma_wait3A_206] : memref<10000x128xf32, #tpu.memory_space<vmem_shared>> -> memref<32x128xf32, #tpu.memory_space<vmem_shared>>
        %dma_wait3A_208 = arith.constant 0 : i32
        %dma_wait3A_209 = tpu.memref_slice %arg27[%add3A_144, %dma_wait3A_208] : memref<10000x128xf32, #tpu.memory_space<vmem_shared>> -> memref<32x128xf32, #tpu.memory_space<vmem_shared>>
        %dma_wait3A_210 = arith.constant 0 : i32
        %dma_wait3A_211 = arith.constant 0 : i32
        %dma_wait3A_212 = tpu.memref_slice %arg24[%dma_wait3A_210, %dma_wait3A_211] : memref<32x128xf32, #tpu.memory_space<vmem>> -> memref<32x128xf32, #tpu.memory_space<vmem>>
        tpu.wait_dma2 semaphore(%run_scoped3A : memref<!tpu.dma_semaphore, #tpu.memory_space<semaphore_mem>>) src(%dma_wait3A_212 : memref<32x128xf32, #tpu.memory_space<vmem>>) dst(%dma_wait3A_209 : memref<32x128xf32, #tpu.memory_space<vmem_shared>>)
        tpu.yield
      }) : () -> ()
      %mul3A_145 = arith.constant 1000 : i32
      %mul3A_146 = arith.muli %arg1, %mul3A_145 : i32
      %add3A_147 = arith.constant 640 : i32
      %add3A_148 = arith.addi %mul3A_146, %add3A_147 : i32
      "tpu.region"() ({
        %run_scoped3A = tpu.sem_alloc : memref<!tpu.dma_semaphore, #tpu.memory_space<semaphore_mem>>
        %dma_start3A_193 = arith.constant 0 : i32
        %dma_start3A_194 = arith.constant 0 : i32
        %dma_start3A_195 = tpu.memref_slice %arg24[%dma_start3A_193, %dma_start3A_194] : memref<32x128xf32, #tpu.memory_space<vmem>> -> memref<32x128xf32, #tpu.memory_space<vmem>>
        %dma_start3A_196 = arith.constant 0 : i32
        %dma_start3A_197 = tpu.memref_slice %arg27[%add3A_148, %dma_start3A_196] : memref<10000x128xf32, #tpu.memory_space<vmem_shared>> -> memref<32x128xf32, #tpu.memory_space<vmem_shared>>
        %dma_start3A_198 = arith.constant 0 : i32
        %dma_start3A_199 = tpu.memref_slice %arg27[%add3A_148, %dma_start3A_198] : memref<10000x128xf32, #tpu.memory_space<vmem_shared>> -> memref<32x128xf32, #tpu.memory_space<vmem_shared>>
        %dma_start3A_200 = arith.constant 0 : i32
        %dma_start3A_201 = arith.constant 0 : i32
        %dma_start3A_202 = tpu.memref_slice %arg24[%dma_start3A_200, %dma_start3A_201] : memref<32x128xf32, #tpu.memory_space<vmem>> -> memref<32x128xf32, #tpu.memory_space<vmem>>
        tpu.enqueue_dma source(%dma_start3A_202 : memref<32x128xf32, #tpu.memory_space<vmem>>) target(%dma_start3A_199 : memref<32x128xf32, #tpu.memory_space<vmem_shared>>) target_semaphore(%run_scoped3A : memref<!tpu.dma_semaphore, #tpu.memory_space<semaphore_mem>>)
        %dma_wait3A_203 = arith.constant 0 : i32
        %dma_wait3A_204 = arith.constant 0 : i32
        %dma_wait3A_205 = tpu.memref_slice %arg24[%dma_wait3A_203, %dma_wait3A_204] : memref<32x128xf32, #tpu.memory_space<vmem>> -> memref<32x128xf32, #tpu.memory_space<vmem>>
        %dma_wait3A_206 = arith.constant 0 : i32
        %dma_wait3A_207 = tpu.memref_slice %arg27[%add3A_148, %dma_wait3A_206] : memref<10000x128xf32, #tpu.memory_space<vmem_shared>> -> memref<32x128xf32, #tpu.memory_space<vmem_shared>>
        %dma_wait3A_208 = arith.constant 0 : i32
        %dma_wait3A_209 = tpu.memref_slice %arg27[%add3A_148, %dma_wait3A_208] : memref<10000x128xf32, #tpu.memory_space<vmem_shared>> -> memref<32x128xf32, #tpu.memory_space<vmem_shared>>
        %dma_wait3A_210 = arith.constant 0 : i32
        %dma_wait3A_211 = arith.constant 0 : i32
        %dma_wait3A_212 = tpu.memref_slice %arg24[%dma_wait3A_210, %dma_wait3A_211] : memref<32x128xf32, #tpu.memory_space<vmem>> -> memref<32x128xf32, #tpu.memory_space<vmem>>
        tpu.wait_dma2 semaphore(%run_scoped3A : memref<!tpu.dma_semaphore, #tpu.memory_space<semaphore_mem>>) src(%dma_wait3A_212 : memref<32x128xf32, #tpu.memory_space<vmem>>) dst(%dma_wait3A_209 : memref<32x128xf32, #tpu.memory_space<vmem_shared>>)
        tpu.yield
      }) : () -> ()
      %mul3A_149 = arith.constant 1000 : i32
      %mul3A_150 = arith.muli %arg1, %mul3A_149 : i32
      %add3A_151 = arith.constant 672 : i32
      %add3A_152 = arith.addi %mul3A_150, %add3A_151 : i32
      "tpu.region"() ({
        %run_scoped3A = tpu.sem_alloc : memref<!tpu.dma_semaphore, #tpu.memory_space<semaphore_mem>>
        %dma_start3A_193 = arith.constant 0 : i32
        %dma_start3A_194 = arith.constant 0 : i32
        %dma_start3A_195 = tpu.memref_slice %arg24[%dma_start3A_193, %dma_start3A_194] : memref<32x128xf32, #tpu.memory_space<vmem>> -> memref<32x128xf32, #tpu.memory_space<vmem>>
        %dma_start3A_196 = arith.constant 0 : i32
        %dma_start3A_197 = tpu.memref_slice %arg27[%add3A_152, %dma_start3A_196] : memref<10000x128xf32, #tpu.memory_space<vmem_shared>> -> memref<32x128xf32, #tpu.memory_space<vmem_shared>>
        %dma_start3A_198 = arith.constant 0 : i32
        %dma_start3A_199 = tpu.memref_slice %arg27[%add3A_152, %dma_start3A_198] : memref<10000x128xf32, #tpu.memory_space<vmem_shared>> -> memref<32x128xf32, #tpu.memory_space<vmem_shared>>
        %dma_start3A_200 = arith.constant 0 : i32
        %dma_start3A_201 = arith.constant 0 : i32
        %dma_start3A_202 = tpu.memref_slice %arg24[%dma_start3A_200, %dma_start3A_201] : memref<32x128xf32, #tpu.memory_space<vmem>> -> memref<32x128xf32, #tpu.memory_space<vmem>>
        tpu.enqueue_dma source(%dma_start3A_202 : memref<32x128xf32, #tpu.memory_space<vmem>>) target(%dma_start3A_199 : memref<32x128xf32, #tpu.memory_space<vmem_shared>>) target_semaphore(%run_scoped3A : memref<!tpu.dma_semaphore, #tpu.memory_space<semaphore_mem>>)
        %dma_wait3A_203 = arith.constant 0 : i32
        %dma_wait3A_204 = arith.constant 0 : i32
        %dma_wait3A_205 = tpu.memref_slice %arg24[%dma_wait3A_203, %dma_wait3A_204] : memref<32x128xf32, #tpu.memory_space<vmem>> -> memref<32x128xf32, #tpu.memory_space<vmem>>
        %dma_wait3A_206 = arith.constant 0 : i32
        %dma_wait3A_207 = tpu.memref_slice %arg27[%add3A_152, %dma_wait3A_206] : memref<10000x128xf32, #tpu.memory_space<vmem_shared>> -> memref<32x128xf32, #tpu.memory_space<vmem_shared>>
        %dma_wait3A_208 = arith.constant 0 : i32
        %dma_wait3A_209 = tpu.memref_slice %arg27[%add3A_152, %dma_wait3A_208] : memref<10000x128xf32, #tpu.memory_space<vmem_shared>> -> memref<32x128xf32, #tpu.memory_space<vmem_shared>>
        %dma_wait3A_210 = arith.constant 0 : i32
        %dma_wait3A_211 = arith.constant 0 : i32
        %dma_wait3A_212 = tpu.memref_slice %arg24[%dma_wait3A_210, %dma_wait3A_211] : memref<32x128xf32, #tpu.memory_space<vmem>> -> memref<32x128xf32, #tpu.memory_space<vmem>>
        tpu.wait_dma2 semaphore(%run_scoped3A : memref<!tpu.dma_semaphore, #tpu.memory_space<semaphore_mem>>) src(%dma_wait3A_212 : memref<32x128xf32, #tpu.memory_space<vmem>>) dst(%dma_wait3A_209 : memref<32x128xf32, #tpu.memory_space<vmem_shared>>)
        tpu.yield
      }) : () -> ()
      %mul3A_153 = arith.constant 1000 : i32
      %mul3A_154 = arith.muli %arg1, %mul3A_153 : i32
      %add3A_155 = arith.constant 704 : i32
      %add3A_156 = arith.addi %mul3A_154, %add3A_155 : i32
      "tpu.region"() ({
        %run_scoped3A = tpu.sem_alloc : memref<!tpu.dma_semaphore, #tpu.memory_space<semaphore_mem>>
        %dma_start3A_193 = arith.constant 0 : i32
        %dma_start3A_194 = arith.constant 0 : i32
        %dma_start3A_195 = tpu.memref_slice %arg24[%dma_start3A_193, %dma_start3A_194] : memref<32x128xf32, #tpu.memory_space<vmem>> -> memref<32x128xf32, #tpu.memory_space<vmem>>
        %dma_start3A_196 = arith.constant 0 : i32
        %dma_start3A_197 = tpu.memref_slice %arg27[%add3A_156, %dma_start3A_196] : memref<10000x128xf32, #tpu.memory_space<vmem_shared>> -> memref<32x128xf32, #tpu.memory_space<vmem_shared>>
        %dma_start3A_198 = arith.constant 0 : i32
        %dma_start3A_199 = tpu.memref_slice %arg27[%add3A_156, %dma_start3A_198] : memref<10000x128xf32, #tpu.memory_space<vmem_shared>> -> memref<32x128xf32, #tpu.memory_space<vmem_shared>>
        %dma_start3A_200 = arith.constant 0 : i32
        %dma_start3A_201 = arith.constant 0 : i32
        %dma_start3A_202 = tpu.memref_slice %arg24[%dma_start3A_200, %dma_start3A_201] : memref<32x128xf32, #tpu.memory_space<vmem>> -> memref<32x128xf32, #tpu.memory_space<vmem>>
        tpu.enqueue_dma source(%dma_start3A_202 : memref<32x128xf32, #tpu.memory_space<vmem>>) target(%dma_start3A_199 : memref<32x128xf32, #tpu.memory_space<vmem_shared>>) target_semaphore(%run_scoped3A : memref<!tpu.dma_semaphore, #tpu.memory_space<semaphore_mem>>)
        %dma_wait3A_203 = arith.constant 0 : i32
        %dma_wait3A_204 = arith.constant 0 : i32
        %dma_wait3A_205 = tpu.memref_slice %arg24[%dma_wait3A_203, %dma_wait3A_204] : memref<32x128xf32, #tpu.memory_space<vmem>> -> memref<32x128xf32, #tpu.memory_space<vmem>>
        %dma_wait3A_206 = arith.constant 0 : i32
        %dma_wait3A_207 = tpu.memref_slice %arg27[%add3A_156, %dma_wait3A_206] : memref<10000x128xf32, #tpu.memory_space<vmem_shared>> -> memref<32x128xf32, #tpu.memory_space<vmem_shared>>
        %dma_wait3A_208 = arith.constant 0 : i32
        %dma_wait3A_209 = tpu.memref_slice %arg27[%add3A_156, %dma_wait3A_208] : memref<10000x128xf32, #tpu.memory_space<vmem_shared>> -> memref<32x128xf32, #tpu.memory_space<vmem_shared>>
        %dma_wait3A_210 = arith.constant 0 : i32
        %dma_wait3A_211 = arith.constant 0 : i32
        %dma_wait3A_212 = tpu.memref_slice %arg24[%dma_wait3A_210, %dma_wait3A_211] : memref<32x128xf32, #tpu.memory_space<vmem>> -> memref<32x128xf32, #tpu.memory_space<vmem>>
        tpu.wait_dma2 semaphore(%run_scoped3A : memref<!tpu.dma_semaphore, #tpu.memory_space<semaphore_mem>>) src(%dma_wait3A_212 : memref<32x128xf32, #tpu.memory_space<vmem>>) dst(%dma_wait3A_209 : memref<32x128xf32, #tpu.memory_space<vmem_shared>>)
        tpu.yield
      }) : () -> ()
      %mul3A_157 = arith.constant 1000 : i32
      %mul3A_158 = arith.muli %arg1, %mul3A_157 : i32
      %add3A_159 = arith.constant 736 : i32
      %add3A_160 = arith.addi %mul3A_158, %add3A_159 : i32
      "tpu.region"() ({
        %run_scoped3A = tpu.sem_alloc : memref<!tpu.dma_semaphore, #tpu.memory_space<semaphore_mem>>
        %dma_start3A_193 = arith.constant 0 : i32
        %dma_start3A_194 = arith.constant 0 : i32
        %dma_start3A_195 = tpu.memref_slice %arg24[%dma_start3A_193, %dma_start3A_194] : memref<32x128xf32, #tpu.memory_space<vmem>> -> memref<32x128xf32, #tpu.memory_space<vmem>>
        %dma_start3A_196 = arith.constant 0 : i32
        %dma_start3A_197 = tpu.memref_slice %arg27[%add3A_160, %dma_start3A_196] : memref<10000x128xf32, #tpu.memory_space<vmem_shared>> -> memref<32x128xf32, #tpu.memory_space<vmem_shared>>
        %dma_start3A_198 = arith.constant 0 : i32
        %dma_start3A_199 = tpu.memref_slice %arg27[%add3A_160, %dma_start3A_198] : memref<10000x128xf32, #tpu.memory_space<vmem_shared>> -> memref<32x128xf32, #tpu.memory_space<vmem_shared>>
        %dma_start3A_200 = arith.constant 0 : i32
        %dma_start3A_201 = arith.constant 0 : i32
        %dma_start3A_202 = tpu.memref_slice %arg24[%dma_start3A_200, %dma_start3A_201] : memref<32x128xf32, #tpu.memory_space<vmem>> -> memref<32x128xf32, #tpu.memory_space<vmem>>
        tpu.enqueue_dma source(%dma_start3A_202 : memref<32x128xf32, #tpu.memory_space<vmem>>) target(%dma_start3A_199 : memref<32x128xf32, #tpu.memory_space<vmem_shared>>) target_semaphore(%run_scoped3A : memref<!tpu.dma_semaphore, #tpu.memory_space<semaphore_mem>>)
        %dma_wait3A_203 = arith.constant 0 : i32
        %dma_wait3A_204 = arith.constant 0 : i32
        %dma_wait3A_205 = tpu.memref_slice %arg24[%dma_wait3A_203, %dma_wait3A_204] : memref<32x128xf32, #tpu.memory_space<vmem>> -> memref<32x128xf32, #tpu.memory_space<vmem>>
        %dma_wait3A_206 = arith.constant 0 : i32
        %dma_wait3A_207 = tpu.memref_slice %arg27[%add3A_160, %dma_wait3A_206] : memref<10000x128xf32, #tpu.memory_space<vmem_shared>> -> memref<32x128xf32, #tpu.memory_space<vmem_shared>>
        %dma_wait3A_208 = arith.constant 0 : i32
        %dma_wait3A_209 = tpu.memref_slice %arg27[%add3A_160, %dma_wait3A_208] : memref<10000x128xf32, #tpu.memory_space<vmem_shared>> -> memref<32x128xf32, #tpu.memory_space<vmem_shared>>
        %dma_wait3A_210 = arith.constant 0 : i32
        %dma_wait3A_211 = arith.constant 0 : i32
        %dma_wait3A_212 = tpu.memref_slice %arg24[%dma_wait3A_210, %dma_wait3A_211] : memref<32x128xf32, #tpu.memory_space<vmem>> -> memref<32x128xf32, #tpu.memory_space<vmem>>
        tpu.wait_dma2 semaphore(%run_scoped3A : memref<!tpu.dma_semaphore, #tpu.memory_space<semaphore_mem>>) src(%dma_wait3A_212 : memref<32x128xf32, #tpu.memory_space<vmem>>) dst(%dma_wait3A_209 : memref<32x128xf32, #tpu.memory_space<vmem_shared>>)
        tpu.yield
      }) : () -> ()
      %mul3A_161 = arith.constant 1000 : i32
      %mul3A_162 = arith.muli %arg1, %mul3A_161 : i32
      %add3A_163 = arith.constant 768 : i32
      %add3A_164 = arith.addi %mul3A_162, %add3A_163 : i32
      "tpu.region"() ({
        %run_scoped3A = tpu.sem_alloc : memref<!tpu.dma_semaphore, #tpu.memory_space<semaphore_mem>>
        %dma_start3A_193 = arith.constant 0 : i32
        %dma_start3A_194 = arith.constant 0 : i32
        %dma_start3A_195 = tpu.memref_slice %arg24[%dma_start3A_193, %dma_start3A_194] : memref<32x128xf32, #tpu.memory_space<vmem>> -> memref<32x128xf32, #tpu.memory_space<vmem>>
        %dma_start3A_196 = arith.constant 0 : i32
        %dma_start3A_197 = tpu.memref_slice %arg27[%add3A_164, %dma_start3A_196] : memref<10000x128xf32, #tpu.memory_space<vmem_shared>> -> memref<32x128xf32, #tpu.memory_space<vmem_shared>>
        %dma_start3A_198 = arith.constant 0 : i32
        %dma_start3A_199 = tpu.memref_slice %arg27[%add3A_164, %dma_start3A_198] : memref<10000x128xf32, #tpu.memory_space<vmem_shared>> -> memref<32x128xf32, #tpu.memory_space<vmem_shared>>
        %dma_start3A_200 = arith.constant 0 : i32
        %dma_start3A_201 = arith.constant 0 : i32
        %dma_start3A_202 = tpu.memref_slice %arg24[%dma_start3A_200, %dma_start3A_201] : memref<32x128xf32, #tpu.memory_space<vmem>> -> memref<32x128xf32, #tpu.memory_space<vmem>>
        tpu.enqueue_dma source(%dma_start3A_202 : memref<32x128xf32, #tpu.memory_space<vmem>>) target(%dma_start3A_199 : memref<32x128xf32, #tpu.memory_space<vmem_shared>>) target_semaphore(%run_scoped3A : memref<!tpu.dma_semaphore, #tpu.memory_space<semaphore_mem>>)
        %dma_wait3A_203 = arith.constant 0 : i32
        %dma_wait3A_204 = arith.constant 0 : i32
        %dma_wait3A_205 = tpu.memref_slice %arg24[%dma_wait3A_203, %dma_wait3A_204] : memref<32x128xf32, #tpu.memory_space<vmem>> -> memref<32x128xf32, #tpu.memory_space<vmem>>
        %dma_wait3A_206 = arith.constant 0 : i32
        %dma_wait3A_207 = tpu.memref_slice %arg27[%add3A_164, %dma_wait3A_206] : memref<10000x128xf32, #tpu.memory_space<vmem_shared>> -> memref<32x128xf32, #tpu.memory_space<vmem_shared>>
        %dma_wait3A_208 = arith.constant 0 : i32
        %dma_wait3A_209 = tpu.memref_slice %arg27[%add3A_164, %dma_wait3A_208] : memref<10000x128xf32, #tpu.memory_space<vmem_shared>> -> memref<32x128xf32, #tpu.memory_space<vmem_shared>>
        %dma_wait3A_210 = arith.constant 0 : i32
        %dma_wait3A_211 = arith.constant 0 : i32
        %dma_wait3A_212 = tpu.memref_slice %arg24[%dma_wait3A_210, %dma_wait3A_211] : memref<32x128xf32, #tpu.memory_space<vmem>> -> memref<32x128xf32, #tpu.memory_space<vmem>>
        tpu.wait_dma2 semaphore(%run_scoped3A : memref<!tpu.dma_semaphore, #tpu.memory_space<semaphore_mem>>) src(%dma_wait3A_212 : memref<32x128xf32, #tpu.memory_space<vmem>>) dst(%dma_wait3A_209 : memref<32x128xf32, #tpu.memory_space<vmem_shared>>)
        tpu.yield
      }) : () -> ()
      %mul3A_165 = arith.constant 1000 : i32
      %mul3A_166 = arith.muli %arg1, %mul3A_165 : i32
      %add3A_167 = arith.constant 800 : i32
      %add3A_168 = arith.addi %mul3A_166, %add3A_167 : i32
      "tpu.region"() ({
        %run_scoped3A = tpu.sem_alloc : memref<!tpu.dma_semaphore, #tpu.memory_space<semaphore_mem>>
        %dma_start3A_193 = arith.constant 0 : i32
        %dma_start3A_194 = arith.constant 0 : i32
        %dma_start3A_195 = tpu.memref_slice %arg24[%dma_start3A_193, %dma_start3A_194] : memref<32x128xf32, #tpu.memory_space<vmem>> -> memref<32x128xf32, #tpu.memory_space<vmem>>
        %dma_start3A_196 = arith.constant 0 : i32
        %dma_start3A_197 = tpu.memref_slice %arg27[%add3A_168, %dma_start3A_196] : memref<10000x128xf32, #tpu.memory_space<vmem_shared>> -> memref<32x128xf32, #tpu.memory_space<vmem_shared>>
        %dma_start3A_198 = arith.constant 0 : i32
        %dma_start3A_199 = tpu.memref_slice %arg27[%add3A_168, %dma_start3A_198] : memref<10000x128xf32, #tpu.memory_space<vmem_shared>> -> memref<32x128xf32, #tpu.memory_space<vmem_shared>>
        %dma_start3A_200 = arith.constant 0 : i32
        %dma_start3A_201 = arith.constant 0 : i32
        %dma_start3A_202 = tpu.memref_slice %arg24[%dma_start3A_200, %dma_start3A_201] : memref<32x128xf32, #tpu.memory_space<vmem>> -> memref<32x128xf32, #tpu.memory_space<vmem>>
        tpu.enqueue_dma source(%dma_start3A_202 : memref<32x128xf32, #tpu.memory_space<vmem>>) target(%dma_start3A_199 : memref<32x128xf32, #tpu.memory_space<vmem_shared>>) target_semaphore(%run_scoped3A : memref<!tpu.dma_semaphore, #tpu.memory_space<semaphore_mem>>)
        %dma_wait3A_203 = arith.constant 0 : i32
        %dma_wait3A_204 = arith.constant 0 : i32
        %dma_wait3A_205 = tpu.memref_slice %arg24[%dma_wait3A_203, %dma_wait3A_204] : memref<32x128xf32, #tpu.memory_space<vmem>> -> memref<32x128xf32, #tpu.memory_space<vmem>>
        %dma_wait3A_206 = arith.constant 0 : i32
        %dma_wait3A_207 = tpu.memref_slice %arg27[%add3A_168, %dma_wait3A_206] : memref<10000x128xf32, #tpu.memory_space<vmem_shared>> -> memref<32x128xf32, #tpu.memory_space<vmem_shared>>
        %dma_wait3A_208 = arith.constant 0 : i32
        %dma_wait3A_209 = tpu.memref_slice %arg27[%add3A_168, %dma_wait3A_208] : memref<10000x128xf32, #tpu.memory_space<vmem_shared>> -> memref<32x128xf32, #tpu.memory_space<vmem_shared>>
        %dma_wait3A_210 = arith.constant 0 : i32
        %dma_wait3A_211 = arith.constant 0 : i32
        %dma_wait3A_212 = tpu.memref_slice %arg24[%dma_wait3A_210, %dma_wait3A_211] : memref<32x128xf32, #tpu.memory_space<vmem>> -> memref<32x128xf32, #tpu.memory_space<vmem>>
        tpu.wait_dma2 semaphore(%run_scoped3A : memref<!tpu.dma_semaphore, #tpu.memory_space<semaphore_mem>>) src(%dma_wait3A_212 : memref<32x128xf32, #tpu.memory_space<vmem>>) dst(%dma_wait3A_209 : memref<32x128xf32, #tpu.memory_space<vmem_shared>>)
        tpu.yield
      }) : () -> ()
      %mul3A_169 = arith.constant 1000 : i32
      %mul3A_170 = arith.muli %arg1, %mul3A_169 : i32
      %add3A_171 = arith.constant 832 : i32
      %add3A_172 = arith.addi %mul3A_170, %add3A_171 : i32
      "tpu.region"() ({
        %run_scoped3A = tpu.sem_alloc : memref<!tpu.dma_semaphore, #tpu.memory_space<semaphore_mem>>
        %dma_start3A_193 = arith.constant 0 : i32
        %dma_start3A_194 = arith.constant 0 : i32
        %dma_start3A_195 = tpu.memref_slice %arg24[%dma_start3A_193, %dma_start3A_194] : memref<32x128xf32, #tpu.memory_space<vmem>> -> memref<32x128xf32, #tpu.memory_space<vmem>>
        %dma_start3A_196 = arith.constant 0 : i32
        %dma_start3A_197 = tpu.memref_slice %arg27[%add3A_172, %dma_start3A_196] : memref<10000x128xf32, #tpu.memory_space<vmem_shared>> -> memref<32x128xf32, #tpu.memory_space<vmem_shared>>
        %dma_start3A_198 = arith.constant 0 : i32
        %dma_start3A_199 = tpu.memref_slice %arg27[%add3A_172, %dma_start3A_198] : memref<10000x128xf32, #tpu.memory_space<vmem_shared>> -> memref<32x128xf32, #tpu.memory_space<vmem_shared>>
        %dma_start3A_200 = arith.constant 0 : i32
        %dma_start3A_201 = arith.constant 0 : i32
        %dma_start3A_202 = tpu.memref_slice %arg24[%dma_start3A_200, %dma_start3A_201] : memref<32x128xf32, #tpu.memory_space<vmem>> -> memref<32x128xf32, #tpu.memory_space<vmem>>
        tpu.enqueue_dma source(%dma_start3A_202 : memref<32x128xf32, #tpu.memory_space<vmem>>) target(%dma_start3A_199 : memref<32x128xf32, #tpu.memory_space<vmem_shared>>) target_semaphore(%run_scoped3A : memref<!tpu.dma_semaphore, #tpu.memory_space<semaphore_mem>>)
        %dma_wait3A_203 = arith.constant 0 : i32
        %dma_wait3A_204 = arith.constant 0 : i32
        %dma_wait3A_205 = tpu.memref_slice %arg24[%dma_wait3A_203, %dma_wait3A_204] : memref<32x128xf32, #tpu.memory_space<vmem>> -> memref<32x128xf32, #tpu.memory_space<vmem>>
        %dma_wait3A_206 = arith.constant 0 : i32
        %dma_wait3A_207 = tpu.memref_slice %arg27[%add3A_172, %dma_wait3A_206] : memref<10000x128xf32, #tpu.memory_space<vmem_shared>> -> memref<32x128xf32, #tpu.memory_space<vmem_shared>>
        %dma_wait3A_208 = arith.constant 0 : i32
        %dma_wait3A_209 = tpu.memref_slice %arg27[%add3A_172, %dma_wait3A_208] : memref<10000x128xf32, #tpu.memory_space<vmem_shared>> -> memref<32x128xf32, #tpu.memory_space<vmem_shared>>
        %dma_wait3A_210 = arith.constant 0 : i32
        %dma_wait3A_211 = arith.constant 0 : i32
        %dma_wait3A_212 = tpu.memref_slice %arg24[%dma_wait3A_210, %dma_wait3A_211] : memref<32x128xf32, #tpu.memory_space<vmem>> -> memref<32x128xf32, #tpu.memory_space<vmem>>
        tpu.wait_dma2 semaphore(%run_scoped3A : memref<!tpu.dma_semaphore, #tpu.memory_space<semaphore_mem>>) src(%dma_wait3A_212 : memref<32x128xf32, #tpu.memory_space<vmem>>) dst(%dma_wait3A_209 : memref<32x128xf32, #tpu.memory_space<vmem_shared>>)
        tpu.yield
      }) : () -> ()
      %mul3A_173 = arith.constant 1000 : i32
      %mul3A_174 = arith.muli %arg1, %mul3A_173 : i32
      %add3A_175 = arith.constant 864 : i32
      %add3A_176 = arith.addi %mul3A_174, %add3A_175 : i32
      "tpu.region"() ({
        %run_scoped3A = tpu.sem_alloc : memref<!tpu.dma_semaphore, #tpu.memory_space<semaphore_mem>>
        %dma_start3A_193 = arith.constant 0 : i32
        %dma_start3A_194 = arith.constant 0 : i32
        %dma_start3A_195 = tpu.memref_slice %arg24[%dma_start3A_193, %dma_start3A_194] : memref<32x128xf32, #tpu.memory_space<vmem>> -> memref<32x128xf32, #tpu.memory_space<vmem>>
        %dma_start3A_196 = arith.constant 0 : i32
        %dma_start3A_197 = tpu.memref_slice %arg27[%add3A_176, %dma_start3A_196] : memref<10000x128xf32, #tpu.memory_space<vmem_shared>> -> memref<32x128xf32, #tpu.memory_space<vmem_shared>>
        %dma_start3A_198 = arith.constant 0 : i32
        %dma_start3A_199 = tpu.memref_slice %arg27[%add3A_176, %dma_start3A_198] : memref<10000x128xf32, #tpu.memory_space<vmem_shared>> -> memref<32x128xf32, #tpu.memory_space<vmem_shared>>
        %dma_start3A_200 = arith.constant 0 : i32
        %dma_start3A_201 = arith.constant 0 : i32
        %dma_start3A_202 = tpu.memref_slice %arg24[%dma_start3A_200, %dma_start3A_201] : memref<32x128xf32, #tpu.memory_space<vmem>> -> memref<32x128xf32, #tpu.memory_space<vmem>>
        tpu.enqueue_dma source(%dma_start3A_202 : memref<32x128xf32, #tpu.memory_space<vmem>>) target(%dma_start3A_199 : memref<32x128xf32, #tpu.memory_space<vmem_shared>>) target_semaphore(%run_scoped3A : memref<!tpu.dma_semaphore, #tpu.memory_space<semaphore_mem>>)
        %dma_wait3A_203 = arith.constant 0 : i32
        %dma_wait3A_204 = arith.constant 0 : i32
        %dma_wait3A_205 = tpu.memref_slice %arg24[%dma_wait3A_203, %dma_wait3A_204] : memref<32x128xf32, #tpu.memory_space<vmem>> -> memref<32x128xf32, #tpu.memory_space<vmem>>
        %dma_wait3A_206 = arith.constant 0 : i32
        %dma_wait3A_207 = tpu.memref_slice %arg27[%add3A_176, %dma_wait3A_206] : memref<10000x128xf32, #tpu.memory_space<vmem_shared>> -> memref<32x128xf32, #tpu.memory_space<vmem_shared>>
        %dma_wait3A_208 = arith.constant 0 : i32
        %dma_wait3A_209 = tpu.memref_slice %arg27[%add3A_176, %dma_wait3A_208] : memref<10000x128xf32, #tpu.memory_space<vmem_shared>> -> memref<32x128xf32, #tpu.memory_space<vmem_shared>>
        %dma_wait3A_210 = arith.constant 0 : i32
        %dma_wait3A_211 = arith.constant 0 : i32
        %dma_wait3A_212 = tpu.memref_slice %arg24[%dma_wait3A_210, %dma_wait3A_211] : memref<32x128xf32, #tpu.memory_space<vmem>> -> memref<32x128xf32, #tpu.memory_space<vmem>>
        tpu.wait_dma2 semaphore(%run_scoped3A : memref<!tpu.dma_semaphore, #tpu.memory_space<semaphore_mem>>) src(%dma_wait3A_212 : memref<32x128xf32, #tpu.memory_space<vmem>>) dst(%dma_wait3A_209 : memref<32x128xf32, #tpu.memory_space<vmem_shared>>)
        tpu.yield
      }) : () -> ()
      %mul3A_177 = arith.constant 1000 : i32
      %mul3A_178 = arith.muli %arg1, %mul3A_177 : i32
      %add3A_179 = arith.constant 896 : i32
      %add3A_180 = arith.addi %mul3A_178, %add3A_179 : i32
      "tpu.region"() ({
        %run_scoped3A = tpu.sem_alloc : memref<!tpu.dma_semaphore, #tpu.memory_space<semaphore_mem>>
        %dma_start3A_193 = arith.constant 0 : i32
        %dma_start3A_194 = arith.constant 0 : i32
        %dma_start3A_195 = tpu.memref_slice %arg24[%dma_start3A_193, %dma_start3A_194] : memref<32x128xf32, #tpu.memory_space<vmem>> -> memref<32x128xf32, #tpu.memory_space<vmem>>
        %dma_start3A_196 = arith.constant 0 : i32
        %dma_start3A_197 = tpu.memref_slice %arg27[%add3A_180, %dma_start3A_196] : memref<10000x128xf32, #tpu.memory_space<vmem_shared>> -> memref<32x128xf32, #tpu.memory_space<vmem_shared>>
        %dma_start3A_198 = arith.constant 0 : i32
        %dma_start3A_199 = tpu.memref_slice %arg27[%add3A_180, %dma_start3A_198] : memref<10000x128xf32, #tpu.memory_space<vmem_shared>> -> memref<32x128xf32, #tpu.memory_space<vmem_shared>>
        %dma_start3A_200 = arith.constant 0 : i32
        %dma_start3A_201 = arith.constant 0 : i32
        %dma_start3A_202 = tpu.memref_slice %arg24[%dma_start3A_200, %dma_start3A_201] : memref<32x128xf32, #tpu.memory_space<vmem>> -> memref<32x128xf32, #tpu.memory_space<vmem>>
        tpu.enqueue_dma source(%dma_start3A_202 : memref<32x128xf32, #tpu.memory_space<vmem>>) target(%dma_start3A_199 : memref<32x128xf32, #tpu.memory_space<vmem_shared>>) target_semaphore(%run_scoped3A : memref<!tpu.dma_semaphore, #tpu.memory_space<semaphore_mem>>)
        %dma_wait3A_203 = arith.constant 0 : i32
        %dma_wait3A_204 = arith.constant 0 : i32
        %dma_wait3A_205 = tpu.memref_slice %arg24[%dma_wait3A_203, %dma_wait3A_204] : memref<32x128xf32, #tpu.memory_space<vmem>> -> memref<32x128xf32, #tpu.memory_space<vmem>>
        %dma_wait3A_206 = arith.constant 0 : i32
        %dma_wait3A_207 = tpu.memref_slice %arg27[%add3A_180, %dma_wait3A_206] : memref<10000x128xf32, #tpu.memory_space<vmem_shared>> -> memref<32x128xf32, #tpu.memory_space<vmem_shared>>
        %dma_wait3A_208 = arith.constant 0 : i32
        %dma_wait3A_209 = tpu.memref_slice %arg27[%add3A_180, %dma_wait3A_208] : memref<10000x128xf32, #tpu.memory_space<vmem_shared>> -> memref<32x128xf32, #tpu.memory_space<vmem_shared>>
        %dma_wait3A_210 = arith.constant 0 : i32
        %dma_wait3A_211 = arith.constant 0 : i32
        %dma_wait3A_212 = tpu.memref_slice %arg24[%dma_wait3A_210, %dma_wait3A_211] : memref<32x128xf32, #tpu.memory_space<vmem>> -> memref<32x128xf32, #tpu.memory_space<vmem>>
        tpu.wait_dma2 semaphore(%run_scoped3A : memref<!tpu.dma_semaphore, #tpu.memory_space<semaphore_mem>>) src(%dma_wait3A_212 : memref<32x128xf32, #tpu.memory_space<vmem>>) dst(%dma_wait3A_209 : memref<32x128xf32, #tpu.memory_space<vmem_shared>>)
        tpu.yield
      }) : () -> ()
      %mul3A_181 = arith.constant 1000 : i32
      %mul3A_182 = arith.muli %arg1, %mul3A_181 : i32
      %add3A_183 = arith.constant 928 : i32
      %add3A_184 = arith.addi %mul3A_182, %add3A_183 : i32
      "tpu.region"() ({
        %run_scoped3A = tpu.sem_alloc : memref<!tpu.dma_semaphore, #tpu.memory_space<semaphore_mem>>
        %dma_start3A_193 = arith.constant 0 : i32
        %dma_start3A_194 = arith.constant 0 : i32
        %dma_start3A_195 = tpu.memref_slice %arg24[%dma_start3A_193, %dma_start3A_194] : memref<32x128xf32, #tpu.memory_space<vmem>> -> memref<32x128xf32, #tpu.memory_space<vmem>>
        %dma_start3A_196 = arith.constant 0 : i32
        %dma_start3A_197 = tpu.memref_slice %arg27[%add3A_184, %dma_start3A_196] : memref<10000x128xf32, #tpu.memory_space<vmem_shared>> -> memref<32x128xf32, #tpu.memory_space<vmem_shared>>
        %dma_start3A_198 = arith.constant 0 : i32
        %dma_start3A_199 = tpu.memref_slice %arg27[%add3A_184, %dma_start3A_198] : memref<10000x128xf32, #tpu.memory_space<vmem_shared>> -> memref<32x128xf32, #tpu.memory_space<vmem_shared>>
        %dma_start3A_200 = arith.constant 0 : i32
        %dma_start3A_201 = arith.constant 0 : i32
        %dma_start3A_202 = tpu.memref_slice %arg24[%dma_start3A_200, %dma_start3A_201] : memref<32x128xf32, #tpu.memory_space<vmem>> -> memref<32x128xf32, #tpu.memory_space<vmem>>
        tpu.enqueue_dma source(%dma_start3A_202 : memref<32x128xf32, #tpu.memory_space<vmem>>) target(%dma_start3A_199 : memref<32x128xf32, #tpu.memory_space<vmem_shared>>) target_semaphore(%run_scoped3A : memref<!tpu.dma_semaphore, #tpu.memory_space<semaphore_mem>>)
        %dma_wait3A_203 = arith.constant 0 : i32
        %dma_wait3A_204 = arith.constant 0 : i32
        %dma_wait3A_205 = tpu.memref_slice %arg24[%dma_wait3A_203, %dma_wait3A_204] : memref<32x128xf32, #tpu.memory_space<vmem>> -> memref<32x128xf32, #tpu.memory_space<vmem>>
        %dma_wait3A_206 = arith.constant 0 : i32
        %dma_wait3A_207 = tpu.memref_slice %arg27[%add3A_184, %dma_wait3A_206] : memref<10000x128xf32, #tpu.memory_space<vmem_shared>> -> memref<32x128xf32, #tpu.memory_space<vmem_shared>>
        %dma_wait3A_208 = arith.constant 0 : i32
        %dma_wait3A_209 = tpu.memref_slice %arg27[%add3A_184, %dma_wait3A_208] : memref<10000x128xf32, #tpu.memory_space<vmem_shared>> -> memref<32x128xf32, #tpu.memory_space<vmem_shared>>
        %dma_wait3A_210 = arith.constant 0 : i32
        %dma_wait3A_211 = arith.constant 0 : i32
        %dma_wait3A_212 = tpu.memref_slice %arg24[%dma_wait3A_210, %dma_wait3A_211] : memref<32x128xf32, #tpu.memory_space<vmem>> -> memref<32x128xf32, #tpu.memory_space<vmem>>
        tpu.wait_dma2 semaphore(%run_scoped3A : memref<!tpu.dma_semaphore, #tpu.memory_space<semaphore_mem>>) src(%dma_wait3A_212 : memref<32x128xf32, #tpu.memory_space<vmem>>) dst(%dma_wait3A_209 : memref<32x128xf32, #tpu.memory_space<vmem_shared>>)
        tpu.yield
      }) : () -> ()
      %mul3A_185 = arith.constant 1000 : i32
      %mul3A_186 = arith.muli %arg1, %mul3A_185 : i32
      %add3A_187 = arith.constant 960 : i32
      %add3A_188 = arith.addi %mul3A_186, %add3A_187 : i32
      "tpu.region"() ({
        %run_scoped3A = tpu.sem_alloc : memref<!tpu.dma_semaphore, #tpu.memory_space<semaphore_mem>>
        %dma_start3A_193 = arith.constant 0 : i32
        %dma_start3A_194 = arith.constant 0 : i32
        %dma_start3A_195 = tpu.memref_slice %arg24[%dma_start3A_193, %dma_start3A_194] : memref<32x128xf32, #tpu.memory_space<vmem>> -> memref<32x128xf32, #tpu.memory_space<vmem>>
        %dma_start3A_196 = arith.constant 0 : i32
        %dma_start3A_197 = tpu.memref_slice %arg27[%add3A_188, %dma_start3A_196] : memref<10000x128xf32, #tpu.memory_space<vmem_shared>> -> memref<32x128xf32, #tpu.memory_space<vmem_shared>>
        %dma_start3A_198 = arith.constant 0 : i32
        %dma_start3A_199 = tpu.memref_slice %arg27[%add3A_188, %dma_start3A_198] : memref<10000x128xf32, #tpu.memory_space<vmem_shared>> -> memref<32x128xf32, #tpu.memory_space<vmem_shared>>
        %dma_start3A_200 = arith.constant 0 : i32
        %dma_start3A_201 = arith.constant 0 : i32
        %dma_start3A_202 = tpu.memref_slice %arg24[%dma_start3A_200, %dma_start3A_201] : memref<32x128xf32, #tpu.memory_space<vmem>> -> memref<32x128xf32, #tpu.memory_space<vmem>>
        tpu.enqueue_dma source(%dma_start3A_202 : memref<32x128xf32, #tpu.memory_space<vmem>>) target(%dma_start3A_199 : memref<32x128xf32, #tpu.memory_space<vmem_shared>>) target_semaphore(%run_scoped3A : memref<!tpu.dma_semaphore, #tpu.memory_space<semaphore_mem>>)
        %dma_wait3A_203 = arith.constant 0 : i32
        %dma_wait3A_204 = arith.constant 0 : i32
        %dma_wait3A_205 = tpu.memref_slice %arg24[%dma_wait3A_203, %dma_wait3A_204] : memref<32x128xf32, #tpu.memory_space<vmem>> -> memref<32x128xf32, #tpu.memory_space<vmem>>
        %dma_wait3A_206 = arith.constant 0 : i32
        %dma_wait3A_207 = tpu.memref_slice %arg27[%add3A_188, %dma_wait3A_206] : memref<10000x128xf32, #tpu.memory_space<vmem_shared>> -> memref<32x128xf32, #tpu.memory_space<vmem_shared>>
        %dma_wait3A_208 = arith.constant 0 : i32
        %dma_wait3A_209 = tpu.memref_slice %arg27[%add3A_188, %dma_wait3A_208] : memref<10000x128xf32, #tpu.memory_space<vmem_shared>> -> memref<32x128xf32, #tpu.memory_space<vmem_shared>>
        %dma_wait3A_210 = arith.constant 0 : i32
        %dma_wait3A_211 = arith.constant 0 : i32
        %dma_wait3A_212 = tpu.memref_slice %arg24[%dma_wait3A_210, %dma_wait3A_211] : memref<32x128xf32, #tpu.memory_space<vmem>> -> memref<32x128xf32, #tpu.memory_space<vmem>>
        tpu.wait_dma2 semaphore(%run_scoped3A : memref<!tpu.dma_semaphore, #tpu.memory_space<semaphore_mem>>) src(%dma_wait3A_212 : memref<32x128xf32, #tpu.memory_space<vmem>>) dst(%dma_wait3A_209 : memref<32x128xf32, #tpu.memory_space<vmem_shared>>)
        tpu.yield
      }) : () -> ()
      %mul3A_189 = arith.constant 1000 : i32
      %mul3A_190 = arith.muli %arg1, %mul3A_189 : i32
      %add3A_191 = arith.constant 992 : i32
      %add3A_192 = arith.addi %mul3A_190, %add3A_191 : i32
      "tpu.region"() ({
        %run_scoped3A = tpu.sem_alloc : memref<!tpu.dma_semaphore, #tpu.memory_space<semaphore_mem>>
        %dma_start3A_193 = arith.constant 0 : i32
        %dma_start3A_194 = arith.constant 0 : i32
        %dma_start3A_195 = tpu.memref_slice %arg24[%dma_start3A_193, %dma_start3A_194] : memref<32x128xf32, #tpu.memory_space<vmem>> -> memref<8x128xf32, #tpu.memory_space<vmem>>
        %dma_start3A_196 = arith.constant 0 : i32
        %dma_start3A_197 = tpu.memref_slice %arg27[%add3A_192, %dma_start3A_196] : memref<10000x128xf32, #tpu.memory_space<vmem_shared>> -> memref<8x128xf32, #tpu.memory_space<vmem_shared>>
        %dma_start3A_198 = arith.constant 0 : i32
        %dma_start3A_199 = tpu.memref_slice %arg27[%add3A_192, %dma_start3A_198] : memref<10000x128xf32, #tpu.memory_space<vmem_shared>> -> memref<8x128xf32, #tpu.memory_space<vmem_shared>>
        %dma_start3A_200 = arith.constant 0 : i32
        %dma_start3A_201 = arith.constant 0 : i32
        %dma_start3A_202 = tpu.memref_slice %arg24[%dma_start3A_200, %dma_start3A_201] : memref<32x128xf32, #tpu.memory_space<vmem>> -> memref<8x128xf32, #tpu.memory_space<vmem>>
        tpu.enqueue_dma source(%dma_start3A_202 : memref<8x128xf32, #tpu.memory_space<vmem>>) target(%dma_start3A_199 : memref<8x128xf32, #tpu.memory_space<vmem_shared>>) target_semaphore(%run_scoped3A : memref<!tpu.dma_semaphore, #tpu.memory_space<semaphore_mem>>)
        %dma_wait3A_203 = arith.constant 0 : i32
        %dma_wait3A_204 = arith.constant 0 : i32
        %dma_wait3A_205 = tpu.memref_slice %arg24[%dma_wait3A_203, %dma_wait3A_204] : memref<32x128xf32, #tpu.memory_space<vmem>> -> memref<8x128xf32, #tpu.memory_space<vmem>>
        %dma_wait3A_206 = arith.constant 0 : i32
        %dma_wait3A_207 = tpu.memref_slice %arg27[%add3A_192, %dma_wait3A_206] : memref<10000x128xf32, #tpu.memory_space<vmem_shared>> -> memref<8x128xf32, #tpu.memory_space<vmem_shared>>
        %dma_wait3A_208 = arith.constant 0 : i32
        %dma_wait3A_209 = tpu.memref_slice %arg27[%add3A_192, %dma_wait3A_208] : memref<10000x128xf32, #tpu.memory_space<vmem_shared>> -> memref<8x128xf32, #tpu.memory_space<vmem_shared>>
        %dma_wait3A_210 = arith.constant 0 : i32
        %dma_wait3A_211 = arith.constant 0 : i32
        %dma_wait3A_212 = tpu.memref_slice %arg24[%dma_wait3A_210, %dma_wait3A_211] : memref<32x128xf32, #tpu.memory_space<vmem>> -> memref<8x128xf32, #tpu.memory_space<vmem>>
        tpu.wait_dma2 semaphore(%run_scoped3A : memref<!tpu.dma_semaphore, #tpu.memory_space<semaphore_mem>>) src(%dma_wait3A_212 : memref<8x128xf32, #tpu.memory_space<vmem>>) dst(%dma_wait3A_209 : memref<8x128xf32, #tpu.memory_space<vmem_shared>>)
        tpu.yield
      }) : () -> ()
    } else {
    }
    %add3A_25 = arith.constant 0 : i32
    %add3A_26 = arith.addi %add3A_10, %add3A_25 : i32
    %dma_start3A = tpu.memref_slice %arg2[%add3A_26] : memref<320000xi32, #tpu.memory_space<hbm>> -> memref<32xi32, #tpu.memory_space<hbm>>
    %dma_start3A_27 = tpu.memref_slice %arg2[%add3A_26] : memref<320000xi32, #tpu.memory_space<hbm>> -> memref<32xi32, #tpu.memory_space<hbm>>
    tpu.enqueue_dma source(%dma_start3A_27 : memref<32xi32, #tpu.memory_space<hbm>>) target(%arg8 : memref<32xi32, #tpu.memory_space<vmem>>) target_semaphore(%arg28 : memref<!tpu.dma_semaphore, #tpu.memory_space<semaphore_mem>>)
    %dma_start3A_28 = tpu.memref_slice %arg3[%add3A_26] : memref<320000xi32, #tpu.memory_space<hbm>> -> memref<32xi32, #tpu.memory_space<hbm>>
    %dma_start3A_29 = tpu.memref_slice %arg3[%add3A_26] : memref<320000xi32, #tpu.memory_space<hbm>> -> memref<32xi32, #tpu.memory_space<hbm>>
    tpu.enqueue_dma source(%dma_start3A_29 : memref<32xi32, #tpu.memory_space<hbm>>) target(%arg10 : memref<32xi32, #tpu.memory_space<vmem>>) target_semaphore(%arg30 : memref<!tpu.dma_semaphore, #tpu.memory_space<semaphore_mem>>)
    %dma_wait3A = arith.constant 0 : i32
    %dma_wait3A_30 = tpu.memref_slice %arg2[%dma_wait3A] : memref<320000xi32, #tpu.memory_space<hbm>> -> memref<32xi32, #tpu.memory_space<hbm>>
    %dma_wait3A_31 = arith.constant 0 : i32
    %dma_wait3A_32 = tpu.memref_slice %arg2[%dma_wait3A_31] : memref<320000xi32, #tpu.memory_space<hbm>> -> memref<32xi32, #tpu.memory_space<hbm>>
    tpu.wait_dma2 semaphore(%arg28 : memref<!tpu.dma_semaphore, #tpu.memory_space<semaphore_mem>>) src(%dma_wait3A_32 : memref<32xi32, #tpu.memory_space<hbm>>) dst(%arg8 : memref<32xi32, #tpu.memory_space<vmem>>)
    %dma_wait3A_33 = arith.constant 0 : i32
    %dma_wait3A_34 = tpu.memref_slice %arg3[%dma_wait3A_33] : memref<320000xi32, #tpu.memory_space<hbm>> -> memref<32xi32, #tpu.memory_space<hbm>>
    %dma_wait3A_35 = arith.constant 0 : i32
    %dma_wait3A_36 = tpu.memref_slice %arg3[%dma_wait3A_35] : memref<320000xi32, #tpu.memory_space<hbm>> -> memref<32xi32, #tpu.memory_space<hbm>>
    tpu.wait_dma2 semaphore(%arg30 : memref<!tpu.dma_semaphore, #tpu.memory_space<semaphore_mem>>) src(%dma_wait3A_36 : memref<32xi32, #tpu.memory_space<hbm>>) dst(%arg10 : memref<32xi32, #tpu.memory_space<vmem>>)
    %dma_start3A_37 = arith.constant 0 : i32
    %dma_start3A_38 = arith.constant 0 : i32
    %dma_start3A_39 = tpu.memref_slice %arg4[%dma_start3A_37, %dma_start3A_38] : memref<80000x128xf32, #tpu.memory_space<hbm>> -> memref<80000x128xf32, #tpu.memory_space<hbm>>
    tpu.enqueue_indirect_dma source(%dma_start3A_39 : memref<80000x128xf32, #tpu.memory_space<hbm>>) target(%arg18 : memref<32x128xf32, #tpu.memory_space<vmem>>) offsets(%arg8 : memref<32xi32, #tpu.memory_space<vmem>>) semaphore(%arg32 : memref<!tpu.dma_semaphore, #tpu.memory_space<semaphore_mem>>)
    %dma_start3A_40 = arith.constant 0 : i32
    %dma_start3A_41 = arith.constant 0 : i32
    %dma_start3A_42 = tpu.memref_slice %arg6[%dma_start3A_40, %dma_start3A_41] : memref<20000x128xf32, #tpu.memory_space<hbm>> -> memref<20000x128xf32, #tpu.memory_space<hbm>>
    tpu.enqueue_indirect_dma source(%dma_start3A_42 : memref<20000x128xf32, #tpu.memory_space<hbm>>) target(%arg22 : memref<32x128xf32, #tpu.memory_space<vmem>>) offsets(%arg10 : memref<32xi32, #tpu.memory_space<vmem>>) semaphore(%arg34 : memref<!tpu.dma_semaphore, #tpu.memory_space<semaphore_mem>>)
    %dma_start3A_43 = arith.constant 0 : i32
    %dma_start3A_44 = arith.constant 0 : i32
    %dma_start3A_45 = tpu.memref_slice %arg5[%dma_start3A_43, %dma_start3A_44] : memref<80000x128xi32, #tpu.memory_space<hbm>> -> memref<80000x128xi32, #tpu.memory_space<hbm>>
    tpu.enqueue_indirect_dma source(%dma_start3A_45 : memref<80000x128xi32, #tpu.memory_space<hbm>>) target(%arg20 : memref<32x128xi32, #tpu.memory_space<vmem>>) offsets(%arg8 : memref<32xi32, #tpu.memory_space<vmem>>) semaphore(%arg36 : memref<!tpu.dma_semaphore, #tpu.memory_space<semaphore_mem>>)
    %add3A_46 = arith.constant 32 : i32
    %add3A_47 = arith.addi %add3A_10, %add3A_46 : i32
    %dma_start3A_48 = tpu.memref_slice %arg2[%add3A_47] : memref<320000xi32, #tpu.memory_space<hbm>> -> memref<32xi32, #tpu.memory_space<hbm>>
    %dma_start3A_49 = tpu.memref_slice %arg2[%add3A_47] : memref<320000xi32, #tpu.memory_space<hbm>> -> memref<32xi32, #tpu.memory_space<hbm>>
    tpu.enqueue_dma source(%dma_start3A_49 : memref<32xi32, #tpu.memory_space<hbm>>) target(%arg9 : memref<32xi32, #tpu.memory_space<vmem>>) target_semaphore(%arg29 : memref<!tpu.dma_semaphore, #tpu.memory_space<semaphore_mem>>)
    %dma_start3A_50 = tpu.memref_slice %arg3[%add3A_47] : memref<320000xi32, #tpu.memory_space<hbm>> -> memref<32xi32, #tpu.memory_space<hbm>>
    %dma_start3A_51 = tpu.memref_slice %arg3[%add3A_47] : memref<320000xi32, #tpu.memory_space<hbm>> -> memref<32xi32, #tpu.memory_space<hbm>>
    tpu.enqueue_dma source(%dma_start3A_51 : memref<32xi32, #tpu.memory_space<hbm>>) target(%arg11 : memref<32xi32, #tpu.memory_space<vmem>>) target_semaphore(%arg31 : memref<!tpu.dma_semaphore, #tpu.memory_space<semaphore_mem>>)
    %barrier3A = arith.constant 0 : index
    tpu.barrier barrier_id(%barrier3A)
    %scan3A_52 = arith.constant 0 : i32
    %scan3A_53 = arith.constant 0 : i32
    %scan3A_54 = arith.constant 158 : i32
    %scan3A_55 = arith.addi %scan3A_53, %scan3A_54 : i32
    %scan3A_56 = arith.constant 1 : i32
    %scan3A_57 = scf.for %scan3A_65 = %scan3A_53 to %scan3A_55 step %scan3A_56 iter_args(%scan3A_66 = %scan3A_52) -> (i32)  : i32 {
      %mul3A_67 = arith.constant 2 : i32
      %mul3A_68 = arith.muli %scan3A_65, %mul3A_67 : i32
      %add3A_69 = arith.constant 0 : i32
      %add3A_70 = arith.addi %mul3A_68, %add3A_69 : i32
      %add3A_71 = arith.constant 1 : i32
      %add3A_72 = arith.addi %add3A_70, %add3A_71 : i32
      %lt3A_73 = arith.cmpi slt, %add3A_72, %add3A_5 : i32
      %convert_element_type3A_74 = arith.extui %lt3A_73 : i1 to i32
      %cond3A_75 = arith.constant 0 : i32
      %cond3A_76 = arith.cmpi ne, %convert_element_type3A_74, %cond3A_75 : i32
      scf.if %cond3A_76 {
        %dma_wait3A_108 = arith.constant 0 : i32
        %dma_wait3A_109 = tpu.memref_slice %arg2[%dma_wait3A_108] : memref<320000xi32, #tpu.memory_space<hbm>> -> memref<32xi32, #tpu.memory_space<hbm>>
        %dma_wait3A_110 = arith.constant 0 : i32
        %dma_wait3A_111 = tpu.memref_slice %arg2[%dma_wait3A_110] : memref<320000xi32, #tpu.memory_space<hbm>> -> memref<32xi32, #tpu.memory_space<hbm>>
        tpu.wait_dma2 semaphore(%arg29 : memref<!tpu.dma_semaphore, #tpu.memory_space<semaphore_mem>>) src(%dma_wait3A_111 : memref<32xi32, #tpu.memory_space<hbm>>) dst(%arg9 : memref<32xi32, #tpu.memory_space<vmem>>)
        %dma_wait3A_112 = arith.constant 0 : i32
        %dma_wait3A_113 = tpu.memref_slice %arg3[%dma_wait3A_112] : memref<320000xi32, #tpu.memory_space<hbm>> -> memref<32xi32, #tpu.memory_space<hbm>>
        %dma_wait3A_114 = arith.constant 0 : i32
        %dma_wait3A_115 = tpu.memref_slice %arg3[%dma_wait3A_114] : memref<320000xi32, #tpu.memory_space<hbm>> -> memref<32xi32, #tpu.memory_space<hbm>>
        tpu.wait_dma2 semaphore(%arg31 : memref<!tpu.dma_semaphore, #tpu.memory_space<semaphore_mem>>) src(%dma_wait3A_115 : memref<32xi32, #tpu.memory_space<hbm>>) dst(%arg11 : memref<32xi32, #tpu.memory_space<vmem>>)
        %dma_start3A_116 = arith.constant 0 : i32
        %dma_start3A_117 = arith.constant 0 : i32
        %dma_start3A_118 = tpu.memref_slice %arg4[%dma_start3A_116, %dma_start3A_117] : memref<80000x128xf32, #tpu.memory_space<hbm>> -> memref<80000x128xf32, #tpu.memory_space<hbm>>
        tpu.enqueue_indirect_dma source(%dma_start3A_118 : memref<80000x128xf32, #tpu.memory_space<hbm>>) target(%arg19 : memref<32x128xf32, #tpu.memory_space<vmem>>) offsets(%arg9 : memref<32xi32, #tpu.memory_space<vmem>>) semaphore(%arg33 : memref<!tpu.dma_semaphore, #tpu.memory_space<semaphore_mem>>)
        %dma_start3A_119 = arith.constant 0 : i32
        %dma_start3A_120 = arith.constant 0 : i32
        %dma_start3A_121 = tpu.memref_slice %arg6[%dma_start3A_119, %dma_start3A_120] : memref<20000x128xf32, #tpu.memory_space<hbm>> -> memref<20000x128xf32, #tpu.memory_space<hbm>>
        tpu.enqueue_indirect_dma source(%dma_start3A_121 : memref<20000x128xf32, #tpu.memory_space<hbm>>) target(%arg23 : memref<32x128xf32, #tpu.memory_space<vmem>>) offsets(%arg11 : memref<32xi32, #tpu.memory_space<vmem>>) semaphore(%arg35 : memref<!tpu.dma_semaphore, #tpu.memory_space<semaphore_mem>>)
        %dma_start3A_122 = arith.constant 0 : i32
        %dma_start3A_123 = arith.constant 0 : i32
        %dma_start3A_124 = tpu.memref_slice %arg5[%dma_start3A_122, %dma_start3A_123] : memref<80000x128xi32, #tpu.memory_space<hbm>> -> memref<80000x128xi32, #tpu.memory_space<hbm>>
        tpu.enqueue_indirect_dma source(%dma_start3A_124 : memref<80000x128xi32, #tpu.memory_space<hbm>>) target(%arg21 : memref<32x128xi32, #tpu.memory_space<vmem>>) offsets(%arg9 : memref<32xi32, #tpu.memory_space<vmem>>) semaphore(%arg37 : memref<!tpu.dma_semaphore, #tpu.memory_space<semaphore_mem>>)
      } else {
      }
      %lt3A_77 = arith.cmpi slt, %add3A_70, %add3A_5 : i32
      %convert_element_type3A_78 = arith.extui %lt3A_77 : i1 to i32
      %cond3A_79 = arith.constant 0 : i32
      %cond3A_80 = arith.cmpi ne, %convert_element_type3A_78, %cond3A_79 : i32
      scf.if %cond3A_80 {
        %dma_wait3A_108 = arith.constant 0 : i32
        %dma_wait3A_109 = arith.constant 0 : i32
        %dma_wait3A_110 = tpu.memref_slice %arg4[%dma_wait3A_108, %dma_wait3A_109] : memref<80000x128xf32, #tpu.memory_space<hbm>> -> memref<80000x128xf32, #tpu.memory_space<hbm>>
        tpu.wait_indirect_dma semaphore(%arg32 : memref<!tpu.dma_semaphore, #tpu.memory_space<semaphore_mem>>) src(%dma_wait3A_110 : memref<80000x128xf32, #tpu.memory_space<hbm>>) dst(%arg18 : memref<32x128xf32, #tpu.memory_space<vmem>>)
        %dma_wait3A_111 = arith.constant 0 : i32
        %dma_wait3A_112 = arith.constant 0 : i32
        %dma_wait3A_113 = tpu.memref_slice %arg6[%dma_wait3A_111, %dma_wait3A_112] : memref<20000x128xf32, #tpu.memory_space<hbm>> -> memref<20000x128xf32, #tpu.memory_space<hbm>>
        tpu.wait_indirect_dma semaphore(%arg34 : memref<!tpu.dma_semaphore, #tpu.memory_space<semaphore_mem>>) src(%dma_wait3A_113 : memref<20000x128xf32, #tpu.memory_space<hbm>>) dst(%arg22 : memref<32x128xf32, #tpu.memory_space<vmem>>)
        %dma_wait3A_114 = arith.constant 0 : i32
        %dma_wait3A_115 = arith.constant 0 : i32
        %dma_wait3A_116 = tpu.memref_slice %arg5[%dma_wait3A_114, %dma_wait3A_115] : memref<80000x128xi32, #tpu.memory_space<hbm>> -> memref<80000x128xi32, #tpu.memory_space<hbm>>
        tpu.wait_indirect_dma semaphore(%arg36 : memref<!tpu.dma_semaphore, #tpu.memory_space<semaphore_mem>>) src(%dma_wait3A_116 : memref<80000x128xi32, #tpu.memory_space<hbm>>) dst(%arg20 : memref<32x128xi32, #tpu.memory_space<vmem>>)
        %scan3A_117 = arith.constant 0 : i32
        %scan3A_118 = arith.constant 0 : i32
        %scan3A_119 = arith.constant 2 : i32
        %scan3A_120 = arith.addi %scan3A_118, %scan3A_119 : i32
        %scan3A_121 = arith.constant 1 : i32
        %scan3A_122 = scf.for %scan3A_141 = %scan3A_118 to %scan3A_120 step %scan3A_121 iter_args(%scan3A_142 = %scan3A_117) -> (i32)  : i32 {
          %mul3A_143 = arith.constant 16 : i32
          %mul3A_144 = arith.muli %scan3A_141, %mul3A_143 : i32
          %get3A = arith.index_cast %mul3A_144 : i32 to index
          %get3A_145 = tpu.vector_load %arg10[%get3A] {strides = array<i32>} : memref<32xi32, #tpu.memory_space<vmem>>, vector<16xi32>,
          %mul3A_146 = arith.constant 10000 : i32
          %mul3A_147 = arith.muli %arg0, %mul3A_146 : i32
          %sub3A = vector.broadcast %mul3A_147 : i32 to vector<16xi32>
          %sub3A_148 = arith.subi %get3A_145, %sub3A : vector<16xi32>
          %swap3A = arith.index_cast %mul3A_144 : i32 to index
          %swap3A_149 = tpu.vector_load %arg12[%swap3A] {strides = array<i32>} : memref<32xi32, #tpu.memory_space<vmem>>, vector<16xi32>,
          tpu.vector_store %arg12[%swap3A], %sub3A_148 {strides = array<i32>} : memref<32xi32, #tpu.memory_space<vmem>>, vector<16xi32>,
          %scan3A_150 = arith.constant 0 : i32
          scf.yield %scan3A_150 : i32
        }
        %scan3A_123 = arith.constant 2 : i32
        %scan3A_124 = arith.constant 0 : i32
        %scan3A_125 = arith.constant 0 : i32
        %scan3A_126 = arith.constant 2 : i32
        %scan3A_127 = arith.addi %scan3A_125, %scan3A_126 : i32
        %scan3A_128 = arith.constant 1 : i32
        %scan3A_129 = scf.for %scan3A_141 = %scan3A_125 to %scan3A_127 step %scan3A_128 iter_args(%scan3A_142 = %scan3A_124) -> (i32)  : i32 {
          %broadcast_in_dim3A_143 = arith.constant 0.000000e+00 : f32
          %broadcast_in_dim3A_144 = vector.broadcast %broadcast_in_dim3A_143 : f32 to vector<16xf32>
          %scan3A_145 = arith.constant 0 : i32
          %scan3A_146 = arith.constant 16 : i32
          %scan3A_147 = arith.addi %scan3A_145, %scan3A_146 : i32
          %scan3A_148 = arith.constant 1 : i32
          %scan3A_149 = scf.for %scan3A_155 = %scan3A_145 to %scan3A_147 step %scan3A_148 iter_args(%scan3A_156 = %broadcast_in_dim3A_144) -> (vector<16xf32>)  : i32 {
            %mul3A_157 = arith.constant 16 : i32
            %mul3A_158 = arith.muli %scan3A_141, %mul3A_157 : i32
            %add3A_159 = arith.addi %mul3A_158, %scan3A_155 : i32
            %get3A = arith.index_cast %add3A_159 : i32 to index
            %get3A_160 = arith.constant 0 : index
            %get3A_161 = tpu.vector_load %arg18[%get3A, %get3A_160] {strides = array<i32>} : memref<32x128xf32, #tpu.memory_space<vmem>>, vector<16xf32>,
            %get3A_162 = arith.index_cast %add3A_159 : i32 to index
            %get3A_163 = arith.constant 0 : index
            %get3A_164 = tpu.vector_load %arg22[%get3A_162, %get3A_163] {strides = array<i32>} : memref<32x128xf32, #tpu.memory_space<vmem>>, vector<16xf32>,
            %mul3A_165 = arith.mulf %get3A_161, %get3A_164 : vector<16xf32>
            %add3A_166 = arith.addf %broadcast_in_dim3A_11, %mul3A_165 : vector<16xf32>
            %get3A_167 = arith.index_cast %add3A_159 : i32 to index
            %get3A_168 = arith.constant 16 : index
            %get3A_169 = tpu.vector_load %arg18[%get3A_167, %get3A_168] {strides = array<i32>} : memref<32x128xf32, #tpu.memory_space<vmem>>, vector<16xf32>,
            %get3A_170 = arith.index_cast %add3A_159 : i32 to index
            %get3A_171 = arith.constant 16 : index
            %get3A_172 = tpu.vector_load %arg22[%get3A_170, %get3A_171] {strides = array<i32>} : memref<32x128xf32, #tpu.memory_space<vmem>>, vector<16xf32>,
            %mul3A_173 = arith.mulf %get3A_169, %get3A_172 : vector<16xf32>
            %add3A_174 = arith.addf %add3A_166, %mul3A_173 : vector<16xf32>
            %get3A_175 = arith.index_cast %add3A_159 : i32 to index
            %get3A_176 = arith.constant 32 : index
            %get3A_177 = tpu.vector_load %arg18[%get3A_175, %get3A_176] {strides = array<i32>} : memref<32x128xf32, #tpu.memory_space<vmem>>, vector<16xf32>,
            %get3A_178 = arith.index_cast %add3A_159 : i32 to index
            %get3A_179 = arith.constant 32 : index
            %get3A_180 = tpu.vector_load %arg22[%get3A_178, %get3A_179] {strides = array<i32>} : memref<32x128xf32, #tpu.memory_space<vmem>>, vector<16xf32>,
            %mul3A_181 = arith.mulf %get3A_177, %get3A_180 : vector<16xf32>
            %add3A_182 = arith.addf %add3A_174, %mul3A_181 : vector<16xf32>
            %get3A_183 = arith.index_cast %add3A_159 : i32 to index
            %get3A_184 = arith.constant 48 : index
            %get3A_185 = tpu.vector_load %arg18[%get3A_183, %get3A_184] {strides = array<i32>} : memref<32x128xf32, #tpu.memory_space<vmem>>, vector<16xf32>,
            %get3A_186 = arith.index_cast %add3A_159 : i32 to index
            %get3A_187 = arith.constant 48 : index
            %get3A_188 = tpu.vector_load %arg22[%get3A_186, %get3A_187] {strides = array<i32>} : memref<32x128xf32, #tpu.memory_space<vmem>>, vector<16xf32>,
            %mul3A_189 = arith.mulf %get3A_185, %get3A_188 : vector<16xf32>
            %add3A_190 = arith.addf %add3A_182, %mul3A_189 : vector<16xf32>
            %get3A_191 = arith.index_cast %add3A_159 : i32 to index
            %get3A_192 = arith.constant 64 : index
            %get3A_193 = tpu.vector_load %arg18[%get3A_191, %get3A_192] {strides = array<i32>} : memref<32x128xf32, #tpu.memory_space<vmem>>, vector<16xf32>,
            %get3A_194 = arith.index_cast %add3A_159 : i32 to index
            %get3A_195 = arith.constant 64 : index
            %get3A_196 = tpu.vector_load %arg22[%get3A_194, %get3A_195] {strides = array<i32>} : memref<32x128xf32, #tpu.memory_space<vmem>>, vector<16xf32>,
            %mul3A_197 = arith.mulf %get3A_193, %get3A_196 : vector<16xf32>
            %add3A_198 = arith.addf %add3A_190, %mul3A_197 : vector<16xf32>
            %get3A_199 = arith.index_cast %add3A_159 : i32 to index
            %get3A_200 = arith.constant 80 : index
            %get3A_201 = tpu.vector_load %arg18[%get3A_199, %get3A_200] {strides = array<i32>} : memref<32x128xf32, #tpu.memory_space<vmem>>, vector<16xf32>,
            %get3A_202 = arith.index_cast %add3A_159 : i32 to index
            %get3A_203 = arith.constant 80 : index
            %get3A_204 = tpu.vector_load %arg22[%get3A_202, %get3A_203] {strides = array<i32>} : memref<32x128xf32, #tpu.memory_space<vmem>>, vector<16xf32>,
            %mul3A_205 = arith.mulf %get3A_201, %get3A_204 : vector<16xf32>
            %add3A_206 = arith.addf %add3A_198, %mul3A_205 : vector<16xf32>
            %get3A_207 = arith.index_cast %add3A_159 : i32 to index
            %get3A_208 = arith.constant 96 : index
            %get3A_209 = tpu.vector_load %arg18[%get3A_207, %get3A_208] {strides = array<i32>} : memref<32x128xf32, #tpu.memory_space<vmem>>, vector<16xf32>,
            %get3A_210 = arith.index_cast %add3A_159 : i32 to index
            %get3A_211 = arith.constant 96 : index
            %get3A_212 = tpu.vector_load %arg22[%get3A_210, %get3A_211] {strides = array<i32>} : memref<32x128xf32, #tpu.memory_space<vmem>>, vector<16xf32>,
            %mul3A_213 = arith.mulf %get3A_209, %get3A_212 : vector<16xf32>
            %add3A_214 = arith.addf %add3A_206, %mul3A_213 : vector<16xf32>
            %get3A_215 = arith.index_cast %add3A_159 : i32 to index
            %get3A_216 = arith.constant 112 : index
            %get3A_217 = tpu.vector_load %arg18[%get3A_215, %get3A_216] {strides = array<i32>} : memref<32x128xf32, #tpu.memory_space<vmem>>, vector<16xf32>,
            %get3A_218 = arith.index_cast %add3A_159 : i32 to index
            %get3A_219 = arith.constant 112 : index
            %get3A_220 = tpu.vector_load %arg22[%get3A_218, %get3A_219] {strides = array<i32>} : memref<32x128xf32, #tpu.memory_space<vmem>>, vector<16xf32>,
            %mul3A_221 = arith.mulf %get3A_217, %get3A_220 : vector<16xf32>
            %add3A_222 = arith.addf %add3A_214, %mul3A_221 : vector<16xf32>
            %reduce_sum3A = arith.constant true
            %reduce_sum3A_223 = vector.broadcast %reduce_sum3A : i1 to vector<16xi1>
            %reduce_sum3A_224 = tpu.scan <sum>, %add3A_222 masked %reduce_sum3A_223 : vector<16xf32>, vector<16xi1> -> vector<16xf32>
            %reduce_sum3A_225 = vector.extract %reduce_sum3A_224[15] : f32 from vector<16xf32>
            %mul3A_226 = arith.constant 6.250000e-02 : f32
            %mul3A_227 = arith.mulf %reduce_sum3A_225, %mul3A_226 : f32
            %max3A = arith.constant 0.000000e+00 : f32
            %max3A_228 = arith.maximumf %mul3A_227, %max3A : f32
            %mul3A_229 = arith.mulf %max3A_228, %max3A_228 : f32
            %add3A_230 = arith.constant 1.000000e-10 : f32
            %add3A_231 = arith.addf %mul3A_229, %add3A_230 : f32
            %get3A_232 = arith.index_cast %add3A_159 : i32 to index
            %get3A_233 = arith.constant 0 : index
            %get3A_234 = tpu.vector_load %arg20[%get3A_232, %get3A_233] {strides = array<i32>} : memref<32x128xi32, #tpu.memory_space<vmem>>, vector<16xi32>,
            %bitcast3A = vector.bitcast %get3A_234 : vector<16xi32> to vector<32xbf16>
            %unpack3A = tpu.unpack_subelements %bitcast3A, 0 {pack_format = #tpu.pack_format<interleaved>} : vector<32xbf16> -> vector<16xf32>
            %unpack3A_235 = tpu.unpack_subelements %bitcast3A, 1 {pack_format = #tpu.pack_format<interleaved>} : vector<32xbf16> -> vector<16xf32>
            %mul3A_236 = vector.broadcast %add3A_231 : f32 to vector<16xf32>
            %mul3A_237 = arith.mulf %unpack3A, %mul3A_236 : vector<16xf32>
            %swap3A_238 = arith.index_cast %add3A_159 : i32 to index
            %swap3A_239 = arith.constant 0 : index
            %swap3A_240 = tpu.vector_load %arg24[%swap3A_238, %swap3A_239] {strides = array<i32>} : memref<32x128xf32, #tpu.memory_space<vmem>>, vector<16xf32>,
            tpu.vector_store %arg24[%swap3A_238, %swap3A_239], %mul3A_237 {strides = array<i32>} : memref<32x128xf32, #tpu.memory_space<vmem>>, vector<16xf32>,
            %mul3A_241 = vector.broadcast %add3A_231 : f32 to vector<16xf32>
            %mul3A_242 = arith.mulf %unpack3A_235, %mul3A_241 : vector<16xf32>
            %swap3A_243 = arith.index_cast %add3A_159 : i32 to index
            %swap3A_244 = arith.constant 16 : index
            %swap3A_245 = tpu.vector_load %arg24[%swap3A_243, %swap3A_244] {strides = array<i32>} : memref<32x128xf32, #tpu.memory_space<vmem>>, vector<16xf32>,
            tpu.vector_store %arg24[%swap3A_243, %swap3A_244], %mul3A_242 {strides = array<i32>} : memref<32x128xf32, #tpu.memory_space<vmem>>, vector<16xf32>,
            %get3A_246 = arith.index_cast %add3A_159 : i32 to index
            %get3A_247 = arith.constant 16 : index
            %get3A_248 = tpu.vector_load %arg20[%get3A_246, %get3A_247] {strides = array<i32>} : memref<32x128xi32, #tpu.memory_space<vmem>>, vector<16xi32>,
            %bitcast3A_249 = vector.bitcast %get3A_248 : vector<16xi32> to vector<32xbf16>
            %unpack3A_250 = tpu.unpack_subelements %bitcast3A_249, 0 {pack_format = #tpu.pack_format<interleaved>} : vector<32xbf16> -> vector<16xf32>
            %unpack3A_251 = tpu.unpack_subelements %bitcast3A_249, 1 {pack_format = #tpu.pack_format<interleaved>} : vector<32xbf16> -> vector<16xf32>
            %mul3A_252 = vector.broadcast %add3A_231 : f32 to vector<16xf32>
            %mul3A_253 = arith.mulf %unpack3A_250, %mul3A_252 : vector<16xf32>
            %swap3A_254 = arith.index_cast %add3A_159 : i32 to index
            %swap3A_255 = arith.constant 32 : index
            %swap3A_256 = tpu.vector_load %arg24[%swap3A_254, %swap3A_255] {strides = array<i32>} : memref<32x128xf32, #tpu.memory_space<vmem>>, vector<16xf32>,
            tpu.vector_store %arg24[%swap3A_254, %swap3A_255], %mul3A_253 {strides = array<i32>} : memref<32x128xf32, #tpu.memory_space<vmem>>, vector<16xf32>,
            %mul3A_257 = vector.broadcast %add3A_231 : f32 to vector<16xf32>
            %mul3A_258 = arith.mulf %unpack3A_251, %mul3A_257 : vector<16xf32>
            %swap3A_259 = arith.index_cast %add3A_159 : i32 to index
            %swap3A_260 = arith.constant 48 : index
            %swap3A_261 = tpu.vector_load %arg24[%swap3A_259, %swap3A_260] {strides = array<i32>} : memref<32x128xf32, #tpu.memory_space<vmem>>, vector<16xf32>,
            tpu.vector_store %arg24[%swap3A_259, %swap3A_260], %mul3A_258 {strides = array<i32>} : memref<32x128xf32, #tpu.memory_space<vmem>>, vector<16xf32>,
            %get3A_262 = arith.index_cast %add3A_159 : i32 to index
            %get3A_263 = arith.constant 32 : index
            %get3A_264 = tpu.vector_load %arg20[%get3A_262, %get3A_263] {strides = array<i32>} : memref<32x128xi32, #tpu.memory_space<vmem>>, vector<16xi32>,
            %bitcast3A_265 = vector.bitcast %get3A_264 : vector<16xi32> to vector<32xbf16>
            %unpack3A_266 = tpu.unpack_subelements %bitcast3A_265, 0 {pack_format = #tpu.pack_format<interleaved>} : vector<32xbf16> -> vector<16xf32>
            %unpack3A_267 = tpu.unpack_subelements %bitcast3A_265, 1 {pack_format = #tpu.pack_format<interleaved>} : vector<32xbf16> -> vector<16xf32>
            %mul3A_268 = vector.broadcast %add3A_231 : f32 to vector<16xf32>
            %mul3A_269 = arith.mulf %unpack3A_266, %mul3A_268 : vector<16xf32>
            %swap3A_270 = arith.index_cast %add3A_159 : i32 to index
            %swap3A_271 = arith.constant 64 : index
            %swap3A_272 = tpu.vector_load %arg24[%swap3A_270, %swap3A_271] {strides = array<i32>} : memref<32x128xf32, #tpu.memory_space<vmem>>, vector<16xf32>,
            tpu.vector_store %arg24[%swap3A_270, %swap3A_271], %mul3A_269 {strides = array<i32>} : memref<32x128xf32, #tpu.memory_space<vmem>>, vector<16xf32>,
            %mul3A_273 = vector.broadcast %add3A_231 : f32 to vector<16xf32>
            %mul3A_274 = arith.mulf %unpack3A_267, %mul3A_273 : vector<16xf32>
            %swap3A_275 = arith.index_cast %add3A_159 : i32 to index
            %swap3A_276 = arith.constant 80 : index
            %swap3A_277 = tpu.vector_load %arg24[%swap3A_275, %swap3A_276] {strides = array<i32>} : memref<32x128xf32, #tpu.memory_space<vmem>>, vector<16xf32>,
            tpu.vector_store %arg24[%swap3A_275, %swap3A_276], %mul3A_274 {strides = array<i32>} : memref<32x128xf32, #tpu.memory_space<vmem>>, vector<16xf32>,
            %get3A_278 = arith.index_cast %add3A_159 : i32 to index
            %get3A_279 = arith.constant 48 : index
            %get3A_280 = tpu.vector_load %arg20[%get3A_278, %get3A_279] {strides = array<i32>} : memref<32x128xi32, #tpu.memory_space<vmem>>, vector<16xi32>,
            %bitcast3A_281 = vector.bitcast %get3A_280 : vector<16xi32> to vector<32xbf16>
            %unpack3A_282 = tpu.unpack_subelements %bitcast3A_281, 0 {pack_format = #tpu.pack_format<interleaved>} : vector<32xbf16> -> vector<16xf32>
            %unpack3A_283 = tpu.unpack_subelements %bitcast3A_281, 1 {pack_format = #tpu.pack_format<interleaved>} : vector<32xbf16> -> vector<16xf32>
            %mul3A_284 = vector.broadcast %add3A_231 : f32 to vector<16xf32>
            %mul3A_285 = arith.mulf %unpack3A_282, %mul3A_284 : vector<16xf32>
            %swap3A_286 = arith.index_cast %add3A_159 : i32 to index
            %swap3A_287 = arith.constant 96 : index
            %swap3A_288 = tpu.vector_load %arg24[%swap3A_286, %swap3A_287] {strides = array<i32>} : memref<32x128xf32, #tpu.memory_space<vmem>>, vector<16xf32>,
            tpu.vector_store %arg24[%swap3A_286, %swap3A_287], %mul3A_285 {strides = array<i32>} : memref<32x128xf32, #tpu.memory_space<vmem>>, vector<16xf32>,
            %mul3A_289 = vector.broadcast %add3A_231 : f32 to vector<16xf32>
            %mul3A_290 = arith.mulf %unpack3A_283, %mul3A_289 : vector<16xf32>
            %swap3A_291 = arith.index_cast %add3A_159 : i32 to index
            %swap3A_292 = arith.constant 112 : index
            %swap3A_293 = tpu.vector_load %arg24[%swap3A_291, %swap3A_292] {strides = array<i32>} : memref<32x128xf32, #tpu.memory_space<vmem>>, vector<16xf32>,
            tpu.vector_store %arg24[%swap3A_291, %swap3A_292], %mul3A_290 {strides = array<i32>} : memref<32x128xf32, #tpu.memory_space<vmem>>, vector<16xf32>,
            %eq3A_294 = vector.broadcast %scan3A_155 : i32 to vector<16xi32>
            %eq3A_295 = arith.cmpi eq, %iota3A, %eq3A_294 : vector<16xi32>
            %broadcast_in_dim3A_296 = vector.broadcast %add3A_231 : f32 to vector<16xf32>
            %select_n3A_297 = arith.select %eq3A_295, %broadcast_in_dim3A_296, %scan3A_156 : vector<16xi1>, vector<16xf32>
            scf.yield %select_n3A_297 : vector<16xf32>
          }
          %scan3A_150 = arith.constant 16 : i32
          %mul3A_151 = arith.constant 16 : i32
          %mul3A_152 = arith.muli %scan3A_141, %mul3A_151 : i32
          %swap3A = arith.index_cast %mul3A_152 : i32 to index
          %swap3A_153 = tpu.vector_load %arg14[%swap3A] {strides = array<i32>} : memref<32xf32, #tpu.memory_space<vmem>>, vector<16xf32>,
          tpu.vector_store %arg14[%swap3A], %scan3A_149 {strides = array<i32>} : memref<32xf32, #tpu.memory_space<vmem>>, vector<16xf32>,
          %scan3A_154 = arith.constant 0 : i32
          scf.yield %scan3A_154 : i32
        }
        %scan3A_130 = arith.constant 2 : i32
        %dma_start3A_131 = arith.constant 0 : i32
        %dma_start3A_132 = tpu.memref_slice %arg26[%dma_start3A_131] : memref<10000xf32, #tpu.memory_space<vmem_shared>> -> memref<10000xf32, #tpu.memory_space<vmem_shared>>
        tpu.enqueue_indirect_dma source(%arg14 : memref<32xf32, #tpu.memory_space<vmem>>) target(%dma_start3A_132 : memref<10000xf32, #tpu.memory_space<vmem_shared>>) offsets(%arg12 : memref<32xi32, #tpu.memory_space<vmem>>) semaphore(%arg38 : memref<!tpu.dma_semaphore, #tpu.memory_space<semaphore_mem>>) {add = true}
        %dma_start3A_133 = arith.constant 0 : i32
        %dma_start3A_134 = arith.constant 0 : i32
        %dma_start3A_135 = tpu.memref_slice %arg27[%dma_start3A_133, %dma_start3A_134] : memref<10000x128xf32, #tpu.memory_space<vmem_shared>> -> memref<10000x128xf32, #tpu.memory_space<vmem_shared>>
        tpu.enqueue_indirect_dma source(%arg24 : memref<32x128xf32, #tpu.memory_space<vmem>>) target(%dma_start3A_135 : memref<10000x128xf32, #tpu.memory_space<vmem_shared>>) offsets(%arg12 : memref<32xi32, #tpu.memory_space<vmem>>) semaphore(%arg40 : memref<!tpu.dma_semaphore, #tpu.memory_space<semaphore_mem>>) {add = true}
        %dma_wait3A_136 = arith.constant 0 : i32
        %dma_wait3A_137 = tpu.memref_slice %arg26[%dma_wait3A_136] : memref<10000xf32, #tpu.memory_space<vmem_shared>> -> memref<10000xf32, #tpu.memory_space<vmem_shared>>
        tpu.wait_indirect_dma semaphore(%arg38 : memref<!tpu.dma_semaphore, #tpu.memory_space<semaphore_mem>>) src(%arg14 : memref<32xf32, #tpu.memory_space<vmem>>) dst(%dma_wait3A_137 : memref<10000xf32, #tpu.memory_space<vmem_shared>>)
        %dma_wait3A_138 = arith.constant 0 : i32
        %dma_wait3A_139 = arith.constant 0 : i32
        %dma_wait3A_140 = tpu.memref_slice %arg27[%dma_wait3A_138, %dma_wait3A_139] : memref<10000x128xf32, #tpu.memory_space<vmem_shared>> -> memref<10000x128xf32, #tpu.memory_space<vmem_shared>>
        tpu.wait_indirect_dma semaphore(%arg40 : memref<!tpu.dma_semaphore, #tpu.memory_space<semaphore_mem>>) src(%arg24 : memref<32x128xf32, #tpu.memory_space<vmem>>) dst(%dma_wait3A_140 : memref<10000x128xf32, #tpu.memory_space<vmem_shared>>)
      } else {
      }
      %add3A_81 = arith.constant 2 : i32
      %add3A_82 = arith.addi %add3A_70, %add3A_81 : i32
      %lt3A_83 = arith.cmpi slt, %add3A_82, %add3A_5 : i32
      %convert_element_type3A_84 = arith.extui %lt3A_83 : i1 to i32
      %cond3A_85 = arith.constant 0 : i32
      %cond3A_86 = arith.cmpi ne, %convert_element_type3A_84, %cond3A_85 : i32
      scf.if %cond3A_86 {
        %add3A_108 = arith.constant 2 : i32
        %add3A_109 = arith.addi %add3A_70, %add3A_108 : i32
        %mul3A_110 = arith.constant 32 : i32
        %mul3A_111 = arith.muli %add3A_109, %mul3A_110 : i32
        %add3A_112 = arith.addi %add3A_10, %mul3A_111 : i32
        %dma_start3A_113 = tpu.memref_slice %arg2[%add3A_112] : memref<320000xi32, #tpu.memory_space<hbm>> -> memref<32xi32, #tpu.memory_space<hbm>>
        %dma_start3A_114 = tpu.memref_slice %arg2[%add3A_112] : memref<320000xi32, #tpu.memory_space<hbm>> -> memref<32xi32, #tpu.memory_space<hbm>>
        tpu.enqueue_dma source(%dma_start3A_114 : memref<32xi32, #tpu.memory_space<hbm>>) target(%arg8 : memref<32xi32, #tpu.memory_space<vmem>>) target_semaphore(%arg28 : memref<!tpu.dma_semaphore, #tpu.memory_space<semaphore_mem>>)
        %dma_start3A_115 = tpu.memref_slice %arg3[%add3A_112] : memref<320000xi32, #tpu.memory_space<hbm>> -> memref<32xi32, #tpu.memory_space<hbm>>
        %dma_start3A_116 = tpu.memref_slice %arg3[%add3A_112] : memref<320000xi32, #tpu.memory_space<hbm>> -> memref<32xi32, #tpu.memory_space<hbm>>
        tpu.enqueue_dma source(%dma_start3A_116 : memref<32xi32, #tpu.memory_space<hbm>>) target(%arg10 : memref<32xi32, #tpu.memory_space<vmem>>) target_semaphore(%arg30 : memref<!tpu.dma_semaphore, #tpu.memory_space<semaphore_mem>>)
      } else {
      }
      %mul3A_87 = arith.constant 2 : i32
      %mul3A_88 = arith.muli %scan3A_65, %mul3A_87 : i32
      %add3A_89 = arith.constant 1 : i32
      %add3A_90 = arith.addi %mul3A_88, %add3A_89 : i32
      %add3A_91 = arith.constant 1 : i32
      %add3A_92 = arith.addi %add3A_90, %add3A_91 : i32
      %lt3A_93 = arith.cmpi slt, %add3A_92, %add3A_5 : i32
      %convert_element_type3A_94 = arith.extui %lt3A_93 : i1 to i32
      %cond3A_95 = arith.constant 0 : i32
      %cond3A_96 = arith.cmpi ne, %convert_element_type3A_94, %cond3A_95 : i32
      scf.if %cond3A_96 {
        %dma_wait3A_108 = arith.constant 0 : i32
        %dma_wait3A_109 = tpu.memref_slice %arg2[%dma_wait3A_108] : memref<320000xi32, #tpu.memory_space<hbm>> -> memref<32xi32, #tpu.memory_space<hbm>>
        %dma_wait3A_110 = arith.constant 0 : i32
        %dma_wait3A_111 = tpu.memref_slice %arg2[%dma_wait3A_110] : memref<320000xi32, #tpu.memory_space<hbm>> -> memref<32xi32, #tpu.memory_space<hbm>>
        tpu.wait_dma2 semaphore(%arg28 : memref<!tpu.dma_semaphore, #tpu.memory_space<semaphore_mem>>) src(%dma_wait3A_111 : memref<32xi32, #tpu.memory_space<hbm>>) dst(%arg8 : memref<32xi32, #tpu.memory_space<vmem>>)
        %dma_wait3A_112 = arith.constant 0 : i32
        %dma_wait3A_113 = tpu.memref_slice %arg3[%dma_wait3A_112] : memref<320000xi32, #tpu.memory_space<hbm>> -> memref<32xi32, #tpu.memory_space<hbm>>
        %dma_wait3A_114 = arith.constant 0 : i32
        %dma_wait3A_115 = tpu.memref_slice %arg3[%dma_wait3A_114] : memref<320000xi32, #tpu.memory_space<hbm>> -> memref<32xi32, #tpu.memory_space<hbm>>
        tpu.wait_dma2 semaphore(%arg30 : memref<!tpu.dma_semaphore, #tpu.memory_space<semaphore_mem>>) src(%dma_wait3A_115 : memref<32xi32, #tpu.memory_space<hbm>>) dst(%arg10 : memref<32xi32, #tpu.memory_space<vmem>>)
        %dma_start3A_116 = arith.constant 0 : i32
        %dma_start3A_117 = arith.constant 0 : i32
        %dma_start3A_118 = tpu.memref_slice %arg4[%dma_start3A_116, %dma_start3A_117] : memref<80000x128xf32, #tpu.memory_space<hbm>> -> memref<80000x128xf32, #tpu.memory_space<hbm>>
        tpu.enqueue_indirect_dma source(%dma_start3A_118 : memref<80000x128xf32, #tpu.memory_space<hbm>>) target(%arg18 : memref<32x128xf32, #tpu.memory_space<vmem>>) offsets(%arg8 : memref<32xi32, #tpu.memory_space<vmem>>) semaphore(%arg32 : memref<!tpu.dma_semaphore, #tpu.memory_space<semaphore_mem>>)
        %dma_start3A_119 = arith.constant 0 : i32
        %dma_start3A_120 = arith.constant 0 : i32
        %dma_start3A_121 = tpu.memref_slice %arg6[%dma_start3A_119, %dma_start3A_120] : memref<20000x128xf32, #tpu.memory_space<hbm>> -> memref<20000x128xf32, #tpu.memory_space<hbm>>
        tpu.enqueue_indirect_dma source(%dma_start3A_121 : memref<20000x128xf32, #tpu.memory_space<hbm>>) target(%arg22 : memref<32x128xf32, #tpu.memory_space<vmem>>) offsets(%arg10 : memref<32xi32, #tpu.memory_space<vmem>>) semaphore(%arg34 : memref<!tpu.dma_semaphore, #tpu.memory_space<semaphore_mem>>)
        %dma_start3A_122 = arith.constant 0 : i32
        %dma_start3A_123 = arith.constant 0 : i32
        %dma_start3A_124 = tpu.memref_slice %arg5[%dma_start3A_122, %dma_start3A_123] : memref<80000x128xi32, #tpu.memory_space<hbm>> -> memref<80000x128xi32, #tpu.memory_space<hbm>>
        tpu.enqueue_indirect_dma source(%dma_start3A_124 : memref<80000x128xi32, #tpu.memory_space<hbm>>) target(%arg20 : memref<32x128xi32, #tpu.memory_space<vmem>>) offsets(%arg8 : memref<32xi32, #tpu.memory_space<vmem>>) semaphore(%arg36 : memref<!tpu.dma_semaphore, #tpu.memory_space<semaphore_mem>>)
      } else {
      }
      %lt3A_97 = arith.cmpi slt, %add3A_90, %add3A_5 : i32
      %convert_element_type3A_98 = arith.extui %lt3A_97 : i1 to i32
      %cond3A_99 = arith.constant 0 : i32
      %cond3A_100 = arith.cmpi ne, %convert_element_type3A_98, %cond3A_99 : i32
      scf.if %cond3A_100 {
        %dma_wait3A_108 = arith.constant 0 : i32
        %dma_wait3A_109 = arith.constant 0 : i32
        %dma_wait3A_110 = tpu.memref_slice %arg4[%dma_wait3A_108, %dma_wait3A_109] : memref<80000x128xf32, #tpu.memory_space<hbm>> -> memref<80000x128xf32, #tpu.memory_space<hbm>>
        tpu.wait_indirect_dma semaphore(%arg33 : memref<!tpu.dma_semaphore, #tpu.memory_space<semaphore_mem>>) src(%dma_wait3A_110 : memref<80000x128xf32, #tpu.memory_space<hbm>>) dst(%arg19 : memref<32x128xf32, #tpu.memory_space<vmem>>)
        %dma_wait3A_111 = arith.constant 0 : i32
        %dma_wait3A_112 = arith.constant 0 : i32
        %dma_wait3A_113 = tpu.memref_slice %arg6[%dma_wait3A_111, %dma_wait3A_112] : memref<20000x128xf32, #tpu.memory_space<hbm>> -> memref<20000x128xf32, #tpu.memory_space<hbm>>
        tpu.wait_indirect_dma semaphore(%arg35 : memref<!tpu.dma_semaphore, #tpu.memory_space<semaphore_mem>>) src(%dma_wait3A_113 : memref<20000x128xf32, #tpu.memory_space<hbm>>) dst(%arg23 : memref<32x128xf32, #tpu.memory_space<vmem>>)
        %dma_wait3A_114 = arith.constant 0 : i32
        %dma_wait3A_115 = arith.constant 0 : i32
        %dma_wait3A_116 = tpu.memref_slice %arg5[%dma_wait3A_114, %dma_wait3A_115] : memref<80000x128xi32, #tpu.memory_space<hbm>> -> memref<80000x128xi32, #tpu.memory_space<hbm>>
        tpu.wait_indirect_dma semaphore(%arg37 : memref<!tpu.dma_semaphore, #tpu.memory_space<semaphore_mem>>) src(%dma_wait3A_116 : memref<80000x128xi32, #tpu.memory_space<hbm>>) dst(%arg21 : memref<32x128xi32, #tpu.memory_space<vmem>>)
        %scan3A_117 = arith.constant 0 : i32
        %scan3A_118 = arith.constant 0 : i32
        %scan3A_119 = arith.constant 2 : i32
        %scan3A_120 = arith.addi %scan3A_118, %scan3A_119 : i32
        %scan3A_121 = arith.constant 1 : i32
        %scan3A_122 = scf.for %scan3A_141 = %scan3A_118 to %scan3A_120 step %scan3A_121 iter_args(%scan3A_142 = %scan3A_117) -> (i32)  : i32 {
          %mul3A_143 = arith.constant 16 : i32
          %mul3A_144 = arith.muli %scan3A_141, %mul3A_143 : i32
          %get3A = arith.index_cast %mul3A_144 : i32 to index
          %get3A_145 = tpu.vector_load %arg11[%get3A] {strides = array<i32>} : memref<32xi32, #tpu.memory_space<vmem>>, vector<16xi32>,
          %mul3A_146 = arith.constant 10000 : i32
          %mul3A_147 = arith.muli %arg0, %mul3A_146 : i32
          %sub3A = vector.broadcast %mul3A_147 : i32 to vector<16xi32>
          %sub3A_148 = arith.subi %get3A_145, %sub3A : vector<16xi32>
          %swap3A = arith.index_cast %mul3A_144 : i32 to index
          %swap3A_149 = tpu.vector_load %arg13[%swap3A] {strides = array<i32>} : memref<32xi32, #tpu.memory_space<vmem>>, vector<16xi32>,
          tpu.vector_store %arg13[%swap3A], %sub3A_148 {strides = array<i32>} : memref<32xi32, #tpu.memory_space<vmem>>, vector<16xi32>,
          %scan3A_150 = arith.constant 0 : i32
          scf.yield %scan3A_150 : i32
        }
        %scan3A_123 = arith.constant 2 : i32
        %scan3A_124 = arith.constant 0 : i32
        %scan3A_125 = arith.constant 0 : i32
        %scan3A_126 = arith.constant 2 : i32
        %scan3A_127 = arith.addi %scan3A_125, %scan3A_126 : i32
        %scan3A_128 = arith.constant 1 : i32
        %scan3A_129 = scf.for %scan3A_141 = %scan3A_125 to %scan3A_127 step %scan3A_128 iter_args(%scan3A_142 = %scan3A_124) -> (i32)  : i32 {
          %broadcast_in_dim3A_143 = arith.constant 0.000000e+00 : f32
          %broadcast_in_dim3A_144 = vector.broadcast %broadcast_in_dim3A_143 : f32 to vector<16xf32>
          %scan3A_145 = arith.constant 0 : i32
          %scan3A_146 = arith.constant 16 : i32
          %scan3A_147 = arith.addi %scan3A_145, %scan3A_146 : i32
          %scan3A_148 = arith.constant 1 : i32
          %scan3A_149 = scf.for %scan3A_155 = %scan3A_145 to %scan3A_147 step %scan3A_148 iter_args(%scan3A_156 = %broadcast_in_dim3A_144) -> (vector<16xf32>)  : i32 {
            %mul3A_157 = arith.constant 16 : i32
            %mul3A_158 = arith.muli %scan3A_141, %mul3A_157 : i32
            %add3A_159 = arith.addi %mul3A_158, %scan3A_155 : i32
            %get3A = arith.index_cast %add3A_159 : i32 to index
            %get3A_160 = arith.constant 0 : index
            %get3A_161 = tpu.vector_load %arg19[%get3A, %get3A_160] {strides = array<i32>} : memref<32x128xf32, #tpu.memory_space<vmem>>, vector<16xf32>,
            %get3A_162 = arith.index_cast %add3A_159 : i32 to index
            %get3A_163 = arith.constant 0 : index
            %get3A_164 = tpu.vector_load %arg23[%get3A_162, %get3A_163] {strides = array<i32>} : memref<32x128xf32, #tpu.memory_space<vmem>>, vector<16xf32>,
            %mul3A_165 = arith.mulf %get3A_161, %get3A_164 : vector<16xf32>
            %add3A_166 = arith.addf %broadcast_in_dim3A_11, %mul3A_165 : vector<16xf32>
            %get3A_167 = arith.index_cast %add3A_159 : i32 to index
            %get3A_168 = arith.constant 16 : index
            %get3A_169 = tpu.vector_load %arg19[%get3A_167, %get3A_168] {strides = array<i32>} : memref<32x128xf32, #tpu.memory_space<vmem>>, vector<16xf32>,
            %get3A_170 = arith.index_cast %add3A_159 : i32 to index
            %get3A_171 = arith.constant 16 : index
            %get3A_172 = tpu.vector_load %arg23[%get3A_170, %get3A_171] {strides = array<i32>} : memref<32x128xf32, #tpu.memory_space<vmem>>, vector<16xf32>,
            %mul3A_173 = arith.mulf %get3A_169, %get3A_172 : vector<16xf32>
            %add3A_174 = arith.addf %add3A_166, %mul3A_173 : vector<16xf32>
            %get3A_175 = arith.index_cast %add3A_159 : i32 to index
            %get3A_176 = arith.constant 32 : index
            %get3A_177 = tpu.vector_load %arg19[%get3A_175, %get3A_176] {strides = array<i32>} : memref<32x128xf32, #tpu.memory_space<vmem>>, vector<16xf32>,
            %get3A_178 = arith.index_cast %add3A_159 : i32 to index
            %get3A_179 = arith.constant 32 : index
            %get3A_180 = tpu.vector_load %arg23[%get3A_178, %get3A_179] {strides = array<i32>} : memref<32x128xf32, #tpu.memory_space<vmem>>, vector<16xf32>,
            %mul3A_181 = arith.mulf %get3A_177, %get3A_180 : vector<16xf32>
            %add3A_182 = arith.addf %add3A_174, %mul3A_181 : vector<16xf32>
            %get3A_183 = arith.index_cast %add3A_159 : i32 to index
            %get3A_184 = arith.constant 48 : index
            %get3A_185 = tpu.vector_load %arg19[%get3A_183, %get3A_184] {strides = array<i32>} : memref<32x128xf32, #tpu.memory_space<vmem>>, vector<16xf32>,
            %get3A_186 = arith.index_cast %add3A_159 : i32 to index
            %get3A_187 = arith.constant 48 : index
            %get3A_188 = tpu.vector_load %arg23[%get3A_186, %get3A_187] {strides = array<i32>} : memref<32x128xf32, #tpu.memory_space<vmem>>, vector<16xf32>,
            %mul3A_189 = arith.mulf %get3A_185, %get3A_188 : vector<16xf32>
            %add3A_190 = arith.addf %add3A_182, %mul3A_189 : vector<16xf32>
            %get3A_191 = arith.index_cast %add3A_159 : i32 to index
            %get3A_192 = arith.constant 64 : index
            %get3A_193 = tpu.vector_load %arg19[%get3A_191, %get3A_192] {strides = array<i32>} : memref<32x128xf32, #tpu.memory_space<vmem>>, vector<16xf32>,
            %get3A_194 = arith.index_cast %add3A_159 : i32 to index
            %get3A_195 = arith.constant 64 : index
            %get3A_196 = tpu.vector_load %arg23[%get3A_194, %get3A_195] {strides = array<i32>} : memref<32x128xf32, #tpu.memory_space<vmem>>, vector<16xf32>,
            %mul3A_197 = arith.mulf %get3A_193, %get3A_196 : vector<16xf32>
            %add3A_198 = arith.addf %add3A_190, %mul3A_197 : vector<16xf32>
            %get3A_199 = arith.index_cast %add3A_159 : i32 to index
            %get3A_200 = arith.constant 80 : index
            %get3A_201 = tpu.vector_load %arg19[%get3A_199, %get3A_200] {strides = array<i32>} : memref<32x128xf32, #tpu.memory_space<vmem>>, vector<16xf32>,
            %get3A_202 = arith.index_cast %add3A_159 : i32 to index
            %get3A_203 = arith.constant 80 : index
            %get3A_204 = tpu.vector_load %arg23[%get3A_202, %get3A_203] {strides = array<i32>} : memref<32x128xf32, #tpu.memory_space<vmem>>, vector<16xf32>,
            %mul3A_205 = arith.mulf %get3A_201, %get3A_204 : vector<16xf32>
            %add3A_206 = arith.addf %add3A_198, %mul3A_205 : vector<16xf32>
            %get3A_207 = arith.index_cast %add3A_159 : i32 to index
            %get3A_208 = arith.constant 96 : index
            %get3A_209 = tpu.vector_load %arg19[%get3A_207, %get3A_208] {strides = array<i32>} : memref<32x128xf32, #tpu.memory_space<vmem>>, vector<16xf32>,
            %get3A_210 = arith.index_cast %add3A_159 : i32 to index
            %get3A_211 = arith.constant 96 : index
            %get3A_212 = tpu.vector_load %arg23[%get3A_210, %get3A_211] {strides = array<i32>} : memref<32x128xf32, #tpu.memory_space<vmem>>, vector<16xf32>,
            %mul3A_213 = arith.mulf %get3A_209, %get3A_212 : vector<16xf32>
            %add3A_214 = arith.addf %add3A_206, %mul3A_213 : vector<16xf32>
            %get3A_215 = arith.index_cast %add3A_159 : i32 to index
            %get3A_216 = arith.constant 112 : index
            %get3A_217 = tpu.vector_load %arg19[%get3A_215, %get3A_216] {strides = array<i32>} : memref<32x128xf32, #tpu.memory_space<vmem>>, vector<16xf32>,
            %get3A_218 = arith.index_cast %add3A_159 : i32 to index
            %get3A_219 = arith.constant 112 : index
            %get3A_220 = tpu.vector_load %arg23[%get3A_218, %get3A_219] {strides = array<i32>} : memref<32x128xf32, #tpu.memory_space<vmem>>, vector<16xf32>,
            %mul3A_221 = arith.mulf %get3A_217, %get3A_220 : vector<16xf32>
            %add3A_222 = arith.addf %add3A_214, %mul3A_221 : vector<16xf32>
            %reduce_sum3A = arith.constant true
            %reduce_sum3A_223 = vector.broadcast %reduce_sum3A : i1 to vector<16xi1>
            %reduce_sum3A_224 = tpu.scan <sum>, %add3A_222 masked %reduce_sum3A_223 : vector<16xf32>, vector<16xi1> -> vector<16xf32>
            %reduce_sum3A_225 = vector.extract %reduce_sum3A_224[15] : f32 from vector<16xf32>
            %mul3A_226 = arith.constant 6.250000e-02 : f32
            %mul3A_227 = arith.mulf %reduce_sum3A_225, %mul3A_226 : f32
            %max3A = arith.constant 0.000000e+00 : f32
            %max3A_228 = arith.maximumf %mul3A_227, %max3A : f32
            %mul3A_229 = arith.mulf %max3A_228, %max3A_228 : f32
            %add3A_230 = arith.constant 1.000000e-10 : f32
            %add3A_231 = arith.addf %mul3A_229, %add3A_230 : f32
            %get3A_232 = arith.index_cast %add3A_159 : i32 to index
            %get3A_233 = arith.constant 0 : index
            %get3A_234 = tpu.vector_load %arg21[%get3A_232, %get3A_233] {strides = array<i32>} : memref<32x128xi32, #tpu.memory_space<vmem>>, vector<16xi32>,
            %bitcast3A = vector.bitcast %get3A_234 : vector<16xi32> to vector<32xbf16>
            %unpack3A = tpu.unpack_subelements %bitcast3A, 0 {pack_format = #tpu.pack_format<interleaved>} : vector<32xbf16> -> vector<16xf32>
            %unpack3A_235 = tpu.unpack_subelements %bitcast3A, 1 {pack_format = #tpu.pack_format<interleaved>} : vector<32xbf16> -> vector<16xf32>
            %mul3A_236 = vector.broadcast %add3A_231 : f32 to vector<16xf32>
            %mul3A_237 = arith.mulf %unpack3A, %mul3A_236 : vector<16xf32>
            %swap3A_238 = arith.index_cast %add3A_159 : i32 to index
            %swap3A_239 = arith.constant 0 : index
            %swap3A_240 = tpu.vector_load %arg25[%swap3A_238, %swap3A_239] {strides = array<i32>} : memref<32x128xf32, #tpu.memory_space<vmem>>, vector<16xf32>,
            tpu.vector_store %arg25[%swap3A_238, %swap3A_239], %mul3A_237 {strides = array<i32>} : memref<32x128xf32, #tpu.memory_space<vmem>>, vector<16xf32>,
            %mul3A_241 = vector.broadcast %add3A_231 : f32 to vector<16xf32>
            %mul3A_242 = arith.mulf %unpack3A_235, %mul3A_241 : vector<16xf32>
            %swap3A_243 = arith.index_cast %add3A_159 : i32 to index
            %swap3A_244 = arith.constant 16 : index
            %swap3A_245 = tpu.vector_load %arg25[%swap3A_243, %swap3A_244] {strides = array<i32>} : memref<32x128xf32, #tpu.memory_space<vmem>>, vector<16xf32>,
            tpu.vector_store %arg25[%swap3A_243, %swap3A_244], %mul3A_242 {strides = array<i32>} : memref<32x128xf32, #tpu.memory_space<vmem>>, vector<16xf32>,
            %get3A_246 = arith.index_cast %add3A_159 : i32 to index
            %get3A_247 = arith.constant 16 : index
            %get3A_248 = tpu.vector_load %arg21[%get3A_246, %get3A_247] {strides = array<i32>} : memref<32x128xi32, #tpu.memory_space<vmem>>, vector<16xi32>,
            %bitcast3A_249 = vector.bitcast %get3A_248 : vector<16xi32> to vector<32xbf16>
            %unpack3A_250 = tpu.unpack_subelements %bitcast3A_249, 0 {pack_format = #tpu.pack_format<interleaved>} : vector<32xbf16> -> vector<16xf32>
            %unpack3A_251 = tpu.unpack_subelements %bitcast3A_249, 1 {pack_format = #tpu.pack_format<interleaved>} : vector<32xbf16> -> vector<16xf32>
            %mul3A_252 = vector.broadcast %add3A_231 : f32 to vector<16xf32>
            %mul3A_253 = arith.mulf %unpack3A_250, %mul3A_252 : vector<16xf32>
            %swap3A_254 = arith.index_cast %add3A_159 : i32 to index
            %swap3A_255 = arith.constant 32 : index
            %swap3A_256 = tpu.vector_load %arg25[%swap3A_254, %swap3A_255] {strides = array<i32>} : memref<32x128xf32, #tpu.memory_space<vmem>>, vector<16xf32>,
            tpu.vector_store %arg25[%swap3A_254, %swap3A_255], %mul3A_253 {strides = array<i32>} : memref<32x128xf32, #tpu.memory_space<vmem>>, vector<16xf32>,
            %mul3A_257 = vector.broadcast %add3A_231 : f32 to vector<16xf32>
            %mul3A_258 = arith.mulf %unpack3A_251, %mul3A_257 : vector<16xf32>
            %swap3A_259 = arith.index_cast %add3A_159 : i32 to index
            %swap3A_260 = arith.constant 48 : index
            %swap3A_261 = tpu.vector_load %arg25[%swap3A_259, %swap3A_260] {strides = array<i32>} : memref<32x128xf32, #tpu.memory_space<vmem>>, vector<16xf32>,
            tpu.vector_store %arg25[%swap3A_259, %swap3A_260], %mul3A_258 {strides = array<i32>} : memref<32x128xf32, #tpu.memory_space<vmem>>, vector<16xf32>,
            %get3A_262 = arith.index_cast %add3A_159 : i32 to index
            %get3A_263 = arith.constant 32 : index
            %get3A_264 = tpu.vector_load %arg21[%get3A_262, %get3A_263] {strides = array<i32>} : memref<32x128xi32, #tpu.memory_space<vmem>>, vector<16xi32>,
            %bitcast3A_265 = vector.bitcast %get3A_264 : vector<16xi32> to vector<32xbf16>
            %unpack3A_266 = tpu.unpack_subelements %bitcast3A_265, 0 {pack_format = #tpu.pack_format<interleaved>} : vector<32xbf16> -> vector<16xf32>
            %unpack3A_267 = tpu.unpack_subelements %bitcast3A_265, 1 {pack_format = #tpu.pack_format<interleaved>} : vector<32xbf16> -> vector<16xf32>
            %mul3A_268 = vector.broadcast %add3A_231 : f32 to vector<16xf32>
            %mul3A_269 = arith.mulf %unpack3A_266, %mul3A_268 : vector<16xf32>
            %swap3A_270 = arith.index_cast %add3A_159 : i32 to index
            %swap3A_271 = arith.constant 64 : index
            %swap3A_272 = tpu.vector_load %arg25[%swap3A_270, %swap3A_271] {strides = array<i32>} : memref<32x128xf32, #tpu.memory_space<vmem>>, vector<16xf32>,
            tpu.vector_store %arg25[%swap3A_270, %swap3A_271], %mul3A_269 {strides = array<i32>} : memref<32x128xf32, #tpu.memory_space<vmem>>, vector<16xf32>,
            %mul3A_273 = vector.broadcast %add3A_231 : f32 to vector<16xf32>
            %mul3A_274 = arith.mulf %unpack3A_267, %mul3A_273 : vector<16xf32>
            %swap3A_275 = arith.index_cast %add3A_159 : i32 to index
            %swap3A_276 = arith.constant 80 : index
            %swap3A_277 = tpu.vector_load %arg25[%swap3A_275, %swap3A_276] {strides = array<i32>} : memref<32x128xf32, #tpu.memory_space<vmem>>, vector<16xf32>,
            tpu.vector_store %arg25[%swap3A_275, %swap3A_276], %mul3A_274 {strides = array<i32>} : memref<32x128xf32, #tpu.memory_space<vmem>>, vector<16xf32>,
            %get3A_278 = arith.index_cast %add3A_159 : i32 to index
            %get3A_279 = arith.constant 48 : index
            %get3A_280 = tpu.vector_load %arg21[%get3A_278, %get3A_279] {strides = array<i32>} : memref<32x128xi32, #tpu.memory_space<vmem>>, vector<16xi32>,
            %bitcast3A_281 = vector.bitcast %get3A_280 : vector<16xi32> to vector<32xbf16>
            %unpack3A_282 = tpu.unpack_subelements %bitcast3A_281, 0 {pack_format = #tpu.pack_format<interleaved>} : vector<32xbf16> -> vector<16xf32>
            %unpack3A_283 = tpu.unpack_subelements %bitcast3A_281, 1 {pack_format = #tpu.pack_format<interleaved>} : vector<32xbf16> -> vector<16xf32>
            %mul3A_284 = vector.broadcast %add3A_231 : f32 to vector<16xf32>
            %mul3A_285 = arith.mulf %unpack3A_282, %mul3A_284 : vector<16xf32>
            %swap3A_286 = arith.index_cast %add3A_159 : i32 to index
            %swap3A_287 = arith.constant 96 : index
            %swap3A_288 = tpu.vector_load %arg25[%swap3A_286, %swap3A_287] {strides = array<i32>} : memref<32x128xf32, #tpu.memory_space<vmem>>, vector<16xf32>,
            tpu.vector_store %arg25[%swap3A_286, %swap3A_287], %mul3A_285 {strides = array<i32>} : memref<32x128xf32, #tpu.memory_space<vmem>>, vector<16xf32>,
            %mul3A_289 = vector.broadcast %add3A_231 : f32 to vector<16xf32>
            %mul3A_290 = arith.mulf %unpack3A_283, %mul3A_289 : vector<16xf32>
            %swap3A_291 = arith.index_cast %add3A_159 : i32 to index
            %swap3A_292 = arith.constant 112 : index
            %swap3A_293 = tpu.vector_load %arg25[%swap3A_291, %swap3A_292] {strides = array<i32>} : memref<32x128xf32, #tpu.memory_space<vmem>>, vector<16xf32>,
            tpu.vector_store %arg25[%swap3A_291, %swap3A_292], %mul3A_290 {strides = array<i32>} : memref<32x128xf32, #tpu.memory_space<vmem>>, vector<16xf32>,
            %eq3A_294 = vector.broadcast %scan3A_155 : i32 to vector<16xi32>
            %eq3A_295 = arith.cmpi eq, %iota3A, %eq3A_294 : vector<16xi32>
            %broadcast_in_dim3A_296 = vector.broadcast %add3A_231 : f32 to vector<16xf32>
            %select_n3A_297 = arith.select %eq3A_295, %broadcast_in_dim3A_296, %scan3A_156 : vector<16xi1>, vector<16xf32>
            scf.yield %select_n3A_297 : vector<16xf32>
          }
          %scan3A_150 = arith.constant 16 : i32
          %mul3A_151 = arith.constant 16 : i32
          %mul3A_152 = arith.muli %scan3A_141, %mul3A_151 : i32
          %swap3A = arith.index_cast %mul3A_152 : i32 to index
          %swap3A_153 = tpu.vector_load %arg15[%swap3A] {strides = array<i32>} : memref<32xf32, #tpu.memory_space<vmem>>, vector<16xf32>,
          tpu.vector_store %arg15[%swap3A], %scan3A_149 {strides = array<i32>} : memref<32xf32, #tpu.memory_space<vmem>>, vector<16xf32>,
          %scan3A_154 = arith.constant 0 : i32
          scf.yield %scan3A_154 : i32
        }
        %scan3A_130 = arith.constant 2 : i32
        %dma_start3A_131 = arith.constant 0 : i32
        %dma_start3A_132 = tpu.memref_slice %arg26[%dma_start3A_131] : memref<10000xf32, #tpu.memory_space<vmem_shared>> -> memref<10000xf32, #tpu.memory_space<vmem_shared>>
        tpu.enqueue_indirect_dma source(%arg15 : memref<32xf32, #tpu.memory_space<vmem>>) target(%dma_start3A_132 : memref<10000xf32, #tpu.memory_space<vmem_shared>>) offsets(%arg13 : memref<32xi32, #tpu.memory_space<vmem>>) semaphore(%arg39 : memref<!tpu.dma_semaphore, #tpu.memory_space<semaphore_mem>>) {add = true}
        %dma_start3A_133 = arith.constant 0 : i32
        %dma_start3A_134 = arith.constant 0 : i32
        %dma_start3A_135 = tpu.memref_slice %arg27[%dma_start3A_133, %dma_start3A_134] : memref<10000x128xf32, #tpu.memory_space<vmem_shared>> -> memref<10000x128xf32, #tpu.memory_space<vmem_shared>>
        tpu.enqueue_indirect_dma source(%arg25 : memref<32x128xf32, #tpu.memory_space<vmem>>) target(%dma_start3A_135 : memref<10000x128xf32, #tpu.memory_space<vmem_shared>>) offsets(%arg13 : memref<32xi32, #tpu.memory_space<vmem>>) semaphore(%arg41 : memref<!tpu.dma_semaphore, #tpu.memory_space<semaphore_mem>>) {add = true}
        %dma_wait3A_136 = arith.constant 0 : i32
        %dma_wait3A_137 = tpu.memref_slice %arg26[%dma_wait3A_136] : memref<10000xf32, #tpu.memory_space<vmem_shared>> -> memref<10000xf32, #tpu.memory_space<vmem_shared>>
        tpu.wait_indirect_dma semaphore(%arg39 : memref<!tpu.dma_semaphore, #tpu.memory_space<semaphore_mem>>) src(%arg15 : memref<32xf32, #tpu.memory_space<vmem>>) dst(%dma_wait3A_137 : memref<10000xf32, #tpu.memory_space<vmem_shared>>)
        %dma_wait3A_138 = arith.constant 0 : i32
        %dma_wait3A_139 = arith.constant 0 : i32
        %dma_wait3A_140 = tpu.memref_slice %arg27[%dma_wait3A_138, %dma_wait3A_139] : memref<10000x128xf32, #tpu.memory_space<vmem_shared>> -> memref<10000x128xf32, #tpu.memory_space<vmem_shared>>
        tpu.wait_indirect_dma semaphore(%arg41 : memref<!tpu.dma_semaphore, #tpu.memory_space<semaphore_mem>>) src(%arg25 : memref<32x128xf32, #tpu.memory_space<vmem>>) dst(%dma_wait3A_140 : memref<10000x128xf32, #tpu.memory_space<vmem_shared>>)
      } else {
      }
      %add3A_101 = arith.constant 2 : i32
      %add3A_102 = arith.addi %add3A_90, %add3A_101 : i32
      %lt3A_103 = arith.cmpi slt, %add3A_102, %add3A_5 : i32
      %convert_element_type3A_104 = arith.extui %lt3A_103 : i1 to i32
      %cond3A_105 = arith.constant 0 : i32
      %cond3A_106 = arith.cmpi ne, %convert_element_type3A_104, %cond3A_105 : i32
      scf.if %cond3A_106 {
        %add3A_108 = arith.constant 2 : i32
        %add3A_109 = arith.addi %add3A_90, %add3A_108 : i32
        %mul3A_110 = arith.constant 32 : i32
        %mul3A_111 = arith.muli %add3A_109, %mul3A_110 : i32
        %add3A_112 = arith.addi %add3A_10, %mul3A_111 : i32
        %dma_start3A_113 = tpu.memref_slice %arg2[%add3A_112] : memref<320000xi32, #tpu.memory_space<hbm>> -> memref<32xi32, #tpu.memory_space<hbm>>
        %dma_start3A_114 = tpu.memref_slice %arg2[%add3A_112] : memref<320000xi32, #tpu.memory_space<hbm>> -> memref<32xi32, #tpu.memory_space<hbm>>
        tpu.enqueue_dma source(%dma_start3A_114 : memref<32xi32, #tpu.memory_space<hbm>>) target(%arg9 : memref<32xi32, #tpu.memory_space<vmem>>) target_semaphore(%arg29 : memref<!tpu.dma_semaphore, #tpu.memory_space<semaphore_mem>>)
        %dma_start3A_115 = tpu.memref_slice %arg3[%add3A_112] : memref<320000xi32, #tpu.memory_space<hbm>> -> memref<32xi32, #tpu.memory_space<hbm>>
        %dma_start3A_116 = tpu.memref_slice %arg3[%add3A_112] : memref<320000xi32, #tpu.memory_space<hbm>> -> memref<32xi32, #tpu.memory_space<hbm>>
        tpu.enqueue_dma source(%dma_start3A_116 : memref<32xi32, #tpu.memory_space<hbm>>) target(%arg11 : memref<32xi32, #tpu.memory_space<vmem>>) target_semaphore(%arg31 : memref<!tpu.dma_semaphore, #tpu.memory_space<semaphore_mem>>)
      } else {
      }
      %scan3A_107 = arith.constant 0 : i32
      scf.yield %scan3A_107 : i32
    }
    %scan3A_58 = arith.constant 158 : i32
    %barrier3A_59 = arith.constant 0 : index
    tpu.barrier barrier_id(%barrier3A_59)
    "tpu.region"() ({
      %run_scoped3A = tpu.sem_alloc : memref<!tpu.dma_semaphore, #tpu.memory_space<semaphore_mem>>
      %dma_start3A_65 = arith.constant 0 : i32
      %dma_start3A_66 = tpu.memref_slice %arg17[%dma_start3A_65] : memref<10032xf32, #tpu.memory_space<vmem>> -> memref<10000xf32, #tpu.memory_space<vmem>>
      %dma_start3A_67 = arith.constant 0 : i32
      %dma_start3A_68 = tpu.memref_slice %arg17[%dma_start3A_67] : memref<10032xf32, #tpu.memory_space<vmem>> -> memref<10000xf32, #tpu.memory_space<vmem>>
      tpu.enqueue_dma source(%arg26 : memref<10000xf32, #tpu.memory_space<vmem_shared>>) target(%dma_start3A_68 : memref<10000xf32, #tpu.memory_space<vmem>>) target_semaphore(%run_scoped3A : memref<!tpu.dma_semaphore, #tpu.memory_space<semaphore_mem>>)
      %dma_wait3A_69 = arith.constant 0 : i32
      %dma_wait3A_70 = tpu.memref_slice %arg17[%dma_wait3A_69] : memref<10032xf32, #tpu.memory_space<vmem>> -> memref<10000xf32, #tpu.memory_space<vmem>>
      %dma_wait3A_71 = arith.constant 0 : i32
      %dma_wait3A_72 = tpu.memref_slice %arg17[%dma_wait3A_71] : memref<10032xf32, #tpu.memory_space<vmem>> -> memref<10000xf32, #tpu.memory_space<vmem>>
      tpu.wait_dma2 semaphore(%run_scoped3A : memref<!tpu.dma_semaphore, #tpu.memory_space<semaphore_mem>>) src(%arg26 : memref<10000xf32, #tpu.memory_space<vmem_shared>>) dst(%dma_wait3A_72 : memref<10000xf32, #tpu.memory_space<vmem>>)
      tpu.yield
    }) : () -> ()
    %lt3A_60 = arith.constant 10 : i32
    %lt3A_61 = arith.cmpi slt, %arg1, %lt3A_60 : i32
    %convert_element_type3A_62 = arith.extui %lt3A_61 : i1 to i32
    %cond3A_63 = arith.constant 0 : i32
    %cond3A_64 = arith.cmpi ne, %convert_element_type3A_62, %cond3A_63 : i32
    scf.if %cond3A_64 {
      %scan3A_65 = arith.constant 0 : i32
      %scan3A_66 = arith.constant 0 : i32
      %scan3A_67 = arith.constant 31 : i32
      %scan3A_68 = arith.addi %scan3A_66, %scan3A_67 : i32
      %scan3A_69 = arith.constant 1 : i32
      %scan3A_70 = scf.for %scan3A_95 = %scan3A_66 to %scan3A_68 step %scan3A_69 iter_args(%scan3A_96 = %scan3A_65) -> (i32)  : i32 {
        %mul3A_97 = arith.constant 1000 : i32
        %mul3A_98 = arith.muli %arg1, %mul3A_97 : i32
        %mul3A_99 = arith.constant 32 : i32
        %mul3A_100 = arith.muli %scan3A_95, %mul3A_99 : i32
        %add3A_101 = arith.addi %mul3A_98, %mul3A_100 : i32
        "tpu.region"() ({
          %run_scoped3A = tpu.sem_alloc : memref<!tpu.dma_semaphore, #tpu.memory_space<semaphore_mem>>
          %dma_start3A_137 = arith.constant 0 : i32
          %dma_start3A_138 = arith.constant 0 : i32
          %dma_start3A_139 = tpu.memref_slice %arg24[%dma_start3A_137, %dma_start3A_138] : memref<32x128xf32, #tpu.memory_space<vmem>> -> memref<32x128xf32, #tpu.memory_space<vmem>>
          %dma_start3A_140 = arith.constant 0 : i32
          %dma_start3A_141 = tpu.memref_slice %arg27[%add3A_101, %dma_start3A_140] : memref<10000x128xf32, #tpu.memory_space<vmem_shared>> -> memref<32x128xf32, #tpu.memory_space<vmem_shared>>
          %dma_start3A_142 = arith.constant 0 : i32
          %dma_start3A_143 = arith.constant 0 : i32
          %dma_start3A_144 = tpu.memref_slice %arg24[%dma_start3A_142, %dma_start3A_143] : memref<32x128xf32, #tpu.memory_space<vmem>> -> memref<32x128xf32, #tpu.memory_space<vmem>>
          %dma_start3A_145 = arith.constant 0 : i32
          %dma_start3A_146 = tpu.memref_slice %arg27[%add3A_101, %dma_start3A_145] : memref<10000x128xf32, #tpu.memory_space<vmem_shared>> -> memref<32x128xf32, #tpu.memory_space<vmem_shared>>
          tpu.enqueue_dma source(%dma_start3A_146 : memref<32x128xf32, #tpu.memory_space<vmem_shared>>) target(%dma_start3A_144 : memref<32x128xf32, #tpu.memory_space<vmem>>) target_semaphore(%run_scoped3A : memref<!tpu.dma_semaphore, #tpu.memory_space<semaphore_mem>>)
          %dma_wait3A_147 = arith.constant 0 : i32
          %dma_wait3A_148 = arith.constant 0 : i32
          %dma_wait3A_149 = tpu.memref_slice %arg24[%dma_wait3A_147, %dma_wait3A_148] : memref<32x128xf32, #tpu.memory_space<vmem>> -> memref<32x128xf32, #tpu.memory_space<vmem>>
          %dma_wait3A_150 = arith.constant 0 : i32
          %dma_wait3A_151 = tpu.memref_slice %arg27[%add3A_101, %dma_wait3A_150] : memref<10000x128xf32, #tpu.memory_space<vmem_shared>> -> memref<32x128xf32, #tpu.memory_space<vmem_shared>>
          %dma_wait3A_152 = arith.constant 0 : i32
          %dma_wait3A_153 = arith.constant 0 : i32
          %dma_wait3A_154 = tpu.memref_slice %arg24[%dma_wait3A_152, %dma_wait3A_153] : memref<32x128xf32, #tpu.memory_space<vmem>> -> memref<32x128xf32, #tpu.memory_space<vmem>>
          %dma_wait3A_155 = arith.constant 0 : i32
          %dma_wait3A_156 = tpu.memref_slice %arg27[%add3A_101, %dma_wait3A_155] : memref<10000x128xf32, #tpu.memory_space<vmem_shared>> -> memref<32x128xf32, #tpu.memory_space<vmem_shared>>
          tpu.wait_dma2 semaphore(%run_scoped3A : memref<!tpu.dma_semaphore, #tpu.memory_space<semaphore_mem>>) src(%dma_wait3A_156 : memref<32x128xf32, #tpu.memory_space<vmem_shared>>) dst(%dma_wait3A_154 : memref<32x128xf32, #tpu.memory_space<vmem>>)
          tpu.yield
        }) : () -> ()
        %add3A_102 = arith.constant 0 : i32
        %add3A_103 = arith.addi %add3A_101, %add3A_102 : i32
        %get3A_104 = arith.index_cast %add3A_103 : i32 to index
        %get3A_105 = tpu.vector_load %arg17[%get3A_104] {strides = array<i32>} : memref<10032xf32, #tpu.memory_space<vmem>>, vector<16xf32>,
        %add3A_106 = arith.constant 1.000000e-30 : f32
        %add3A_107 = vector.broadcast %add3A_106 : f32 to vector<16xf32>
        %add3A_108 = arith.addf %get3A_105, %add3A_107 : vector<16xf32>
        %div3A_109 = arith.constant 1.000000e+00 : f32
        %div3A_110 = vector.broadcast %div3A_109 : f32 to vector<16xf32>
        %div3A_111 = arith.divf %div3A_110, %add3A_108 : vector<16xf32>
        %swap3A_112 = arith.constant 0 : index
        %swap3A_113 = tpu.vector_load %arg16[%swap3A_112] {strides = array<i32>} : memref<32xf32, #tpu.memory_space<vmem>>, vector<16xf32>,
        tpu.vector_store %arg16[%swap3A_112], %div3A_111 {strides = array<i32>} : memref<32xf32, #tpu.memory_space<vmem>>, vector<16xf32>,
        %add3A_114 = arith.constant 16 : i32
        %add3A_115 = arith.addi %add3A_101, %add3A_114 : i32
        %get3A_116 = arith.index_cast %add3A_115 : i32 to index
        %get3A_117 = tpu.vector_load %arg17[%get3A_116] {strides = array<i32>} : memref<10032xf32, #tpu.memory_space<vmem>>, vector<16xf32>,
        %add3A_118 = arith.constant 1.000000e-30 : f32
        %add3A_119 = vector.broadcast %add3A_118 : f32 to vector<16xf32>
        %add3A_120 = arith.addf %get3A_117, %add3A_119 : vector<16xf32>
        %div3A_121 = arith.constant 1.000000e+00 : f32
        %div3A_122 = vector.broadcast %div3A_121 : f32 to vector<16xf32>
        %div3A_123 = arith.divf %div3A_122, %add3A_120 : vector<16xf32>
        %swap3A_124 = arith.constant 16 : index
        %swap3A_125 = tpu.vector_load %arg16[%swap3A_124] {strides = array<i32>} : memref<32xf32, #tpu.memory_space<vmem>>, vector<16xf32>,
        tpu.vector_store %arg16[%swap3A_124], %div3A_123 {strides = array<i32>} : memref<32xf32, #tpu.memory_space<vmem>>, vector<16xf32>,
        %scan3A_126 = arith.constant 0 : i32
        %scan3A_127 = arith.constant 0 : i32
        %scan3A_128 = arith.constant 32 : i32
        %scan3A_129 = arith.addi %scan3A_127, %scan3A_128 : i32
        %scan3A_130 = arith.constant 1 : i32
        %scan3A_131 = scf.for %scan3A_137 = %scan3A_127 to %scan3A_129 step %scan3A_130 iter_args(%scan3A_138 = %scan3A_126) -> (i32)  : i32 {
          %broadcast_in_dim3A_139 = vector.broadcast %scan3A_137 : i32 to vector<16xi32>
          %gather3A = tpu.vector_load_idx %arg16[%broadcast_in_dim3A_139] : memref<32xf32, #tpu.memory_space<vmem>>[vector<16xi32>], vector<16xf32>,
          %get3A_140 = arith.index_cast %scan3A_137 : i32 to index
          %get3A_141 = arith.constant 0 : index
          %get3A_142 = tpu.vector_load %arg24[%get3A_140, %get3A_141] {strides = array<i32>} : memref<32x128xf32, #tpu.memory_space<vmem>>, vector<16xf32>,
          %mul3A_143 = arith.mulf %get3A_142, %gather3A : vector<16xf32>
          %swap3A_144 = arith.index_cast %scan3A_137 : i32 to index
          %swap3A_145 = arith.constant 0 : index
          %swap3A_146 = tpu.vector_load %arg24[%swap3A_144, %swap3A_145] {strides = array<i32>} : memref<32x128xf32, #tpu.memory_space<vmem>>, vector<16xf32>,
          tpu.vector_store %arg24[%swap3A_144, %swap3A_145], %mul3A_143 {strides = array<i32>} : memref<32x128xf32, #tpu.memory_space<vmem>>, vector<16xf32>,
          %get3A_147 = arith.index_cast %scan3A_137 : i32 to index
          %get3A_148 = arith.constant 16 : index
          %get3A_149 = tpu.vector_load %arg24[%get3A_147, %get3A_148] {strides = array<i32>} : memref<32x128xf32, #tpu.memory_space<vmem>>, vector<16xf32>,
          %mul3A_150 = arith.mulf %get3A_149, %gather3A : vector<16xf32>
          %swap3A_151 = arith.index_cast %scan3A_137 : i32 to index
          %swap3A_152 = arith.constant 16 : index
          %swap3A_153 = tpu.vector_load %arg24[%swap3A_151, %swap3A_152] {strides = array<i32>} : memref<32x128xf32, #tpu.memory_space<vmem>>, vector<16xf32>,
          tpu.vector_store %arg24[%swap3A_151, %swap3A_152], %mul3A_150 {strides = array<i32>} : memref<32x128xf32, #tpu.memory_space<vmem>>, vector<16xf32>,
          %get3A_154 = arith.index_cast %scan3A_137 : i32 to index
          %get3A_155 = arith.constant 32 : index
          %get3A_156 = tpu.vector_load %arg24[%get3A_154, %get3A_155] {strides = array<i32>} : memref<32x128xf32, #tpu.memory_space<vmem>>, vector<16xf32>,
          %mul3A_157 = arith.mulf %get3A_156, %gather3A : vector<16xf32>
          %swap3A_158 = arith.index_cast %scan3A_137 : i32 to index
          %swap3A_159 = arith.constant 32 : index
          %swap3A_160 = tpu.vector_load %arg24[%swap3A_158, %swap3A_159] {strides = array<i32>} : memref<32x128xf32, #tpu.memory_space<vmem>>, vector<16xf32>,
          tpu.vector_store %arg24[%swap3A_158, %swap3A_159], %mul3A_157 {strides = array<i32>} : memref<32x128xf32, #tpu.memory_space<vmem>>, vector<16xf32>,
          %get3A_161 = arith.index_cast %scan3A_137 : i32 to index
          %get3A_162 = arith.constant 48 : index
          %get3A_163 = tpu.vector_load %arg24[%get3A_161, %get3A_162] {strides = array<i32>} : memref<32x128xf32, #tpu.memory_space<vmem>>, vector<16xf32>,
          %mul3A_164 = arith.mulf %get3A_163, %gather3A : vector<16xf32>
          %swap3A_165 = arith.index_cast %scan3A_137 : i32 to index
          %swap3A_166 = arith.constant 48 : index
          %swap3A_167 = tpu.vector_load %arg24[%swap3A_165, %swap3A_166] {strides = array<i32>} : memref<32x128xf32, #tpu.memory_space<vmem>>, vector<16xf32>,
          tpu.vector_store %arg24[%swap3A_165, %swap3A_166], %mul3A_164 {strides = array<i32>} : memref<32x128xf32, #tpu.memory_space<vmem>>, vector<16xf32>,
          %get3A_168 = arith.index_cast %scan3A_137 : i32 to index
          %get3A_169 = arith.constant 64 : index
          %get3A_170 = tpu.vector_load %arg24[%get3A_168, %get3A_169] {strides = array<i32>} : memref<32x128xf32, #tpu.memory_space<vmem>>, vector<16xf32>,
          %mul3A_171 = arith.mulf %get3A_170, %gather3A : vector<16xf32>
          %swap3A_172 = arith.index_cast %scan3A_137 : i32 to index
          %swap3A_173 = arith.constant 64 : index
          %swap3A_174 = tpu.vector_load %arg24[%swap3A_172, %swap3A_173] {strides = array<i32>} : memref<32x128xf32, #tpu.memory_space<vmem>>, vector<16xf32>,
          tpu.vector_store %arg24[%swap3A_172, %swap3A_173], %mul3A_171 {strides = array<i32>} : memref<32x128xf32, #tpu.memory_space<vmem>>, vector<16xf32>,
          %get3A_175 = arith.index_cast %scan3A_137 : i32 to index
          %get3A_176 = arith.constant 80 : index
          %get3A_177 = tpu.vector_load %arg24[%get3A_175, %get3A_176] {strides = array<i32>} : memref<32x128xf32, #tpu.memory_space<vmem>>, vector<16xf32>,
          %mul3A_178 = arith.mulf %get3A_177, %gather3A : vector<16xf32>
          %swap3A_179 = arith.index_cast %scan3A_137 : i32 to index
          %swap3A_180 = arith.constant 80 : index
          %swap3A_181 = tpu.vector_load %arg24[%swap3A_179, %swap3A_180] {strides = array<i32>} : memref<32x128xf32, #tpu.memory_space<vmem>>, vector<16xf32>,
          tpu.vector_store %arg24[%swap3A_179, %swap3A_180], %mul3A_178 {strides = array<i32>} : memref<32x128xf32, #tpu.memory_space<vmem>>, vector<16xf32>,
          %get3A_182 = arith.index_cast %scan3A_137 : i32 to index
          %get3A_183 = arith.constant 96 : index
          %get3A_184 = tpu.vector_load %arg24[%get3A_182, %get3A_183] {strides = array<i32>} : memref<32x128xf32, #tpu.memory_space<vmem>>, vector<16xf32>,
          %mul3A_185 = arith.mulf %get3A_184, %gather3A : vector<16xf32>
          %swap3A_186 = arith.index_cast %scan3A_137 : i32 to index
          %swap3A_187 = arith.constant 96 : index
          %swap3A_188 = tpu.vector_load %arg24[%swap3A_186, %swap3A_187] {strides = array<i32>} : memref<32x128xf32, #tpu.memory_space<vmem>>, vector<16xf32>,
          tpu.vector_store %arg24[%swap3A_186, %swap3A_187], %mul3A_185 {strides = array<i32>} : memref<32x128xf32, #tpu.memory_space<vmem>>, vector<16xf32>,
          %get3A_189 = arith.index_cast %scan3A_137 : i32 to index
          %get3A_190 = arith.constant 112 : index
          %get3A_191 = tpu.vector_load %arg24[%get3A_189, %get3A_190] {strides = array<i32>} : memref<32x128xf32, #tpu.memory_space<vmem>>, vector<16xf32>,
          %mul3A_192 = arith.mulf %get3A_191, %gather3A : vector<16xf32>
          %swap3A_193 = arith.index_cast %scan3A_137 : i32 to index
          %swap3A_194 = arith.constant 112 : index
          %swap3A_195 = tpu.vector_load %arg24[%swap3A_193, %swap3A_194] {strides = array<i32>} : memref<32x128xf32, #tpu.memory_space<vmem>>, vector<16xf32>,
          tpu.vector_store %arg24[%swap3A_193, %swap3A_194], %mul3A_192 {strides = array<i32>} : memref<32x128xf32, #tpu.memory_space<vmem>>, vector<16xf32>,
          %scan3A_196 = arith.constant 0 : i32
          scf.yield %scan3A_196 : i32
        }
        %scan3A_132 = arith.constant 32 : i32
        %mul3A_133 = arith.constant 10000 : i32
        %mul3A_134 = arith.muli %arg0, %mul3A_133 : i32
        %add3A_135 = arith.addi %mul3A_134, %add3A_101 : i32
        "tpu.region"() ({
          %run_scoped3A = tpu.sem_alloc : memref<!tpu.dma_semaphore, #tpu.memory_space<semaphore_mem>>
          %dma_start3A_137 = arith.constant 0 : i32
          %dma_start3A_138 = arith.constant 0 : i32
          %dma_start3A_139 = tpu.memref_slice %arg24[%dma_start3A_137, %dma_start3A_138] : memref<32x128xf32, #tpu.memory_space<vmem>> -> memref<32x128xf32, #tpu.memory_space<vmem>>
          %dma_start3A_140 = arith.constant 0 : i32
          %dma_start3A_141 = tpu.memref_slice %arg7[%add3A_135, %dma_start3A_140] : memref<20000x128xf32, #tpu.memory_space<hbm>> -> memref<32x128xf32, #tpu.memory_space<hbm>>
          %dma_start3A_142 = arith.constant 0 : i32
          %dma_start3A_143 = tpu.memref_slice %arg7[%add3A_135, %dma_start3A_142] : memref<20000x128xf32, #tpu.memory_space<hbm>> -> memref<32x128xf32, #tpu.memory_space<hbm>>
          %dma_start3A_144 = arith.constant 0 : i32
          %dma_start3A_145 = arith.constant 0 : i32
          %dma_start3A_146 = tpu.memref_slice %arg24[%dma_start3A_144, %dma_start3A_145] : memref<32x128xf32, #tpu.memory_space<vmem>> -> memref<32x128xf32, #tpu.memory_space<vmem>>
          tpu.enqueue_dma source(%dma_start3A_146 : memref<32x128xf32, #tpu.memory_space<vmem>>) target(%dma_start3A_143 : memref<32x128xf32, #tpu.memory_space<hbm>>) target_semaphore(%run_scoped3A : memref<!tpu.dma_semaphore, #tpu.memory_space<semaphore_mem>>)
          %dma_wait3A_147 = arith.constant 0 : i32
          %dma_wait3A_148 = arith.constant 0 : i32
          %dma_wait3A_149 = tpu.memref_slice %arg24[%dma_wait3A_147, %dma_wait3A_148] : memref<32x128xf32, #tpu.memory_space<vmem>> -> memref<32x128xf32, #tpu.memory_space<vmem>>
          %dma_wait3A_150 = arith.constant 0 : i32
          %dma_wait3A_151 = tpu.memref_slice %arg7[%add3A_135, %dma_wait3A_150] : memref<20000x128xf32, #tpu.memory_space<hbm>> -> memref<32x128xf32, #tpu.memory_space<hbm>>
          %dma_wait3A_152 = arith.constant 0 : i32
          %dma_wait3A_153 = tpu.memref_slice %arg7[%add3A_135, %dma_wait3A_152] : memref<20000x128xf32, #tpu.memory_space<hbm>> -> memref<32x128xf32, #tpu.memory_space<hbm>>
          %dma_wait3A_154 = arith.constant 0 : i32
          %dma_wait3A_155 = arith.constant 0 : i32
          %dma_wait3A_156 = tpu.memref_slice %arg24[%dma_wait3A_154, %dma_wait3A_155] : memref<32x128xf32, #tpu.memory_space<vmem>> -> memref<32x128xf32, #tpu.memory_space<vmem>>
          tpu.wait_dma2 semaphore(%run_scoped3A : memref<!tpu.dma_semaphore, #tpu.memory_space<semaphore_mem>>) src(%dma_wait3A_156 : memref<32x128xf32, #tpu.memory_space<vmem>>) dst(%dma_wait3A_153 : memref<32x128xf32, #tpu.memory_space<hbm>>)
          tpu.yield
        }) : () -> ()
        %scan3A_136 = arith.constant 0 : i32
        scf.yield %scan3A_136 : i32
      }
      %scan3A_71 = arith.constant 31 : i32
      %mul3A_72 = arith.constant 1000 : i32
      %mul3A_73 = arith.muli %arg1, %mul3A_72 : i32
      %add3A_74 = arith.constant 992 : i32
      %add3A_75 = arith.addi %mul3A_73, %add3A_74 : i32
      "tpu.region"() ({
        %run_scoped3A = tpu.sem_alloc : memref<!tpu.dma_semaphore, #tpu.memory_space<semaphore_mem>>
        %dma_start3A_95 = arith.constant 0 : i32
        %dma_start3A_96 = arith.constant 0 : i32
        %dma_start3A_97 = tpu.memref_slice %arg24[%dma_start3A_95, %dma_start3A_96] : memref<32x128xf32, #tpu.memory_space<vmem>> -> memref<8x128xf32, #tpu.memory_space<vmem>>
        %dma_start3A_98 = arith.constant 0 : i32
        %dma_start3A_99 = tpu.memref_slice %arg27[%add3A_75, %dma_start3A_98] : memref<10000x128xf32, #tpu.memory_space<vmem_shared>> -> memref<8x128xf32, #tpu.memory_space<vmem_shared>>
        %dma_start3A_100 = arith.constant 0 : i32
        %dma_start3A_101 = arith.constant 0 : i32
        %dma_start3A_102 = tpu.memref_slice %arg24[%dma_start3A_100, %dma_start3A_101] : memref<32x128xf32, #tpu.memory_space<vmem>> -> memref<8x128xf32, #tpu.memory_space<vmem>>
        %dma_start3A_103 = arith.constant 0 : i32
        %dma_start3A_104 = tpu.memref_slice %arg27[%add3A_75, %dma_start3A_103] : memref<10000x128xf32, #tpu.memory_space<vmem_shared>> -> memref<8x128xf32, #tpu.memory_space<vmem_shared>>
        tpu.enqueue_dma source(%dma_start3A_104 : memref<8x128xf32, #tpu.memory_space<vmem_shared>>) target(%dma_start3A_102 : memref<8x128xf32, #tpu.memory_space<vmem>>) target_semaphore(%run_scoped3A : memref<!tpu.dma_semaphore, #tpu.memory_space<semaphore_mem>>)
        %dma_wait3A_105 = arith.constant 0 : i32
        %dma_wait3A_106 = arith.constant 0 : i32
        %dma_wait3A_107 = tpu.memref_slice %arg24[%dma_wait3A_105, %dma_wait3A_106] : memref<32x128xf32, #tpu.memory_space<vmem>> -> memref<8x128xf32, #tpu.memory_space<vmem>>
        %dma_wait3A_108 = arith.constant 0 : i32
        %dma_wait3A_109 = tpu.memref_slice %arg27[%add3A_75, %dma_wait3A_108] : memref<10000x128xf32, #tpu.memory_space<vmem_shared>> -> memref<8x128xf32, #tpu.memory_space<vmem_shared>>
        %dma_wait3A_110 = arith.constant 0 : i32
        %dma_wait3A_111 = arith.constant 0 : i32
        %dma_wait3A_112 = tpu.memref_slice %arg24[%dma_wait3A_110, %dma_wait3A_111] : memref<32x128xf32, #tpu.memory_space<vmem>> -> memref<8x128xf32, #tpu.memory_space<vmem>>
        %dma_wait3A_113 = arith.constant 0 : i32
        %dma_wait3A_114 = tpu.memref_slice %arg27[%add3A_75, %dma_wait3A_113] : memref<10000x128xf32, #tpu.memory_space<vmem_shared>> -> memref<8x128xf32, #tpu.memory_space<vmem_shared>>
        tpu.wait_dma2 semaphore(%run_scoped3A : memref<!tpu.dma_semaphore, #tpu.memory_space<semaphore_mem>>) src(%dma_wait3A_114 : memref<8x128xf32, #tpu.memory_space<vmem_shared>>) dst(%dma_wait3A_112 : memref<8x128xf32, #tpu.memory_space<vmem>>)
        tpu.yield
      }) : () -> ()
      %add3A_76 = arith.constant 0 : i32
      %add3A_77 = arith.addi %add3A_75, %add3A_76 : i32
      %get3A = arith.index_cast %add3A_77 : i32 to index
      %get3A_78 = tpu.vector_load %arg17[%get3A] {strides = array<i32>} : memref<10032xf32, #tpu.memory_space<vmem>>, vector<16xf32>,
      %add3A_79 = arith.constant 1.000000e-30 : f32
      %add3A_80 = vector.broadcast %add3A_79 : f32 to vector<16xf32>
      %add3A_81 = arith.addf %get3A_78, %add3A_80 : vector<16xf32>
      %div3A = arith.constant 1.000000e+00 : f32
      %div3A_82 = vector.broadcast %div3A : f32 to vector<16xf32>
      %div3A_83 = arith.divf %div3A_82, %add3A_81 : vector<16xf32>
      %swap3A = arith.constant 0 : index
      %swap3A_84 = tpu.vector_load %arg16[%swap3A] {strides = array<i32>} : memref<32xf32, #tpu.memory_space<vmem>>, vector<16xf32>,
      tpu.vector_store %arg16[%swap3A], %div3A_83 {strides = array<i32>} : memref<32xf32, #tpu.memory_space<vmem>>, vector<16xf32>,
      %scan3A_85 = arith.constant 0 : i32
      %scan3A_86 = arith.constant 0 : i32
      %scan3A_87 = arith.constant 8 : i32
      %scan3A_88 = arith.addi %scan3A_86, %scan3A_87 : i32
      %scan3A_89 = arith.constant 1 : i32
      %scan3A_90 = scf.for %scan3A_95 = %scan3A_86 to %scan3A_88 step %scan3A_89 iter_args(%scan3A_96 = %scan3A_85) -> (i32)  : i32 {
        %broadcast_in_dim3A_97 = vector.broadcast %scan3A_95 : i32 to vector<16xi32>
        %gather3A = tpu.vector_load_idx %arg16[%broadcast_in_dim3A_97] : memref<32xf32, #tpu.memory_space<vmem>>[vector<16xi32>], vector<16xf32>,
        %get3A_98 = arith.index_cast %scan3A_95 : i32 to index
        %get3A_99 = arith.constant 0 : index
        %get3A_100 = tpu.vector_load %arg24[%get3A_98, %get3A_99] {strides = array<i32>} : memref<32x128xf32, #tpu.memory_space<vmem>>, vector<16xf32>,
        %mul3A_101 = arith.mulf %get3A_100, %gather3A : vector<16xf32>
        %swap3A_102 = arith.index_cast %scan3A_95 : i32 to index
        %swap3A_103 = arith.constant 0 : index
        %swap3A_104 = tpu.vector_load %arg24[%swap3A_102, %swap3A_103] {strides = array<i32>} : memref<32x128xf32, #tpu.memory_space<vmem>>, vector<16xf32>,
        tpu.vector_store %arg24[%swap3A_102, %swap3A_103], %mul3A_101 {strides = array<i32>} : memref<32x128xf32, #tpu.memory_space<vmem>>, vector<16xf32>,
        %get3A_105 = arith.index_cast %scan3A_95 : i32 to index
        %get3A_106 = arith.constant 16 : index
        %get3A_107 = tpu.vector_load %arg24[%get3A_105, %get3A_106] {strides = array<i32>} : memref<32x128xf32, #tpu.memory_space<vmem>>, vector<16xf32>,
        %mul3A_108 = arith.mulf %get3A_107, %gather3A : vector<16xf32>
        %swap3A_109 = arith.index_cast %scan3A_95 : i32 to index
        %swap3A_110 = arith.constant 16 : index
        %swap3A_111 = tpu.vector_load %arg24[%swap3A_109, %swap3A_110] {strides = array<i32>} : memref<32x128xf32, #tpu.memory_space<vmem>>, vector<16xf32>,
        tpu.vector_store %arg24[%swap3A_109, %swap3A_110], %mul3A_108 {strides = array<i32>} : memref<32x128xf32, #tpu.memory_space<vmem>>, vector<16xf32>,
        %get3A_112 = arith.index_cast %scan3A_95 : i32 to index
        %get3A_113 = arith.constant 32 : index
        %get3A_114 = tpu.vector_load %arg24[%get3A_112, %get3A_113] {strides = array<i32>} : memref<32x128xf32, #tpu.memory_space<vmem>>, vector<16xf32>,
        %mul3A_115 = arith.mulf %get3A_114, %gather3A : vector<16xf32>
        %swap3A_116 = arith.index_cast %scan3A_95 : i32 to index
        %swap3A_117 = arith.constant 32 : index
        %swap3A_118 = tpu.vector_load %arg24[%swap3A_116, %swap3A_117] {strides = array<i32>} : memref<32x128xf32, #tpu.memory_space<vmem>>, vector<16xf32>,
        tpu.vector_store %arg24[%swap3A_116, %swap3A_117], %mul3A_115 {strides = array<i32>} : memref<32x128xf32, #tpu.memory_space<vmem>>, vector<16xf32>,
        %get3A_119 = arith.index_cast %scan3A_95 : i32 to index
        %get3A_120 = arith.constant 48 : index
        %get3A_121 = tpu.vector_load %arg24[%get3A_119, %get3A_120] {strides = array<i32>} : memref<32x128xf32, #tpu.memory_space<vmem>>, vector<16xf32>,
        %mul3A_122 = arith.mulf %get3A_121, %gather3A : vector<16xf32>
        %swap3A_123 = arith.index_cast %scan3A_95 : i32 to index
        %swap3A_124 = arith.constant 48 : index
        %swap3A_125 = tpu.vector_load %arg24[%swap3A_123, %swap3A_124] {strides = array<i32>} : memref<32x128xf32, #tpu.memory_space<vmem>>, vector<16xf32>,
        tpu.vector_store %arg24[%swap3A_123, %swap3A_124], %mul3A_122 {strides = array<i32>} : memref<32x128xf32, #tpu.memory_space<vmem>>, vector<16xf32>,
        %get3A_126 = arith.index_cast %scan3A_95 : i32 to index
        %get3A_127 = arith.constant 64 : index
        %get3A_128 = tpu.vector_load %arg24[%get3A_126, %get3A_127] {strides = array<i32>} : memref<32x128xf32, #tpu.memory_space<vmem>>, vector<16xf32>,
        %mul3A_129 = arith.mulf %get3A_128, %gather3A : vector<16xf32>
        %swap3A_130 = arith.index_cast %scan3A_95 : i32 to index
        %swap3A_131 = arith.constant 64 : index
        %swap3A_132 = tpu.vector_load %arg24[%swap3A_130, %swap3A_131] {strides = array<i32>} : memref<32x128xf32, #tpu.memory_space<vmem>>, vector<16xf32>,
        tpu.vector_store %arg24[%swap3A_130, %swap3A_131], %mul3A_129 {strides = array<i32>} : memref<32x128xf32, #tpu.memory_space<vmem>>, vector<16xf32>,
        %get3A_133 = arith.index_cast %scan3A_95 : i32 to index
        %get3A_134 = arith.constant 80 : index
        %get3A_135 = tpu.vector_load %arg24[%get3A_133, %get3A_134] {strides = array<i32>} : memref<32x128xf32, #tpu.memory_space<vmem>>, vector<16xf32>,
        %mul3A_136 = arith.mulf %get3A_135, %gather3A : vector<16xf32>
        %swap3A_137 = arith.index_cast %scan3A_95 : i32 to index
        %swap3A_138 = arith.constant 80 : index
        %swap3A_139 = tpu.vector_load %arg24[%swap3A_137, %swap3A_138] {strides = array<i32>} : memref<32x128xf32, #tpu.memory_space<vmem>>, vector<16xf32>,
        tpu.vector_store %arg24[%swap3A_137, %swap3A_138], %mul3A_136 {strides = array<i32>} : memref<32x128xf32, #tpu.memory_space<vmem>>, vector<16xf32>,
        %get3A_140 = arith.index_cast %scan3A_95 : i32 to index
        %get3A_141 = arith.constant 96 : index
        %get3A_142 = tpu.vector_load %arg24[%get3A_140, %get3A_141] {strides = array<i32>} : memref<32x128xf32, #tpu.memory_space<vmem>>, vector<16xf32>,
        %mul3A_143 = arith.mulf %get3A_142, %gather3A : vector<16xf32>
        %swap3A_144 = arith.index_cast %scan3A_95 : i32 to index
        %swap3A_145 = arith.constant 96 : index
        %swap3A_146 = tpu.vector_load %arg24[%swap3A_144, %swap3A_145] {strides = array<i32>} : memref<32x128xf32, #tpu.memory_space<vmem>>, vector<16xf32>,
        tpu.vector_store %arg24[%swap3A_144, %swap3A_145], %mul3A_143 {strides = array<i32>} : memref<32x128xf32, #tpu.memory_space<vmem>>, vector<16xf32>,
        %get3A_147 = arith.index_cast %scan3A_95 : i32 to index
        %get3A_148 = arith.constant 112 : index
        %get3A_149 = tpu.vector_load %arg24[%get3A_147, %get3A_148] {strides = array<i32>} : memref<32x128xf32, #tpu.memory_space<vmem>>, vector<16xf32>,
        %mul3A_150 = arith.mulf %get3A_149, %gather3A : vector<16xf32>
        %swap3A_151 = arith.index_cast %scan3A_95 : i32 to index
        %swap3A_152 = arith.constant 112 : index
        %swap3A_153 = tpu.vector_load %arg24[%swap3A_151, %swap3A_152] {strides = array<i32>} : memref<32x128xf32, #tpu.memory_space<vmem>>, vector<16xf32>,
        tpu.vector_store %arg24[%swap3A_151, %swap3A_152], %mul3A_150 {strides = array<i32>} : memref<32x128xf32, #tpu.memory_space<vmem>>, vector<16xf32>,
        %scan3A_154 = arith.constant 0 : i32
        scf.yield %scan3A_154 : i32
      }
      %scan3A_91 = arith.constant 8 : i32
      %mul3A_92 = arith.constant 10000 : i32
      %mul3A_93 = arith.muli %arg0, %mul3A_92 : i32
      %add3A_94 = arith.addi %mul3A_93, %add3A_75 : i32
      "tpu.region"() ({
        %run_scoped3A = tpu.sem_alloc : memref<!tpu.dma_semaphore, #tpu.memory_space<semaphore_mem>>
        %dma_start3A_95 = arith.constant 0 : i32
        %dma_start3A_96 = arith.constant 0 : i32
        %dma_start3A_97 = tpu.memref_slice %arg24[%dma_start3A_95, %dma_start3A_96] : memref<32x128xf32, #tpu.memory_space<vmem>> -> memref<8x128xf32, #tpu.memory_space<vmem>>
        %dma_start3A_98 = arith.constant 0 : i32
        %dma_start3A_99 = tpu.memref_slice %arg7[%add3A_94, %dma_start3A_98] : memref<20000x128xf32, #tpu.memory_space<hbm>> -> memref<8x128xf32, #tpu.memory_space<hbm>>
        %dma_start3A_100 = arith.constant 0 : i32
        %dma_start3A_101 = tpu.memref_slice %arg7[%add3A_94, %dma_start3A_100] : memref<20000x128xf32, #tpu.memory_space<hbm>> -> memref<8x128xf32, #tpu.memory_space<hbm>>
        %dma_start3A_102 = arith.constant 0 : i32
        %dma_start3A_103 = arith.constant 0 : i32
        %dma_start3A_104 = tpu.memref_slice %arg24[%dma_start3A_102, %dma_start3A_103] : memref<32x128xf32, #tpu.memory_space<vmem>> -> memref<8x128xf32, #tpu.memory_space<vmem>>
        tpu.enqueue_dma source(%dma_start3A_104 : memref<8x128xf32, #tpu.memory_space<vmem>>) target(%dma_start3A_101 : memref<8x128xf32, #tpu.memory_space<hbm>>) target_semaphore(%run_scoped3A : memref<!tpu.dma_semaphore, #tpu.memory_space<semaphore_mem>>)
        %dma_wait3A_105 = arith.constant 0 : i32
        %dma_wait3A_106 = arith.constant 0 : i32
        %dma_wait3A_107 = tpu.memref_slice %arg24[%dma_wait3A_105, %dma_wait3A_106] : memref<32x128xf32, #tpu.memory_space<vmem>> -> memref<8x128xf32, #tpu.memory_space<vmem>>
        %dma_wait3A_108 = arith.constant 0 : i32
        %dma_wait3A_109 = tpu.memref_slice %arg7[%add3A_94, %dma_wait3A_108] : memref<20000x128xf32, #tpu.memory_space<hbm>> -> memref<8x128xf32, #tpu.memory_space<hbm>>
        %dma_wait3A_110 = arith.constant 0 : i32
        %dma_wait3A_111 = tpu.memref_slice %arg7[%add3A_94, %dma_wait3A_110] : memref<20000x128xf32, #tpu.memory_space<hbm>> -> memref<8x128xf32, #tpu.memory_space<hbm>>
        %dma_wait3A_112 = arith.constant 0 : i32
        %dma_wait3A_113 = arith.constant 0 : i32
        %dma_wait3A_114 = tpu.memref_slice %arg24[%dma_wait3A_112, %dma_wait3A_113] : memref<32x128xf32, #tpu.memory_space<vmem>> -> memref<8x128xf32, #tpu.memory_space<vmem>>
        tpu.wait_dma2 semaphore(%run_scoped3A : memref<!tpu.dma_semaphore, #tpu.memory_space<semaphore_mem>>) src(%dma_wait3A_114 : memref<8x128xf32, #tpu.memory_space<vmem>>) dst(%dma_wait3A_111 : memref<8x128xf32, #tpu.memory_space<hbm>>)
        tpu.yield
      }) : () -> ()
    } else {
    }
    return
  }
}

module attributes {stable_mosaic.version = 14 : i64} {
  func.func @_kv_body(%arg0: i32, %arg1: i32, %arg2: memref<1000x128xf32, #tpu.memory_space<vmem>>, %arg3: memref<1x128x128xf32, #tpu.memory_space<vmem>>, %arg4: memref<1x1000x128xbf16, #tpu.memory_space<vmem>>) attributes {dimension_semantics = [#tpu.dimension_semantics<arbitrary>, #tpu.dimension_semantics<arbitrary>], iteration_bounds = array<i64: 8, 10>, scalar_prefetch = 0 : i64, scratch_operands = 0 : i64, tpu.core_type = #tpu.core_type<tc>, window_params = [{transform_indices = @transform_0, window_bounds = array<i64: 1000, 128>}, {transform_indices = @transform_1, window_bounds = array<i64: 1, 128, 128>}, {transform_indices = @transform_2, window_bounds = array<i64: 1, 1000, 128>}]} {
    %get3A = arith.constant 0 : index
    %get3A_0 = arith.constant 0 : index
    %get3A_1 = vector.load %arg2[%get3A, %get3A_0] : memref<1000x128xf32, #tpu.memory_space<vmem>>, vector<1000x128xf32>
    %get3A_2 = arith.constant 0 : index
    %get3A_3 = arith.constant 0 : index
    %get3A_4 = arith.constant 0 : index
    %get3A_5 = vector.load %arg3[%get3A_2, %get3A_3, %get3A_4] : memref<1x128x128xf32, #tpu.memory_space<vmem>>, vector<1x128x128xf32>
    %get3A_6 = vector.shape_cast %get3A_5 : vector<1x128x128xf32> to vector<128x128xf32>
    %dot_general3A = arith.constant dense<0.000000e+00> : vector<1000x128xf32>
    %dot_general3A_7 = tpu.matmul %get3A_1, %get3A_6, %dot_general3A {dimension_numbers = #tpu.dot_dimension_numbers<[1], [0], [0], [1], [0, 0, 1, 1], [], []>, transpose_lhs_hint = false} : vector<1000x128xf32>, vector<128x128xf32>, vector<1000x128xf32> -> vector<1000x128xf32>
    %convert_element_type3A = arith.truncf %dot_general3A_7 : vector<1000x128xf32> to vector<1000x128xbf16>
    %swap3A = arith.constant 0 : index
    %swap3A_8 = arith.constant 0 : index
    %swap3A_9 = arith.constant 0 : index
    %swap3A_10 = vector.load %arg4[%swap3A, %swap3A_8, %swap3A_9] : memref<1x1000x128xbf16, #tpu.memory_space<vmem>>, vector<1x1000x128xbf16>
    %swap3A_11 = vector.shape_cast %swap3A_10 : vector<1x1000x128xbf16> to vector<1000x128xbf16>
    %swap3A_12 = vector.shape_cast %convert_element_type3A : vector<1000x128xbf16> to vector<1x1000x128xbf16>
    tpu.vector_store %arg4[%swap3A, %swap3A_8, %swap3A_9], %swap3A_12 {strides = array<i32>} : memref<1x1000x128xbf16, #tpu.memory_space<vmem>>, vector<1x1000x128xbf16>,
    return
  }
  func.func @transform_0(%arg0: i32, %arg1: i32) -> (i32, i32) {
    %c0_i32 = arith.constant 0 : i32
    %c0_i32_0 = arith.constant 0 : i32
    return %arg1, %c0_i32 : i32, i32
  }
  func.func @transform_1(%arg0: i32, %arg1: i32) -> (i32, i32, i32) {
    %c0_i32 = arith.constant 0 : i32
    %c0_i32_0 = arith.constant 0 : i32
    %c0_i32_1 = arith.constant 0 : i32
    return %arg0, %c0_i32, %c0_i32_0 : i32, i32, i32
  }
  func.func @transform_2(%arg0: i32, %arg1: i32) -> (i32, i32, i32) {
    %c0_i32 = arith.constant 0 : i32
    %c0_i32_0 = arith.constant 0 : i32
    return %arg0, %arg1, %c0_i32 : i32, i32, i32
  }
}

module attributes {stable_mosaic.version = 14 : i64} {
  func.func @_idx_body(%arg0: i32, %arg1: memref<1250x128xi32, #tpu.memory_space<vmem>>, %arg2: memref<1250x128xi32, #tpu.memory_space<vmem>>, %arg3: memref<1250x128xi32, #tpu.memory_space<vmem>>, %arg4: memref<1x1250x128xi32, #tpu.memory_space<vmem>>, %arg5: memref<1x1250x128xi32, #tpu.memory_space<vmem>>) attributes {dimension_semantics = [#tpu.dimension_semantics<arbitrary>], iteration_bounds = array<i64: 2>, scalar_prefetch = 0 : i64, scratch_operands = 0 : i64, tpu.core_type = #tpu.core_type<tc>, window_params = [{pipeline_mode = #tpu.pipeline_mode<synchronous>, transform_indices = @transform_0, window_bounds = array<i64: 1250, 128>}, {pipeline_mode = #tpu.pipeline_mode<synchronous>, transform_indices = @transform_1, window_bounds = array<i64: 1250, 128>}, {pipeline_mode = #tpu.pipeline_mode<synchronous>, transform_indices = @transform_2, window_bounds = array<i64: 1250, 128>}, {transform_indices = @transform_3, window_bounds = array<i64: 1, 1250, 128>}, {transform_indices = @transform_4, window_bounds = array<i64: 1, 1250, 128>}]} {
    %get3A = arith.constant 0 : index
    %get3A_0 = arith.constant 0 : index
    %get3A_1 = vector.load %arg2[%get3A, %get3A_0] : memref<1250x128xi32, #tpu.memory_space<vmem>>, vector<1250x128xi32>
    %mul3A = arith.constant 10000 : i32
    %mul3A_2 = vector.broadcast %mul3A : i32 to vector<1250x128xi32>
    %mul3A_3 = arith.muli %get3A_1, %mul3A_2 : vector<1250x128xi32>
    %get3A_4 = arith.constant 0 : index
    %get3A_5 = arith.constant 0 : index
    %get3A_6 = vector.load %arg1[%get3A_4, %get3A_5] : memref<1250x128xi32, #tpu.memory_space<vmem>>, vector<1250x128xi32>
    %add3A = arith.addi %mul3A_3, %get3A_6 : vector<1250x128xi32>
    %mul3A_7 = arith.constant 40000 : i32
    %mul3A_8 = arith.muli %arg0, %mul3A_7 : i32
    %add3A_9 = vector.broadcast %mul3A_8 : i32 to vector<1250x128xi32>
    %add3A_10 = arith.addi %add3A, %add3A_9 : vector<1250x128xi32>
    %swap3A = arith.constant 0 : index
    %swap3A_11 = arith.constant 0 : index
    %swap3A_12 = arith.constant 0 : index
    %swap3A_13 = vector.load %arg4[%swap3A, %swap3A_11, %swap3A_12] : memref<1x1250x128xi32, #tpu.memory_space<vmem>>, vector<1x1250x128xi32>
    %swap3A_14 = vector.shape_cast %swap3A_13 : vector<1x1250x128xi32> to vector<1250x128xi32>
    %swap3A_15 = vector.shape_cast %add3A_10 : vector<1250x128xi32> to vector<1x1250x128xi32>
    tpu.vector_store %arg4[%swap3A, %swap3A_11, %swap3A_12], %swap3A_15 {strides = array<i32>} : memref<1x1250x128xi32, #tpu.memory_space<vmem>>, vector<1x1250x128xi32>,
    %get3A_16 = arith.constant 0 : index
    %get3A_17 = arith.constant 0 : index
    %get3A_18 = vector.load %arg3[%get3A_16, %get3A_17] : memref<1250x128xi32, #tpu.memory_space<vmem>>, vector<1250x128xi32>
    %mul3A_19 = arith.constant 10000 : i32
    %mul3A_20 = arith.muli %arg0, %mul3A_19 : i32
    %add3A_21 = vector.broadcast %mul3A_20 : i32 to vector<1250x128xi32>
    %add3A_22 = arith.addi %get3A_18, %add3A_21 : vector<1250x128xi32>
    %swap3A_23 = arith.constant 0 : index
    %swap3A_24 = arith.constant 0 : index
    %swap3A_25 = arith.constant 0 : index
    %swap3A_26 = vector.load %arg5[%swap3A_23, %swap3A_24, %swap3A_25] : memref<1x1250x128xi32, #tpu.memory_space<vmem>>, vector<1x1250x128xi32>
    %swap3A_27 = vector.shape_cast %swap3A_26 : vector<1x1250x128xi32> to vector<1250x128xi32>
    %swap3A_28 = vector.shape_cast %add3A_22 : vector<1250x128xi32> to vector<1x1250x128xi32>
    tpu.vector_store %arg5[%swap3A_23, %swap3A_24, %swap3A_25], %swap3A_28 {strides = array<i32>} : memref<1x1250x128xi32, #tpu.memory_space<vmem>>, vector<1x1250x128xi32>,
    return
  }
  func.func @transform_0(%arg0: i32) -> (i32, i32) {
    %c0_i32 = arith.constant 0 : i32
    %c0_i32_0 = arith.constant 0 : i32
    %c0_i32_1 = arith.constant 0 : i32
    return %c0_i32, %c0_i32_0 : i32, i32
  }
  func.func @transform_1(%arg0: i32) -> (i32, i32) {
    %c0_i32 = arith.constant 0 : i32
    %c0_i32_0 = arith.constant 0 : i32
    %c0_i32_1 = arith.constant 0 : i32
    return %c0_i32, %c0_i32_0 : i32, i32
  }
  func.func @transform_2(%arg0: i32) -> (i32, i32) {
    %c0_i32 = arith.constant 0 : i32
    %c0_i32_0 = arith.constant 0 : i32
    %c0_i32_1 = arith.constant 0 : i32
    return %c0_i32, %c0_i32_0 : i32, i32
  }
  func.func @transform_3(%arg0: i32) -> (i32, i32, i32) {
    %c0_i32 = arith.constant 0 : i32
    %c0_i32_0 = arith.constant 0 : i32
    %c0_i32_1 = arith.constant 0 : i32
    return %arg0, %c0_i32, %c0_i32_0 : i32, i32, i32
  }
  func.func @transform_4(%arg0: i32) -> (i32, i32, i32) {
    %c0_i32 = arith.constant 0 : i32
    %c0_i32_0 = arith.constant 0 : i32
    %c0_i32_1 = arith.constant 0 : i32
    return %arg0, %c0_i32, %c0_i32_0 : i32, i32, i32
  }
}

module attributes {stable_mosaic.version = 14 : i64} {
  func.func @_q_body(%arg0: i32, %arg1: i32, %arg2: memref<1000x128xf32, #tpu.memory_space<vmem>>, %arg3: memref<1x128x128xf32, #tpu.memory_space<vmem>>, %arg4: memref<1x1000x128xf32, #tpu.memory_space<vmem>>) attributes {dimension_semantics = [#tpu.dimension_semantics<arbitrary>, #tpu.dimension_semantics<arbitrary>], iteration_bounds = array<i64: 8, 10>, scalar_prefetch = 0 : i64, scratch_operands = 0 : i64, tpu.core_type = #tpu.core_type<tc>, window_params = [{transform_indices = @transform_0, window_bounds = array<i64: 1000, 128>}, {transform_indices = @transform_1, window_bounds = array<i64: 1, 128, 128>}, {transform_indices = @transform_2, window_bounds = array<i64: 1, 1000, 128>}]} {
    %get3A = arith.constant 0 : index
    %get3A_0 = arith.constant 0 : index
    %get3A_1 = vector.load %arg2[%get3A, %get3A_0] : memref<1000x128xf32, #tpu.memory_space<vmem>>, vector<1000x128xf32>
    %get3A_2 = arith.constant 0 : index
    %get3A_3 = arith.constant 0 : index
    %get3A_4 = arith.constant 0 : index
    %get3A_5 = vector.load %arg3[%get3A_2, %get3A_3, %get3A_4] : memref<1x128x128xf32, #tpu.memory_space<vmem>>, vector<1x128x128xf32>
    %get3A_6 = vector.shape_cast %get3A_5 : vector<1x128x128xf32> to vector<128x128xf32>
    %dot_general3A = arith.constant dense<0.000000e+00> : vector<1000x128xf32>
    %dot_general3A_7 = tpu.matmul %get3A_1, %get3A_6, %dot_general3A {dimension_numbers = #tpu.dot_dimension_numbers<[1], [0], [0], [1], [0, 0, 1, 1], [], []>, transpose_lhs_hint = false} : vector<1000x128xf32>, vector<128x128xf32>, vector<1000x128xf32> -> vector<1000x128xf32>
    %swap3A = arith.constant 0 : index
    %swap3A_8 = arith.constant 0 : index
    %swap3A_9 = arith.constant 0 : index
    %swap3A_10 = vector.load %arg4[%swap3A, %swap3A_8, %swap3A_9] : memref<1x1000x128xf32, #tpu.memory_space<vmem>>, vector<1x1000x128xf32>
    %swap3A_11 = vector.shape_cast %swap3A_10 : vector<1x1000x128xf32> to vector<1000x128xf32>
    %swap3A_12 = vector.shape_cast %dot_general3A_7 : vector<1000x128xf32> to vector<1x1000x128xf32>
    tpu.vector_store %arg4[%swap3A, %swap3A_8, %swap3A_9], %swap3A_12 {strides = array<i32>} : memref<1x1000x128xf32, #tpu.memory_space<vmem>>, vector<1x1000x128xf32>,
    return
  }
  func.func @transform_0(%arg0: i32, %arg1: i32) -> (i32, i32) {
    %c0_i32 = arith.constant 0 : i32
    %c0_i32_0 = arith.constant 0 : i32
    return %arg1, %c0_i32 : i32, i32
  }
  func.func @transform_1(%arg0: i32, %arg1: i32) -> (i32, i32, i32) {
    %c0_i32 = arith.constant 0 : i32
    %c0_i32_0 = arith.constant 0 : i32
    %c0_i32_1 = arith.constant 0 : i32
    return %arg0, %c0_i32, %c0_i32_0 : i32, i32, i32
  }
  func.func @transform_2(%arg0: i32, %arg1: i32) -> (i32, i32, i32) {
    %c0_i32 = arith.constant 0 : i32
    %c0_i32_0 = arith.constant 0 : i32
    return %arg0, %arg1, %c0_i32 : i32, i32, i32
  }
}

module attributes {stable_mosaic.version = 14 : i64} {
  func.func @_q_body(%arg0: i32, %arg1: i32, %arg2: memref<1000x128xf32, #tpu.memory_space<vmem>>, %arg3: memref<1x128x128xf32, #tpu.memory_space<vmem>>, %arg4: memref<1x1000x128xf32, #tpu.memory_space<vmem>>) attributes {dimension_semantics = [#tpu.dimension_semantics<arbitrary>, #tpu.dimension_semantics<arbitrary>], iteration_bounds = array<i64: 2, 10>, scalar_prefetch = 0 : i64, scratch_operands = 0 : i64, tpu.core_type = #tpu.core_type<tc>, window_params = [{transform_indices = @transform_0, window_bounds = array<i64: 1000, 128>}, {transform_indices = @transform_1, window_bounds = array<i64: 1, 128, 128>}, {transform_indices = @transform_2, window_bounds = array<i64: 1, 1000, 128>}]} {
    %get3A = arith.constant 0 : index
    %get3A_0 = arith.constant 0 : index
    %get3A_1 = vector.load %arg2[%get3A, %get3A_0] : memref<1000x128xf32, #tpu.memory_space<vmem>>, vector<1000x128xf32>
    %get3A_2 = arith.constant 0 : index
    %get3A_3 = arith.constant 0 : index
    %get3A_4 = arith.constant 0 : index
    %get3A_5 = vector.load %arg3[%get3A_2, %get3A_3, %get3A_4] : memref<1x128x128xf32, #tpu.memory_space<vmem>>, vector<1x128x128xf32>
    %get3A_6 = vector.shape_cast %get3A_5 : vector<1x128x128xf32> to vector<128x128xf32>
    %dot_general3A = arith.constant dense<0.000000e+00> : vector<1000x128xf32>
    %dot_general3A_7 = tpu.matmul %get3A_1, %get3A_6, %dot_general3A {dimension_numbers = #tpu.dot_dimension_numbers<[1], [0], [0], [1], [0, 0, 1, 1], [], []>, transpose_lhs_hint = false} : vector<1000x128xf32>, vector<128x128xf32>, vector<1000x128xf32> -> vector<1000x128xf32>
    %swap3A = arith.constant 0 : index
    %swap3A_8 = arith.constant 0 : index
    %swap3A_9 = arith.constant 0 : index
    %swap3A_10 = vector.load %arg4[%swap3A, %swap3A_8, %swap3A_9] : memref<1x1000x128xf32, #tpu.memory_space<vmem>>, vector<1x1000x128xf32>
    %swap3A_11 = vector.shape_cast %swap3A_10 : vector<1x1000x128xf32> to vector<1000x128xf32>
    %swap3A_12 = vector.shape_cast %dot_general3A_7 : vector<1000x128xf32> to vector<1x1000x128xf32>
    tpu.vector_store %arg4[%swap3A, %swap3A_8, %swap3A_9], %swap3A_12 {strides = array<i32>} : memref<1x1000x128xf32, #tpu.memory_space<vmem>>, vector<1x1000x128xf32>,
    return
  }
  func.func @transform_0(%arg0: i32, %arg1: i32) -> (i32, i32) {
    %c0_i32 = arith.constant 0 : i32
    %c0_i32_0 = arith.constant 0 : i32
    return %arg1, %c0_i32 : i32, i32
  }
  func.func @transform_1(%arg0: i32, %arg1: i32) -> (i32, i32, i32) {
    %c0_i32 = arith.constant 0 : i32
    %c0_i32_0 = arith.constant 0 : i32
    %c0_i32_1 = arith.constant 0 : i32
    return %arg0, %c0_i32, %c0_i32_0 : i32, i32, i32
  }
  func.func @transform_2(%arg0: i32, %arg1: i32) -> (i32, i32, i32) {
    %c0_i32 = arith.constant 0 : i32
    %c0_i32_0 = arith.constant 0 : i32
    return %arg0, %arg1, %c0_i32 : i32, i32, i32
  }
}

module attributes {stable_mosaic.version = 14 : i64} {
  func.func @_final_body(%arg0: i32, %arg1: memref<1x1000x128xf32, #tpu.memory_space<vmem>>, %arg2: memref<1x1000x128xf32, #tpu.memory_space<vmem>>, %arg3: memref<256x128xf32, #tpu.memory_space<vmem>>, %arg4: memref<1000x128xf32, #tpu.memory_space<vmem>>) attributes {dimension_semantics = [#tpu.dimension_semantics<arbitrary>], iteration_bounds = array<i64: 10>, scalar_prefetch = 0 : i64, scratch_operands = 0 : i64, tpu.core_type = #tpu.core_type<tc>, window_params = [{transform_indices = @transform_0, window_bounds = array<i64: 1, 1000, 128>}, {transform_indices = @transform_1, window_bounds = array<i64: 1, 1000, 128>}, {pipeline_mode = #tpu.pipeline_mode<synchronous>, transform_indices = @transform_2, window_bounds = array<i64: 256, 128>}, {transform_indices = @transform_3, window_bounds = array<i64: 1000, 128>}]} {
    %get3A = arith.constant 0 : index
    %get3A_0 = arith.constant 0 : index
    %get3A_1 = arith.constant 0 : index
    %get3A_2 = vector.load %arg1[%get3A, %get3A_0, %get3A_1] : memref<1x1000x128xf32, #tpu.memory_space<vmem>>, vector<1x1000x128xf32>
    %get3A_3 = vector.shape_cast %get3A_2 : vector<1x1000x128xf32> to vector<1000x128xf32>
    %get3A_4 = arith.constant 0 : index
    %get3A_5 = arith.constant 0 : index
    %get3A_6 = vector.load %arg3[%get3A_4, %get3A_5] : memref<256x128xf32, #tpu.memory_space<vmem>>, vector<128x128xf32>
    %dot_general3A = arith.constant dense<0.000000e+00> : vector<1000x128xf32>
    %dot_general3A_7 = tpu.matmul %get3A_3, %get3A_6, %dot_general3A {dimension_numbers = #tpu.dot_dimension_numbers<[1], [0], [0], [1], [0, 0, 1, 1], [], []>, transpose_lhs_hint = false} : vector<1000x128xf32>, vector<128x128xf32>, vector<1000x128xf32> -> vector<1000x128xf32>
    %get3A_8 = arith.constant 0 : index
    %get3A_9 = arith.constant 0 : index
    %get3A_10 = arith.constant 0 : index
    %get3A_11 = vector.load %arg2[%get3A_8, %get3A_9, %get3A_10] : memref<1x1000x128xf32, #tpu.memory_space<vmem>>, vector<1x1000x128xf32>
    %get3A_12 = vector.shape_cast %get3A_11 : vector<1x1000x128xf32> to vector<1000x128xf32>
    %get3A_13 = arith.constant 128 : index
    %get3A_14 = arith.constant 0 : index
    %get3A_15 = vector.load %arg3[%get3A_13, %get3A_14] : memref<256x128xf32, #tpu.memory_space<vmem>>, vector<128x128xf32>
    %dot_general3A_16 = arith.constant dense<0.000000e+00> : vector<1000x128xf32>
    %dot_general3A_17 = tpu.matmul %get3A_12, %get3A_15, %dot_general3A_16 {dimension_numbers = #tpu.dot_dimension_numbers<[1], [0], [0], [1], [0, 0, 1, 1], [], []>, transpose_lhs_hint = false} : vector<1000x128xf32>, vector<128x128xf32>, vector<1000x128xf32> -> vector<1000x128xf32>
    %add3A = arith.addf %dot_general3A_7, %dot_general3A_17 : vector<1000x128xf32>
    %swap3A = arith.constant 0 : index
    %swap3A_18 = arith.constant 0 : index
    %swap3A_19 = vector.load %arg4[%swap3A, %swap3A_18] : memref<1000x128xf32, #tpu.memory_space<vmem>>, vector<1000x128xf32>
    tpu.vector_store %arg4[%swap3A, %swap3A_18], %add3A {strides = array<i32>} : memref<1000x128xf32, #tpu.memory_space<vmem>>, vector<1000x128xf32>,
    return
  }
  func.func @transform_0(%arg0: i32) -> (i32, i32, i32) {
    %c0_i32 = arith.constant 0 : i32
    %c0_i32_0 = arith.constant 0 : i32
    %c0_i32_1 = arith.constant 0 : i32
    return %c0_i32, %arg0, %c0_i32_0 : i32, i32, i32
  }
  func.func @transform_1(%arg0: i32) -> (i32, i32, i32) {
    %c1_i32 = arith.constant 1 : i32
    %c0_i32 = arith.constant 0 : i32
    %c0_i32_0 = arith.constant 0 : i32
    return %c1_i32, %arg0, %c0_i32 : i32, i32, i32
  }
  func.func @transform_2(%arg0: i32) -> (i32, i32) {
    %c0_i32 = arith.constant 0 : i32
    %c0_i32_0 = arith.constant 0 : i32
    %c0_i32_1 = arith.constant 0 : i32
    return %c0_i32, %c0_i32_0 : i32, i32
  }
  func.func @transform_3(%arg0: i32) -> (i32, i32) {
    %c0_i32 = arith.constant 0 : i32
    %c0_i32_0 = arith.constant 0 : i32
    return %arg0, %c0_i32 : i32, i32
  }
}

</mosaic_0001>

<sc_bundles>
// kernel: kernel.8.cloned.1.call-start
scs
__scs_entry_jumppad:
0x0: {  	(pc) =	sbr.rel $0x88, $3  }
0x1: {  	(tag) =	ssettag $0x0;
	lr =	simm.s32 $0x1  }
0x2: {  	[smem:$0x3F9A] =	sst lr;
	_ =	strace $0xD0000000  }
0x3: {  	_ = 	snop  }
0x4: {  	_ = 	snop  }
0x5: {  	_ = 	snop  }
0x6: {  	_ = 	snop  }
0x7: {  	_ = 	snop  }
__scs_overlays_trampoline_lowered:
0x8: {  	[smem:$0x3FA9] =	sst s0  }
0x9: {  	[smem:$0x3FAA] =	sst s1  }
0xa: {  	[smem:$0x3FAB] =	sst s2  }
0xb: {  	[smem:$0x3FAC] =	sst s3  }
0xc: {  	[smem:$0x3FAD] =	sst s4  }
0xd: {  	[smem:$0x3FAE] =	sst s5  }
0xe: {  	[smem:$0x3FAF] =	sst s6  }
0xf: {  	[smem:$0x3FB0] =	sst s7  }
0x10: {  	[smem:$0x3FB1] =	sst s8  }
0x11: {  	[smem:$0x3FB2] =	sst s9;
	s0 =	simm.s32 @!p0 $0x0  }
0x12: {  	s1 =	sld [smem:$0x3F98];
	s0 =	simm.s32 @p0 $0x1  }
0x13: {  	[smem:$0x3FB3] =	sst s0;
	s0 =	simm.s32 @!p1 $0x0  }
0x14: {  	s2 =	sld [smem:$0x3F97];
	s0 =	simm.s32 @p1 $0x1  }
0x15: {  	[smem:$0x3FB4] =	sst s0;
	s0 =	simm.s32 @!p2 $0x0  }
0x16: {  	s3 =	sld [smem:$0x3FDB];
	s0 =	simm.s32 @p2 $0x1  }
0x17: {  	s4 =	simm.s32 $0x1BF5;
	[smem:$0x3FB6] =	sst s0  }
0x18: {  	s0 =	sld [smem:$0x3F99];
	_ =	swait.ge [sflag:s4], $0x0  }
0x19: {  	s7 =	sld [smem:$0x3F9A]  }
0x1a: {  	s8 =	sadd.s32 $0xFFFFE003, lr  }
0x1b: {  	s9 =	sadd.s32 $0xFFFFFEF7, lr;
	s5 =	simm.s32 $0xFFFFFFFF;
	p2 =	slt.u32 s8, $0xFFFFF086  }
0x1c: {  	p1 =	slt.u32 s9, $0xF7A;
	s5 =	simm.s32 @!p2 $0x0  }
0x1d: {  	s5 =	simm.s32 @p1 $0x1;
	p0 =	seq.s32 s7, s2  }
0x1e: {  	s7 =	smul.u32 @!p0 $0xF7A, s2;
	p2 =	seq.s32 @!p0 s5, $0x0  }
0x1f: {  	s9 =	smul.u32 $0xF7A, s1;
	s8 =	simm.s32 @!p0 $0x1BF5;
	p2 =	por !p2, p0  }
0x20: {  	[sflag:s8] =	ssyncset.s32 @!p0 $0xFFFFF086;
	s6 =	sadd.s32 @!p0 s3, s7;
	s7 =	simm.s32 @!p0 $0x108  }
0x21: {  	s3 =	sadd.s32 s3, s9;
	s6 =	sadd.s32 @!p0 $0x88, s6;
	s7 =	simm.s32 @p2 $0x1082  }
0x22: {  	[simem:s7], [sflag:s8] =	dma.local @!p0 [hbm:s6], $0xF7A  }
0x23: {  	s9 =	sor.u32 $0xD0000000, s2;
	s6 =	simm.s32 $0x108;
	_ =	swait.ge @!p0 [sflag:s8], $0x0  }
0x24: {  	s3 =	sadd.s32 $0x88, s3;
	s6 =	simm.s32 @!p1 $0x1082;
	[sflag:s4] =	ssyncset.s32 $0xFFFFF086  }
0x25: {  	[simem:s6], [sflag:s4] =	dma.local [hbm:s3], $0xF7A  }
0x26: {  	[smem:$0x3F9A] =	sst s1;
	(tag) =	ssettag s2;
	_ =	strace s9  }
0x27: {  	s1 =	sld [smem:$0x3FAA]  }
0x28: {  	s2 =	sld [smem:$0x3FAB]  }
0x29: {  	s4 =	sld [smem:$0x3FAD]  }
0x2a: {  	p0 =	seq.s32 s5, $0x0;
	s5 =	sld [smem:$0x3FAE]  }
0x2b: {  	s6 =	sld [smem:$0x3FAF]  }
0x2c: {  	s7 =	sld [smem:$0x3FB0]  }
0x2d: {  	s3 =	simm.s32 $0x108;
	s8 =	sld [smem:$0x3FB1]  }
0x2e: {  	s3 =	simm.s32 @!p0 $0x1082;
	s9 =	sld [smem:$0x3FB2]  }
0x2f: {  	lr =	sadd.s32 s0, s3;
	s0 =	sld [smem:$0x3FA9]  }
0x30: {  	s3 =	sld [smem:$0x3FAC]  }
0x31: {  	[smem:$0x3FB5] =	sst s10  }
0x32: {  	s10 =	sld [smem:$0x3FB3];
	_ =	sdelay $0x3  }
0x33: {  	p0 =	seq.s32 s10, $0x1;
	s10 =	sld [smem:$0x3FB5];
	_ =	sdelay $0x3  }
0x34: {  	[smem:$0x3FB5] =	sst s10  }
0x35: {  	s10 =	sld [smem:$0x3FB4];
	_ =	sdelay $0x3  }
0x36: {  	p1 =	seq.s32 s10, $0x1;
	s10 =	sld [smem:$0x3FB5];
	_ =	sdelay $0x3  }
0x37: {  	[smem:$0x3FB5] =	sst s10  }
0x38: {  	s10 =	sld [smem:$0x3FB6]  }
0x39: {  	_ = 	snop;
	(pc) =	sbr.ind lr, $3  }
0x3a: {  	_ = 	snop  }
0x3b: {  	_ = 	snop  }
0x3c: {  	p2 =	seq.s32 s10, $0x1;
	s10 =	sld [smem:$0x3FB5]  }
0x3d: {  	_ =	shalt  }
0x3e: {  	_ =	shalt  }
0x3f: {  	_ =	shalt  }
0x40: {  	_ =	shalt  }
0x41: {  	_ =	shalt  }
0x42: {  	_ =	shalt  }
0x43: {  	_ =	shalt  }
0x44: {  	_ =	shalt  }
0x45: {  	_ =	shalt  }
0x46: {  	_ =	shalt  }
0x47: {  	_ =	shalt  }
0x48: {  	_ =	shalt  }
0x49: {  	_ =	shalt  }
0x4a: {  	_ =	shalt  }
0x4b: {  	_ =	shalt  }
0x4c: {  	_ =	shalt  }
0x4d: {  	_ =	shalt  }
0x4e: {  	_ =	shalt  }
0x4f: {  	_ =	shalt  }
0x50: {  	_ =	shalt  }
0x51: {  	_ =	shalt  }
0x52: {  	_ =	shalt  }
0x53: {  	_ =	shalt  }
0x54: {  	_ =	shalt  }
0x55: {  	_ =	shalt  }
0x56: {  	_ =	shalt  }
0x57: {  	_ =	shalt  }
0x58: {  	_ =	shalt  }
0x59: {  	_ =	shalt  }
0x5a: {  	_ =	shalt  }
0x5b: {  	_ =	shalt  }
0x5c: {  	_ =	shalt  }
0x5d: {  	_ =	shalt  }
0x5e: {  	_ =	shalt  }
0x5f: {  	_ =	shalt  }
0x60: {  	_ =	shalt  }
0x61: {  	_ =	shalt  }
0x62: {  	_ =	shalt  }
0x63: {  	_ =	shalt  }
0x64: {  	_ =	shalt  }
0x65: {  	_ =	shalt  }
0x66: {  	_ =	shalt  }
0x67: {  	_ =	shalt  }
0x68: {  	_ =	shalt  }
0x69: {  	_ =	shalt  }
0x6a: {  	_ =	shalt  }
0x6b: {  	_ =	shalt  }
0x6c: {  	_ =	shalt  }
0x6d: {  	_ =	shalt  }
0x6e: {  	_ =	shalt  }
0x6f: {  	_ =	shalt  }
0x70: {  	_ =	shalt  }
0x71: {  	_ =	shalt  }
0x72: {  	_ =	shalt  }
0x73: {  	_ =	shalt  }
0x74: {  	_ =	shalt  }
0x75: {  	_ =	shalt  }
0x76: {  	_ =	shalt  }
0x77: {  	_ =	shalt  }
0x78: {  	_ =	shalt  }
0x79: {  	_ =	shalt  }
0x7a: {  	_ =	shalt  }
0x7b: {  	_ =	shalt  }
0x7c: {  	_ =	shalt  }
0x7d: {  	_ =	shalt  }
0x7e: {  	_ =	shalt  }
0x7f: {  	_ =	shalt  }
0x80: {  	_ =	shalt  }
0x81: {  	_ =	shalt  }
0x82: {  	_ =	shalt  }
0x83: {  	_ =	shalt  }
0x84: {  	_ =	shalt  }
0x85: {  	_ =	shalt  }
0x86: {  	_ =	shalt  }
0x87: {  	_ =	shalt  }
.Lfunc_end0:
.L_simem_size_0:
called_computation.1_lowered:
.L_overlay_start_0:
0x88: {  	s2 =	sld [smem:$0x3FD9]  }
0x89: {  	s3 =	sld [smem:$0x3FFE];
	_ =	sdelay $0x1  }
0x8a: {  	s1 =	srdreg.scid  }
0x8b: {  	s0 =	sand.u32 $0x1, s1  }
0x8c: {  	s17 =	sshll.u32 s0, $0xA;
	s2 =	sadd.s32 s3, s2  }
0x8d: {  	s2 =	sadd.s32 s2, s17  }
0x8e: {  	[smem:$0x3FC1] =	sst s2  }
0x8f: {  	_ = 	snop  }
0x90: {  	s2 =	sld [smem:$0x3FD0];
	(tm) =	ssettm $0x1  }
0x91: {  	s18 =	sld [smem:$0x3FFB];
	_ =	sdelay $0x3  }
0x92: {  	_ =	strace s18  }
0x93: {  	s3 =	sld [smem:$0x3FFC];
	_ =	sdelay $0x3  }
0x94: {  	_ =	strace s3  }
0x95: {  	s3 =	sld [smem:$0x3FFD];
	_ =	sdelay $0x3  }
0x96: {  	_ =	strace s3  }
0x97: {  	_ =	strace $0x8FFFFFFF  }
0x98: {  	s19 =	sld [smem:$0x3FDB];
	_ =	sdelay $0x1  }
0x99: {  	s4 =	simm.s32 $_scs_section_size  }
0x9a: {  	s5 =	simm.s32 $_size__tile_overlayer_lowered;
	s6 =	simm.s32 $_tile_overlayer_lowered  }
0x9b: {  	s22 =	simm.s32 $0x1BFF;
	s21 =	sshll.u32 s6, $0x1;
	s3 =	sadd.s32 s4, s19  }
0x9c: {  	s7 =	simm.s32 $0x0;
	s20 =	sshll.u32 s5, $0x1;
	s5 =	sadd.s32 s21, s3  }
0x9d: {  	[timem:s7], [sflag:s22] =	dma.local [hbm:s5], s20  }
0x9e: {  	_ =	swait.ge [sflag:s22], s20  }
0x9f: {  	s4 =	ssub.s32 $0x0, s20;
	[sflag:s22] =	ssyncset.done $0x0  }
0xa0: {  	[sflag:s22] =	ssyncadd.s32 s4;
	_ =	sdelay $0x1  }
0xa1: {  	s23 =	simm.s32 $0x1B8B  }
0xa2: {  	_ =	swait.ge [sflag:s23], $0x1  }
0xa3: {  	[sflag:s23] =	ssyncset.done $0x0  }
0xa4: {  	s25 =	simm.s32 $0x1B8E;
	s24 =	sld [smem:$0x3FFE];
	[sflag:s23] =	ssyncadd.s32 $0xFFFFFFFF  }
0xa5: {  	s26 =	simm.s32 $execute0_lowered;
	[smem:$0x3FD2] =	sst s25  }
0xa6: {  	s5 =	sshll.u32 s26, $0x1;
	_ =	strace $0x80000049;
	[dreg:$0x1] =	wrdreg $0xFFFFFFFF  }
0xa7: {  	s28 =	simm.s32 $_size_execute0_lowered;
	s3 =	sadd.s32 s3, s5;
	[dreg:$0x0] =	wrdreg $0x0  }
0xa8: {  	s5 =	sshll.u32 s28, $0x1;
	[dreg:$0x2] =	wrdreg s3  }
0xa9: {  	[dreg:$0x3] =	wrdreg s5  }
0xaa: {  	[dreg:$0x4] =	wrdreg $0xC0  }
0xab: {  	_ =	task [dreg:s7], $0x5FFFF  }
0xac: {  	[dreg:$0x1] =	wrdreg $0xFFFFFFFF  }
0xad: {  	[dreg:$0x0] =	wrdreg $0x60  }
0xae: {  	[dreg:$0x2] =	wrdreg s2  }
0xaf: {  	[dreg:$0x3] =	wrdreg s24  }
0xb0: {  	[dreg:$0x4] =	wrdreg $0xAE780  }
0xb1: {  	[dreg:$0x5] =	wrdreg $0xAC000  }
0xb2: {  	[dreg:$0x6] =	wrdreg $0x9  }
0xb3: {  	_ =	task.clear_ibuf [dreg:s7], $0x7FFFF;
	_ =	strace $0x90000049  }
0xb4: {  	s29 =	simm.s32 $0x9;
	_ =	strace $0x8000004B  }
0xb5: {  	_ =	swait.ge [sflag:s29], $0x1  }
0xb6: {  	[sflag:s29] =	ssyncadd.s32 $0xFFFFFFFF  }
0xb7: {  	_ =	strace $0x9000004B  }
0xb8: {  	_ =	sfence  }
0xb9: {  	s30 =	sld [smem:$0x0];
	_ =	sdelay $0x2  }
0xba: {  	s31 =	sshll.u32 s1, $0xD;
	s1 =	sshrl.u32 s1, $0x2  }
0xbb: {  	s3 =	sand.u32 $0x4000, s31;
	s1 =	sadd.s32 s1, s30  }
0xbc: {  	s0 =	sor.u32 s3, s0;
	s1 =	sshll.u32 s1, $0x11  }
0xbd: {  	s0 =	sor.u32 s1, s0  }
0xbe: {  	s0 =	sadd.s32 $0x8F2B, s0  }
0xbf: {  	[sflag:s0] =	ssyncadd.remote.s32 $0x1  }
0xc0: {  	_ =	sfence.sel $0xFFFF  }
0xc1: {  	[dreg:$0x0] =	wrdreg $0xFFFFFFFF;
	(pc) =	sbr.abs _section_cstart, $3  }
0xc2: {  	[dreg:$0x1] =	wrdreg $0xFFFFFFFF  }
0xc3: {  	_ =	task.clear_ibuf [dreg:s7], $0x2FFFF;
	_ =	strace $0x9FFFFFFF  }
0xc4: {  	(tm) =	ssettm $0x7FFFFFFF  }
0xc5: {  	_ =	shalt  }
tec
execute0_lowered:
.L_overlay_start_1:
0x0: {  	(tag) =	ssettag $0x1  }
0x1: {  	s1 =	rddreg [dreg:$0x0]  }
0x2: {  	s0 =	rddreg [dreg:$0x1]  }
0x3: {  	s13 =	rddreg [dreg:$0x2]  }
0x4: {  	s2 =	simm.s32 $0x0;
	s17 =	srdreg.scid;
	s3 =	stileid.u32  }
0x5: {  	[smem:$0x7FF] =	sst s2;
	s5 =	sadd.s32 $0x1C00, s0;
	s6 =	sadd.s32 $0x312800, s0  }
0x6: {  	s7 =	sadd.s32 $0x192400, s0;
	s2 =	sand.u32 $0x1, s17;
	s9 =	smul.u32 $0x138, s3  }
0x7: {  	s11 =	smin.u32 s3, $0x8;
	s12 =	smul.u32 $0x7D000, s3;
	s14 =	sadd.s32 $0x59C00, s0  }
0x8: {  	p0 =	slt.u32 s3, $0x8;
	s15 =	smul.u32 $0x3E8, s3;
	p1 =	sgt.u32 s3, $0x9  }
0x9: {  	_ =	strace $0x8000004A;
	s4 =	ssub.s32 $0x2, s2;
	s16 =	smul.u32 $0x2710, s2  }
0xa: {  	[dreg:$0x5] =	wrdreg s14;
	s10 =	sshrl.u32 s4, $0x1;
	s19 =	sadd.s32 s11, s9  }
0xb: {  	s21 =	sshrl.u32 s12, $0x2;
	s17 =	sadd.s32 $0x3E0, s15;
	[dreg:$0x9] =	wrdreg s15  }
0xc: {  	s18 =	ssub.s32 s4, s10;
	s10 =	simm.s32 $0x139;
	[dreg:$0xb] =	wrdreg s16  }
0xd: {  	s11 =	sadd.s32 s21, s13;
	s9 =	sadd.s32 s16, s17;
	[dreg:$0xe] =	wrdreg s17  }
0xe: {  	s16 =	sshll.u32 s17, $0x7;
	s22 =	sadd.s32 $0x1000, s11;
	[dreg:$0x6] =	wrdreg s11  }
0xf: {  	s10 =	simm.s32 @!p0 $0x138;
	s23 =	sadd.s32 $0x2000, s11;
	[dreg:$0x7] =	wrdreg s22  }
0x10: {  	p0 =	sne.s32 s3, $0x0;
	s3 =	sadd.s32 s16, s13;
	[dreg:$0x8] =	wrdreg s23  }
0x11: {  	s8 =	sadd.s32 $0xBA00, s0;
	s0 =	smax.u32 s18, $0x1;
	[dreg:$0x10] =	wrdreg s3  }
0x12: {  	s20 =	smul.u32 $0x27100, s2;
	s18 =	sadd.s32 $0x3000, s11;
	[dreg:$0x12] =	wrdreg s0  }
0x13: {  	s4 =	sshll.u32 s19, $0x5;
	s19 =	sadd.s32 $0x4000, s11;
	[dreg:$0x13] =	wrdreg s18  }
0x14: {  	s12 =	sadd.s32 s20, s4;
	s20 =	sadd.s32 $0x5000, s11;
	[dreg:$0x14] =	wrdreg s19  }
0x15: {  	s21 =	sadd.s32 $0x6000, s11;
	[dreg:$0x15] =	wrdreg s20  }
0x16: {  	s13 =	sadd.s32 $0x11000, s11;
	[dreg:$0x16] =	wrdreg s21  }
0x17: {  	s16 =	sadd.s32 $0x13000, s11;
	[smem:$0x7EF] =	sst s13  }
0x18: {  	s22 =	sadd.s32 $0x7000, s11;
	[smem:$0x7F1] =	sst s16  }
0x19: {  	s23 =	sadd.s32 $0x8000, s11;
	[dreg:$0x17] =	wrdreg s22  }
0x1a: {  	s3 =	sadd.s32 $0xE000, s11;
	[dreg:$0x18] =	wrdreg s23  }
0x1b: {  	s18 =	sadd.s32 $0x15000, s11;
	[dreg:$0x1e] =	wrdreg s3  }
0x1c: {  	s19 =	sadd.s32 $0x16000, s11;
	[smem:$0x7F3] =	sst s18  }
0x1d: {  	s20 =	sadd.s32 $0x17000, s11;
	[smem:$0x7F4] =	sst s19  }
0x1e: {  	s24 =	sshrl.u32 s12, $0x3;
	s21 =	sadd.s32 $0x18000, s11;
	[smem:$0x7F5] =	sst s20  }
0x1f: {  	s25 =	sadd.s32 s1, s24;
	[smem:$0x7F6] =	sst s21  }
0x20: {  	s4 =	sadd.s32 s5, s24;
	[dreg:$0xa] =	wrdreg s25  }
0x21: {  	s26 =	sadd.s32 $0x4, s24;
	s24 =	sadd.s32 $0x9000, s11;
	[dreg:$0xc] =	wrdreg s4  }
0x22: {  	s22 =	sadd.s32 $0x19000, s11;
	[dreg:$0x19] =	wrdreg s24  }
0x23: {  	s23 =	sadd.s32 $0x1A000, s11;
	[smem:$0x7F7] =	sst s22  }
0x24: {  	s28 =	sadd.s32 s1, s26;
	[smem:$0x7F8] =	sst s23  }
0x25: {  	s29 =	sadd.s32 s5, s26;
	[dreg:$0xd] =	wrdreg s28  }
0x26: {  	s30 =	simm.s32 $0x400;
	s25 =	sadd.s32 $0xA000, s11;
	[dreg:$0xf] =	wrdreg s29  }
0x27: {  	s2 =	smul.u32 $0xFFFFD8F0, s2;
	s26 =	sadd.s32 $0xB000, s11;
	[dreg:$0x1a] =	wrdreg s25  }
0x28: {  	s4 =	sshll.u32 s9, $0x4;
	s9 =	sadd.s32 $0x10000, s11;
	[dreg:$0x1b] =	wrdreg s26  }
0x29: {  	s31 =	sadd.s32 $0xFFFFFFFF, s10;
	s24 =	sadd.s32 $0x1B000, s11;
	[smem:$0x7EE] =	sst s9  }
0x2a: {  	s0 =	simm.s32 $0xF;
	s17 =	sadd.s32 s14, s4;
	[smem:$0x7F9] =	sst s24  }
0x2b: {  	s16 =	simm.s32 $0xB;
	s28 =	sadd.s32 $0xC000, s11;
	[dreg:$0x11] =	wrdreg s17  }
0x2c: {  	s18 =	simm.s32 $0xD;
	s29 =	sadd.s32 $0xD000, s11;
	[dreg:$0x1c] =	wrdreg s28  }
0x2d: {  	s19 =	simm.s32 $0x6;
	s4 =	sadd.s32 $0xF000, s11;
	[dreg:$0x1d] =	wrdreg s29  }
0x2e: {  	s21 =	simm.s32 $0x8;
	s14 =	sadd.s32 $0x12000, s11;
	[dreg:$0x1f] =	wrdreg s4  }
0x2f: {  	s3 =	simm.s32 $0x0;
	s25 =	sadd.s32 $0x1C000, s11;
	[smem:$0x7F0] =	sst s14  }
.Ltmp0:
0x30: {  	s26 =	sadd.s32 $0x1D000, s11;
	[smem:$0x7FA] =	sst s25;
	(pc) =	sbr.rel .LBB2_1-.Ltmp0, $4  }
0x31: {  	s22 =	simm.s32 $0x8C00;
	s17 =	sadd.s32 $0x14000, s11;
	[smem:$0x7FB] =	sst s26  }
0x32: {  	s24 =	simm.s32 $0xA;
	s28 =	sadd.s32 $0x1E000, s11;
	[smem:$0x7F2] =	sst s17  }
0x33: {  	v1 =	vimm.f32 $0.0e+00;
	s29 =	sadd.s32 $0x1F000, s11;
	s14 =	simm.s32 $0x20;
	[smem:$0x7FC] =	sst s28  }
0x34: {  	v2 =	vlaneseq.u32;
	v3 =	vmov s15;
	v0 =	vmov s2;
	s11 =	simm.s32 $0xC;
	s4 =	simm.s32 $0xE;
	[smem:$0x7FD] =	sst s29  }
.LBB2_30:
0x35: {  	s3 =	sld [smem:$0x7ED];
	_ =	sdelay $0x2  }
0x36: {  	s2 =	rddreg [dreg:$0x12];
	s3 =	sadd.s32 $0x1, s3  }
0x37: {  	p2 =	sne.s32 s3, s2  }
.Ltmp1:
0x38: {  	_ = 	snop;
	(pc) =	sbr.rel @!p2 .LBB2_31-.Ltmp1, $1  }
0x39: {  	_ =	sdelay $0x3  }
.LBB2_1:
0x3a: {  	[smem:$0x7ED] =	sst s3;
	s2 =	simm.s32 $0x0;
	s3 =	simm.s32 $0x200  }
.LBB2_2:
0x3b: {  	p2 =	sne.s32 s3, $0x3E00;
	[tilespmem:s2+$0x8C70] =	vst v1  }
0x3c: {  	[tilespmem:s2+$0x8C00] =	vst v1  }
0x3d: {  	[tilespmem:s2+$0x8C10] =	vst v1  }
.Ltmp2:
0x3e: {  	[tilespmem:s2+$0x8C20] =	vst v1;
	(pc) =	sbr.rel @p2 .LBB2_2-.Ltmp2, $4  }
0x3f: {  	[tilespmem:s2+$0x8C30] =	vst v1  }
0x40: {  	[tilespmem:s2+$0x8C40] =	vst v1  }
0x41: {  	[tilespmem:s2+$0x8C50] =	vst v1  }
0x42: {  	[tilespmem:s2+$0x8C60] =	vst v1;
	s2 =	sshra.s32 s3, $0x2;
	s3 =	sadd.s32 $0x200, s3  }
0x43: {  	[tilespmem:s2+$0x8C70] =	vst v1  }
0x44: {  	[tilespmem:s2+$0x8C00] =	vst v1  }
0x45: {  	[tilespmem:s2+$0x8C10] =	vst v1  }
.Ltmp3:
0x46: {  	[tilespmem:s2+$0x8C20] =	vst v1;
	(pc) =	sbr.rel @!p0 .LBB2_4-.Ltmp3, $4  }
0x47: {  	[tilespmem:s2+$0x8C30] =	vst v1  }
0x48: {  	[tilespmem:s2+$0x8C40] =	vst v1  }
0x49: {  	[tilespmem:s2+$0x8C50] =	vst v1  }
0x4a: {  	[tilespmem:s2+$0x8C60] =	vst v1  }
.Ltmp4:
0x4b: {  	(pc) =	sbr.rel @p1 .LBB2_9-.Ltmp4, $4  }
.Ltmp5:
0x4c: {  	(pc) =	sbr.rel @!p1 .LBB2_8-.Ltmp5, $4  }
0x4d: {  	_ = 	snop  }
0x4e: {  	_ = 	snop  }
0x4f: {  	_ = 	snop  }
0x50: {  	_ = 	snop  }
.LBB2_4:
0x51: {  	s2 =	simm.s32 $0x40;
	s3 =	simm.s32 $0x0  }
.LBB2_5:
0x52: {  	p2 =	sne.s32 s2, $0x9C80;
	[tilespmem:s3+$0x480] =	vst v1;
	s3 =	smov.u32 s2;
	s2 =	sadd.s32 $0x40, s2  }
.Ltmp6:
0x53: {  	(pc) =	sbr.rel @p2 .LBB2_5-.Ltmp6, $2  }
0x54: {  	_ =	sdelay $0x2  }
0x55: {  	s3 =	sshra.s32 s3, $0x2  }
0x56: {  	[tilespmem:s3+$0x480] =	vst v1;
	s2 =	rddreg [dreg:$0x3];
	s29 =	simm.s32 $0x480  }
0x57: {  	[spmem:s2] =	stream.linear.scatter [tilespmem:s29], [sflag:$0xF], $0x2710, $0x38;
	[tilespmem:$0x1E6F8] =	vst v63  }
0x58: {  	_ =	swait.ge [sflag:s0], $0x2710  }
0x59: {  	[sflag:s0] =	ssyncset.done $0x0  }
0x5a: {  	[sflag:s0] =	ssyncadd.s32 $0xFFFFD8F0  }
.LBB2_8:
0x5b: {  	s2 =	rddreg [dreg:$0x6]  }
0x5c: {  	[spmem:s2] =	stream.linear.scatter [tilespmem:s22], [sflag:$0xF], $0x1000, $0x38;
	[tilespmem:$0x1E6F8] =	vst v63  }
0x5d: {  	_ =	swait.ge [sflag:s0], $0x1000  }
0x5e: {  	[sflag:s0] =	ssyncset.done $0x0  }
0x5f: {  	s13 =	rddreg [dreg:$0x7];
	[sflag:s0] =	ssyncadd.s32 $0xFFFFF000  }
0x60: {  	[spmem:s13] =	stream.linear.scatter [tilespmem:s22], [sflag:$0xF], $0x1000, $0x38;
	[tilespmem:$0x1E6F8] =	vst v63  }
0x61: {  	_ =	swait.ge [sflag:s0], $0x1000  }
0x62: {  	[sflag:s0] =	ssyncset.done $0x0  }
0x63: {  	s15 =	rddreg [dreg:$0x8];
	[sflag:s0] =	ssyncadd.s32 $0xFFFFF000  }
0x64: {  	[spmem:s15] =	stream.linear.scatter [tilespmem:s22], [sflag:$0xF], $0x1000, $0x38;
	[tilespmem:$0x1E6F8] =	vst v63  }
0x65: {  	_ =	swait.ge [sflag:s0], $0x1000  }
0x66: {  	[sflag:s0] =	ssyncset.done $0x0  }
0x67: {  	s17 =	rddreg [dreg:$0x13];
	[sflag:s0] =	ssyncadd.s32 $0xFFFFF000  }
0x68: {  	[spmem:s17] =	stream.linear.scatter [tilespmem:s22], [sflag:$0xF], $0x1000, $0x38;
	[tilespmem:$0x1E6F8] =	vst v63  }
0x69: {  	_ =	swait.ge [sflag:s0], $0x1000  }
0x6a: {  	[sflag:s0] =	ssyncset.done $0x0  }
0x6b: {  	s20 =	rddreg [dreg:$0x14];
	[sflag:s0] =	ssyncadd.s32 $0xFFFFF000  }
0x6c: {  	[spmem:s20] =	stream.linear.scatter [tilespmem:s22], [sflag:$0xF], $0x1000, $0x38;
	[tilespmem:$0x1E6F8] =	vst v63  }
0x6d: {  	_ =	swait.ge [sflag:s0], $0x1000  }
0x6e: {  	[sflag:s0] =	ssyncset.done $0x0  }
0x6f: {  	s23 =	rddreg [dreg:$0x15];
	[sflag:s0] =	ssyncadd.s32 $0xFFFFF000  }
0x70: {  	[spmem:s23] =	stream.linear.scatter [tilespmem:s22], [sflag:$0xF], $0x1000, $0x38;
	[tilespmem:$0x1E6F8] =	vst v63  }
0x71: {  	_ =	swait.ge [sflag:s0], $0x1000  }
0x72: {  	[sflag:s0] =	ssyncset.done $0x0  }
0x73: {  	s25 =	rddreg [dreg:$0x16];
	[sflag:s0] =	ssyncadd.s32 $0xFFFFF000  }
0x74: {  	[spmem:s25] =	stream.linear.scatter [tilespmem:s22], [sflag:$0xF], $0x1000, $0x38;
	[tilespmem:$0x1E6F8] =	vst v63  }
0x75: {  	_ =	swait.ge [sflag:s0], $0x1000  }
0x76: {  	[sflag:s0] =	ssyncset.done $0x0  }
0x77: {  	s26 =	rddreg [dreg:$0x17];
	[sflag:s0] =	ssyncadd.s32 $0xFFFFF000  }
0x78: {  	[spmem:s26] =	stream.linear.scatter [tilespmem:s22], [sflag:$0xF], $0x1000, $0x38;
	[tilespmem:$0x1E6F8] =	vst v63  }
0x79: {  	_ =	swait.ge [sflag:s0], $0x1000  }
0x7a: {  	[sflag:s0] =	ssyncset.done $0x0  }
0x7b: {  	s28 =	rddreg [dreg:$0x18];
	[sflag:s0] =	ssyncadd.s32 $0xFFFFF000  }
0x7c: {  	[spmem:s28] =	stream.linear.scatter [tilespmem:s22], [sflag:$0xF], $0x1000, $0x38;
	[tilespmem:$0x1E6F8] =	vst v63  }
0x7d: {  	_ =	swait.ge [sflag:s0], $0x1000  }
0x7e: {  	[sflag:s0] =	ssyncset.done $0x0  }
0x7f: {  	s29 =	rddreg [dreg:$0x19];
	[sflag:s0] =	ssyncadd.s32 $0xFFFFF000  }
0x80: {  	[spmem:s29] =	stream.linear.scatter [tilespmem:s22], [sflag:$0xF], $0x1000, $0x38;
	[tilespmem:$0x1E6F8] =	vst v63  }
0x81: {  	_ =	swait.ge [sflag:s0], $0x1000  }
0x82: {  	[sflag:s0] =	ssyncset.done $0x0  }
0x83: {  	s3 =	rddreg [dreg:$0x1a];
	[sflag:s0] =	ssyncadd.s32 $0xFFFFF000  }
0x84: {  	[spmem:s3] =	stream.linear.scatter [tilespmem:s22], [sflag:$0xF], $0x1000, $0x38;
	[tilespmem:$0x1E6F8] =	vst v63  }
0x85: {  	_ =	swait.ge [sflag:s0], $0x1000  }
0x86: {  	[sflag:s0] =	ssyncset.done $0x0  }
0x87: {  	s9 =	rddreg [dreg:$0x1b];
	[sflag:s0] =	ssyncadd.s32 $0xFFFFF000  }
0x88: {  	[spmem:s9] =	stream.linear.scatter [tilespmem:s22], [sflag:$0xF], $0x1000, $0x38;
	[tilespmem:$0x1E6F8] =	vst v63  }
0x89: {  	_ =	swait.ge [sflag:s0], $0x1000  }
0x8a: {  	[sflag:s0] =	ssyncset.done $0x0  }
0x8b: {  	s13 =	rddreg [dreg:$0x1c];
	[sflag:s0] =	ssyncadd.s32 $0xFFFFF000  }
0x8c: {  	[spmem:s13] =	stream.linear.scatter [tilespmem:s22], [sflag:$0xF], $0x1000, $0x38;
	[tilespmem:$0x1E6F8] =	vst v63  }
0x8d: {  	_ =	swait.ge [sflag:s0], $0x1000  }
0x8e: {  	[sflag:s0] =	ssyncset.done $0x0  }
0x8f: {  	s15 =	rddreg [dreg:$0x1d];
	[sflag:s0] =	ssyncadd.s32 $0xFFFFF000  }
0x90: {  	[spmem:s15] =	stream.linear.scatter [tilespmem:s22], [sflag:$0xF], $0x1000, $0x38;
	[tilespmem:$0x1E6F8] =	vst v63  }
0x91: {  	_ =	swait.ge [sflag:s0], $0x1000  }
0x92: {  	[sflag:s0] =	ssyncset.done $0x0  }
0x93: {  	s17 =	rddreg [dreg:$0x1e];
	[sflag:s0] =	ssyncadd.s32 $0xFFFFF000  }
0x94: {  	[spmem:s17] =	stream.linear.scatter [tilespmem:s22], [sflag:$0xF], $0x1000, $0x38;
	[tilespmem:$0x1E6F8] =	vst v63  }
0x95: {  	_ =	swait.ge [sflag:s0], $0x1000  }
0x96: {  	[sflag:s0] =	ssyncset.done $0x0  }
0x97: {  	s20 =	rddreg [dreg:$0x1f];
	[sflag:s0] =	ssyncadd.s32 $0xFFFFF000  }
0x98: {  	[spmem:s20] =	stream.linear.scatter [tilespmem:s22], [sflag:$0xF], $0x1000, $0x38;
	[tilespmem:$0x1E6F8] =	vst v63  }
0x99: {  	_ =	swait.ge [sflag:s0], $0x1000  }
0x9a: {  	s23 =	sld [smem:$0x7EE]  }
0x9b: {  	[sflag:s0] =	ssyncset.done $0x0  }
0x9c: {  	[sflag:s0] =	ssyncadd.s32 $0xFFFFF000  }
0x9d: {  	[spmem:s23] =	stream.linear.scatter [tilespmem:s22], [sflag:$0xF], $0x1000, $0x38;
	[tilespmem:$0x1E6F8] =	vst v63  }
0x9e: {  	_ =	swait.ge [sflag:s0], $0x1000  }
0x9f: {  	s25 =	sld [smem:$0x7EF]  }
0xa0: {  	[sflag:s0] =	ssyncset.done $0x0  }
0xa1: {  	[sflag:s0] =	ssyncadd.s32 $0xFFFFF000  }
0xa2: {  	[spmem:s25] =	stream.linear.scatter [tilespmem:s22], [sflag:$0xF], $0x1000, $0x38;
	[tilespmem:$0x1E6F8] =	vst v63  }
0xa3: {  	_ =	swait.ge [sflag:s0], $0x1000  }
0xa4: {  	s26 =	sld [smem:$0x7F0]  }
0xa5: {  	[sflag:s0] =	ssyncset.done $0x0  }
0xa6: {  	[sflag:s0] =	ssyncadd.s32 $0xFFFFF000  }
0xa7: {  	[spmem:s26] =	stream.linear.scatter [tilespmem:s22], [sflag:$0xF], $0x1000, $0x38;
	[tilespmem:$0x1E6F8] =	vst v63  }
0xa8: {  	_ =	swait.ge [sflag:s0], $0x1000  }
0xa9: {  	s28 =	sld [smem:$0x7F1]  }
0xaa: {  	[sflag:s0] =	ssyncset.done $0x0  }
0xab: {  	[sflag:s0] =	ssyncadd.s32 $0xFFFFF000  }
0xac: {  	[spmem:s28] =	stream.linear.scatter [tilespmem:s22], [sflag:$0xF], $0x1000, $0x38;
	[tilespmem:$0x1E6F8] =	vst v63  }
0xad: {  	_ =	swait.ge [sflag:s0], $0x1000  }
0xae: {  	s29 =	sld [smem:$0x7F2]  }
0xaf: {  	[sflag:s0] =	ssyncset.done $0x0  }
0xb0: {  	[sflag:s0] =	ssyncadd.s32 $0xFFFFF000  }
0xb1: {  	[spmem:s29] =	stream.linear.scatter [tilespmem:s22], [sflag:$0xF], $0x1000, $0x38;
	[tilespmem:$0x1E6F8] =	vst v63  }
0xb2: {  	_ =	swait.ge [sflag:s0], $0x1000  }
0xb3: {  	s3 =	sld [smem:$0x7F3]  }
0xb4: {  	[sflag:s0] =	ssyncset.done $0x0  }
0xb5: {  	[sflag:s0] =	ssyncadd.s32 $0xFFFFF000  }
0xb6: {  	[spmem:s3] =	stream.linear.scatter [tilespmem:s22], [sflag:$0xF], $0x1000, $0x38;
	[tilespmem:$0x1E6F8] =	vst v63  }
0xb7: {  	_ =	swait.ge [sflag:s0], $0x1000  }
0xb8: {  	s9 =	sld [smem:$0x7F4]  }
0xb9: {  	[sflag:s0] =	ssyncset.done $0x0  }
0xba: {  	[sflag:s0] =	ssyncadd.s32 $0xFFFFF000  }
0xbb: {  	[spmem:s9] =	stream.linear.scatter [tilespmem:s22], [sflag:$0xF], $0x1000, $0x38;
	[tilespmem:$0x1E6F8] =	vst v63  }
0xbc: {  	_ =	swait.ge [sflag:s0], $0x1000  }
0xbd: {  	s13 =	sld [smem:$0x7F5]  }
0xbe: {  	[sflag:s0] =	ssyncset.done $0x0  }
0xbf: {  	[sflag:s0] =	ssyncadd.s32 $0xFFFFF000  }
0xc0: {  	[spmem:s13] =	stream.linear.scatter [tilespmem:s22], [sflag:$0xF], $0x1000, $0x38;
	[tilespmem:$0x1E6F8] =	vst v63  }
0xc1: {  	_ =	swait.ge [sflag:s0], $0x1000  }
0xc2: {  	s15 =	sld [smem:$0x7F6]  }
0xc3: {  	[sflag:s0] =	ssyncset.done $0x0  }
0xc4: {  	[sflag:s0] =	ssyncadd.s32 $0xFFFFF000  }
0xc5: {  	[spmem:s15] =	stream.linear.scatter [tilespmem:s22], [sflag:$0xF], $0x1000, $0x38;
	[tilespmem:$0x1E6F8] =	vst v63  }
0xc6: {  	_ =	swait.ge [sflag:s0], $0x1000  }
0xc7: {  	s17 =	sld [smem:$0x7F7]  }
0xc8: {  	[sflag:s0] =	ssyncset.done $0x0  }
0xc9: {  	[sflag:s0] =	ssyncadd.s32 $0xFFFFF000  }
0xca: {  	[spmem:s17] =	stream.linear.scatter [tilespmem:s22], [sflag:$0xF], $0x1000, $0x38;
	[tilespmem:$0x1E6F8] =	vst v63  }
0xcb: {  	_ =	swait.ge [sflag:s0], $0x1000  }
0xcc: {  	s20 =	sld [smem:$0x7F8]  }
0xcd: {  	[sflag:s0] =	ssyncset.done $0x0  }
0xce: {  	[sflag:s0] =	ssyncadd.s32 $0xFFFFF000  }
0xcf: {  	[spmem:s20] =	stream.linear.scatter [tilespmem:s22], [sflag:$0xF], $0x1000, $0x38;
	[tilespmem:$0x1E6F8] =	vst v63  }
0xd0: {  	_ =	swait.ge [sflag:s0], $0x1000  }
0xd1: {  	s23 =	sld [smem:$0x7F9]  }
0xd2: {  	[sflag:s0] =	ssyncset.done $0x0  }
0xd3: {  	[sflag:s0] =	ssyncadd.s32 $0xFFFFF000  }
0xd4: {  	[spmem:s23] =	stream.linear.scatter [tilespmem:s22], [sflag:$0xF], $0x1000, $0x38;
	[tilespmem:$0x1E6F8] =	vst v63  }
0xd5: {  	_ =	swait.ge [sflag:s0], $0x1000  }
0xd6: {  	s25 =	sld [smem:$0x7FA]  }
0xd7: {  	[sflag:s0] =	ssyncset.done $0x0  }
0xd8: {  	[sflag:s0] =	ssyncadd.s32 $0xFFFFF000  }
0xd9: {  	[spmem:s25] =	stream.linear.scatter [tilespmem:s22], [sflag:$0xF], $0x1000, $0x38;
	[tilespmem:$0x1E6F8] =	vst v63  }
0xda: {  	_ =	swait.ge [sflag:s0], $0x1000  }
0xdb: {  	s26 =	sld [smem:$0x7FB]  }
0xdc: {  	[sflag:s0] =	ssyncset.done $0x0  }
0xdd: {  	[sflag:s0] =	ssyncadd.s32 $0xFFFFF000  }
0xde: {  	[spmem:s26] =	stream.linear.scatter [tilespmem:s22], [sflag:$0xF], $0x1000, $0x38;
	[tilespmem:$0x1E6F8] =	vst v63  }
0xdf: {  	_ =	swait.ge [sflag:s0], $0x1000  }
0xe0: {  	s28 =	sld [smem:$0x7FC]  }
0xe1: {  	[sflag:s0] =	ssyncset.done $0x0  }
0xe2: {  	[sflag:s0] =	ssyncadd.s32 $0xFFFFF000  }
0xe3: {  	[spmem:s28] =	stream.linear.scatter [tilespmem:s22], [sflag:$0xF], $0x1000, $0x38;
	[tilespmem:$0x1E6F8] =	vst v63  }
0xe4: {  	_ =	swait.ge [sflag:s0], $0x1000  }
0xe5: {  	s29 =	sld [smem:$0x7FD]  }
0xe6: {  	[sflag:s0] =	ssyncset.done $0x0  }
0xe7: {  	[sflag:s0] =	ssyncadd.s32 $0xFFFFF000  }
0xe8: {  	[spmem:s29] =	stream.linear.scatter [tilespmem:s22], [sflag:$0xF], $0x400, $0x38;
	[tilespmem:$0x1E6F8] =	vst v63  }
0xe9: {  	_ =	swait.ge [sflag:s0], $0x400  }
0xea: {  	[sflag:s0] =	ssyncset.done $0x0  }
0xeb: {  	[sflag:s0] =	ssyncadd.s32 $0xFFFFFC00  }
.LBB2_9:
0xec: {  	s20 =	simm.s32 $0x0;
	s2 =	rddreg [dreg:$0xa]  }
0xed: {  	[tilespmem:s20], [sflag:$0x1] =	stream.linear.gather [hbm4b:s2+s20], $0x20, $0x38;
	[tilespmem:$0x1E6F8] =	vst v63  }
0xee: {  	s29 =	rddreg [dreg:$0xc];
	s3 =	simm.s32 $0x100;
	s9 =	simm.s32 $0x1  }
0xef: {  	[tilespmem:s3], [sflag:$0x3] =	stream.linear.gather [hbm4b:s29+s20], $0x20, $0x38;
	[tilespmem:$0x1E6F8] =	vst v63  }
0xf0: {  	_ =	swait.ge [sflag:s9], $0x20  }
0xf1: {  	[sflag:s9] =	ssyncset.done $0x0  }
0xf2: {  	s13 =	simm.s32 $0x3;
	[sflag:s9] =	ssyncadd.s32 $0xFFFFFFE0  }
0xf3: {  	_ =	swait.ge [sflag:s13], $0x20  }
0xf4: {  	[sflag:s13] =	ssyncset.done $0x0  }
0xf5: {  	s15 =	simm.s32 $0x2C00;
	[sflag:s13] =	ssyncadd.s32 $0xFFFFFFE0  }
0xf6: {  	[tilespmem:s15], [sflag:$0x5] =	stream.indirect.gather [hbm4b:s6+s14], $0x80, s20, s14, $0xb8;
	[tilespmem:$0x1E6F8] =	vst v63  }
0xf7: {  	s17 =	simm.s32 $0x6C00  }
0xf8: {  	[tilespmem:s17], [sflag:$0x7] =	stream.indirect.gather [hbm4b:s8+s14], $0x80, s3, s14, $0xb8;
	[tilespmem:$0x1E6F8] =	vst v63  }
0xf9: {  	s23 =	simm.s32 $0x4C00  }
0xfa: {  	[tilespmem:s23], [sflag:$0x9] =	stream.indirect.gather [hbm4b:s7+s14], $0x80, s20, s14, $0xb8;
	[tilespmem:$0x1E6F8] =	vst v63  }
0xfb: {  	s26 =	simm.s32 $0x80;
	s25 =	rddreg [dreg:$0xd]  }
0xfc: {  	[tilespmem:s26], [sflag:$0x2] =	stream.linear.gather [hbm4b:s25+s20], $0x20, $0x38;
	[tilespmem:$0x1E6F8] =	vst v63  }
.Ltmp7:
0xfd: {  	_ = 	snop;
	(pc) =	sbr.rel .LBB2_10-.Ltmp7, $3  }
0xfe: {  	s29 =	simm.s32 $0x180;
	s28 =	rddreg [dreg:$0xf]  }
0xff: {  	[tilespmem:s29], [sflag:$0x4] =	stream.linear.gather [hbm4b:s28+s20], $0x20, $0x38;
	[tilespmem:$0x1E6F8] =	vst v63  }
0x100: {  	[bflag:$0x0] =	sbarrier.arrive $0xFFFF;
	_ =	sdelay $0x1  }
.LBB2_22:
0x101: {  	s2 =	sadd.s32 $0x3, s13  }
0x102: {  	p2 =	sge.u32 s2, s10  }
0x103: {  	s2 =	sshll.u32 @!p2 s2, $0x5  }
0x104: {  	s2 =	sadd.s32 @!p2 s12, s2  }
0x105: {  	s2 =	sshrl.u32 @!p2 s2, $0x3  }
0x106: {  	s9 =	simm.s32 @!p2 $0x0;
	s13 =	simm.s32 @!p2 $0x80;
	s3 =	sadd.s32 @!p2 s1, s2  }
0x107: {  	[tilespmem:s13], [sflag:$0x2] =	stream.linear.gather @!p2 [hbm4b:s3+s9], $0x20, $0x38;
	[tilespmem:$0x1E6F8] =	vst v63  }
0x108: {  	s20 =	sadd.s32 $0x1, s20;
	s2 =	sadd.s32 @!p2 s5, s2;
	s3 =	simm.s32 @!p2 $0x180  }
0x109: {  	[tilespmem:s3], [sflag:$0x4] =	stream.linear.gather @!p2 [hbm4b:s2+s9], $0x20, $0x38;
	[tilespmem:$0x1E6F8] =	vst v63  }
0x10a: {  	p2 =	sne.s32 s20, $0x9E  }
.Ltmp8:
0x10b: {  	_ = 	snop;
	(pc) =	sbr.rel @!p2 .LBB2_23-.Ltmp8, $1  }
0x10c: {  	_ =	sdelay $0x3  }
.LBB2_10:
0x10d: {  	s13 =	sshll.u32 s20, $0x1  }
0x10e: {  	p2 =	sge.u32 s13, s31  }
0x10f: {  	s2 =	simm.s32 @!p2 $0x2  }
0x110: {  	_ =	swait.ge @!p2 [sflag:s2], $0x20  }
0x111: {  	[sflag:s2] =	ssyncset.done @!p2 $0x0  }
0x112: {  	[sflag:s2] =	ssyncadd.s32 @!p2 $0xFFFFFFE0;
	s2 =	simm.s32 @!p2 $0x4  }
0x113: {  	_ =	swait.ge @!p2 [sflag:s2], $0x20  }
0x114: {  	p3 =	sge.u32 s13, s10;
	s3 =	simm.s32 @!p2 $0x80;
	[sflag:s2] =	ssyncset.done @!p2 $0x0  }
0x115: {  	s9 =	simm.s32 @!p2 $0x3C00;
	[sflag:s2] =	ssyncadd.s32 @!p2 $0xFFFFFFE0;
	s2 =	simm.s32 @!p2 $0x20  }
0x116: {  	[tilespmem:s9], [sflag:$0x6] =	stream.indirect.gather @!p2 [hbm4b:s6+s2], $0x80, s3, s2, $0xb8;
	[tilespmem:$0x1E6F8] =	vst v63  }
.Ltmp9:
0x117: {  	_ = 	snop;
	(pc) =	sbr.rel @p3 .LBB2_16-.Ltmp9, $4  }
0x118: {  	s15 =	simm.s32 @!p2 $0x7C00;
	s9 =	simm.s32 @!p2 $0x180  }
0x119: {  	[tilespmem:s15], [sflag:$0x8] =	stream.indirect.gather @!p2 [hbm4b:s8+s2], $0x80, s9, s2, $0xb8;
	[tilespmem:$0x1E6F8] =	vst v63  }
0x11a: {  	s9 =	simm.s32 @!p2 $0x5C00  }
0x11b: {  	[tilespmem:s9], [sflag:$0xA] =	stream.indirect.gather @!p2 [hbm4b:s7+s2], $0x80, s3, s2, $0xb8;
	[tilespmem:$0x1E6F8] =	vst v63  }
0x11c: {  	s2 =	simm.s32 $0x5  }
0x11d: {  	_ =	swait.ge [sflag:s2], $0x1000  }
0x11e: {  	[sflag:s2] =	ssyncset.done $0x0  }
0x11f: {  	s28 =	simm.s32 $0x7;
	[sflag:s2] =	ssyncadd.s32 $0xFFFFF000  }
0x120: {  	_ =	swait.ge [sflag:s28], $0x1000  }
0x121: {  	[sflag:s28] =	ssyncset.done $0x0  }
0x122: {  	s29 =	simm.s32 $0x9;
	[sflag:s28] =	ssyncadd.s32 $0xFFFFF000  }
0x123: {  	_ =	swait.ge [sflag:s29], $0x1000  }
0x124: {  	[sflag:s29] =	ssyncset.done $0x0  }
0x125: {  	[sflag:s29] =	ssyncadd.s32 $0xFFFFF000  }
0x126: {  	v4 =	vld [tilespmem:$0x100]  }
0x127: {  	v5 =	vld [tilespmem:$0x110];
	_ =	sdelay $0x3  }
0x128: {  	v4 =	vadd.s32 v0, v4  }
0x129: {  	[tilespmem:$0x200] =	vst v4;
	v4 =	vadd.s32 v0, v5  }
0x12a: {  	s9 =	simm.s32 $0x0;
	p4 =	por $0x1, $0x1;
	s15 =	simm.s32 $0x0;
	[tilespmem:$0x210] =	vst v4  }
.LBB2_12:
0x12b: {  	s2 =	sshll.u32 s15, $0xB  }
0x12c: {  	s2 =	sand.u32 $0x3FFFF800, s2  }
0x12d: {  	s23 =	sadd.s32 $0x2C40, s2  }
0x12e: {  	s17 =	sadd.s32 $0x6C40, s2;
	v4 =	vld [tilespmem:s23+$0xFFFFFFC0]  }
0x12f: {  	v5 =	vld [tilespmem:s17+$0xFFFFFFC0]  }
0x130: {  	v6 =	vld [tilespmem:s17+$0xFFFFFFD0]  }
0x131: {  	v7 =	vld [tilespmem:s23+$0xFFFFFFD0]  }
0x132: {  	v8 =	vld [tilespmem:s17+$0xFFFFFFE0]  }
0x133: {  	v9 =	vld [tilespmem:s23+$0xFFFFFFE0]  }
0x134: {  	v10 =	vld [tilespmem:s23+$0xFFFFFFF0];
	v4 =	vmul.f32 v5, v4  }
0x135: {  	v5 =	vld [tilespmem:s17+$0xFFFFFFF0]  }
0x136: {  	v11 =	vld [tilespmem:s23+$0x0];
	v6 =	vmul.f32 v6, v7;
	v4 =	vadd.f32 $0.0e+00, v4  }
0x137: {  	v7 =	vld [tilespmem:s17+$0x0]  }
0x138: {  	v60 =	vld [tilespmem:s17+$0x10];
	v4 =	vadd.f32 v6, v4;
	v6 =	vmul.f32 v8, v9  }
0x139: {  	v61 =	vld [tilespmem:s23+$0x10]  }
0x13a: {  	v62 =	vld [tilespmem:s23+$0x20];
	v5 =	vmul.f32 v5, v10;
	v4 =	vadd.f32 v6, v4  }
0x13b: {  	v6 =	vld [tilespmem:s17+$0x20]  }
0x13c: {  	v63 =	vld [tilespmem:s23+$0x30];
	v4 =	vadd.f32 v5, v4;
	v5 =	vmul.f32 v7, v11  }
0x13d: {  	v7 =	vld [tilespmem:s17+$0x30]  }
0x13e: {  	v4 =	vadd.f32 v5, v4;
	v5 =	vmul.f32 v60, v61;
	_ =	sdelay $0x1  }
0x13f: {  	v4 =	vadd.f32 v5, v4;
	v5 =	vmul.f32 v6, v62;
	_ =	sdelay $0x1  }
0x140: {  	v4 =	vadd.f32 v5, v4;
	v5 =	vmul.f32 v7, v63;
	_ =	sdelay $0x1  }
0x141: {  	v4 =	vadd.f32 v5, v4;
	_ =	sdelay $0x1  }
0x142: {  	(xrf2) =	vadd.scan.msk.f32 $0xffff, v4;
	_ =	sdelay $0x9  }
0x143: {  	v4, _, _ =	vpop (xrf2)  }
0x144: {  	(v2sf) =	vpush v4, $0xF;
	_ =	sdelay $0xe  }
0x145: {  	s25 =	spop (v2sf)  }
0x146: {  	s3 =	sadd.s32 $0x4C20, s2;
	s25 =	smul.f32 $6.250000000e-02, s25  }
0x147: {  	v4 =	vld [tilespmem:s3+$0xFFFFFFE0]  }
0x148: {  	s25 =	smax.f32 s25, $0.0e+00  }
0x149: {  	s25 =	smul.f32 s25, s25;
	_ =	sdelay $0x1  }
0x14a: {  	s28 =	sadd.f32 $1.000000010e-10, s25  }
0x14b: {  	v5 =	vunpack.i.l.bf16.f32 v4  }
0x14c: {  	v4 =	vunpack.i.u.bf16.f32 v4;
	v5 =	vmul.f32 s28, v5  }
0x14d: {  	s29 =	sadd.s32 $0x8C40, s2;
	v4 =	vmul.f32 s28, v4  }
0x14e: {  	[tilespmem:s29+$0xFFFFFFC0] =	vst v5  }
0x14f: {  	[tilespmem:s29+$0xFFFFFFD0] =	vst v4  }
0x150: {  	v4 =	vld [tilespmem:s3+$0xFFFFFFF0];
	_ =	sdelay $0x4  }
0x151: {  	v5 =	vunpack.i.l.bf16.f32 v4  }
0x152: {  	v4 =	vunpack.i.u.bf16.f32 v4;
	v5 =	vmul.f32 s28, v5  }
0x153: {  	v4 =	vmul.f32 s28, v4  }
0x154: {  	[tilespmem:s29+$0xFFFFFFE0] =	vst v5  }
0x155: {  	[tilespmem:s29+$0xFFFFFFF0] =	vst v4  }
0x156: {  	v4 =	vld [tilespmem:s3+$0x0];
	_ =	sdelay $0x4  }
0x157: {  	v5 =	vunpack.i.l.bf16.f32 v4  }
0x158: {  	v4 =	vunpack.i.u.bf16.f32 v4;
	v5 =	vmul.f32 s28, v5  }
0x159: {  	v4 =	vmul.f32 s28, v4  }
0x15a: {  	v6 =	vmov s9;
	[tilespmem:s29+$0x0] =	vst v5  }
0x15b: {  	vm0 =	veq.s32 v6, v2;
	v5 =	vimm.f32 $0.0e+00;
	[tilespmem:s29+$0x10] =	vst v4  }
0x15c: {  	v4 =	vsel vm0, s28, v5;
	v5 =	vld [tilespmem:s3+$0x10];
	_ =	sdelay $0x2  }
0x15d: {  	p3 =	por p4, p4  }
0x15e: {  	s2 =	simm.s32 $0x1;
	s25 =	sadd.s32 $0x80, s23;
	s23 =	smov.u32 s29  }
.LBB2_13:
0x15f: {  	v6 =	vunpack.i.u.bf16.f32 v5;
	v5 =	vunpack.i.l.bf16.f32 v5;
	s3 =	sadd.s32 $0x80, s3;
	s17 =	sadd.s32 $0x80, s17;
	s29 =	sadd.s32 $0x80, s29  }
0x160: {  	p4 =	sne.s32 s2, $0xF;
	s26 =	smov.u32 s2;
	s2 =	sadd.s32 $0x1, s2;
	v5 =	vmul.f32 s28, v5;
	v6 =	vmul.f32 s28, v6  }
0x161: {  	_ = 	snop  }
0x162: {  	[tilespmem:s23+$0x20] =	vst v5  }
0x163: {  	[tilespmem:s23+$0x30] =	vst v6;
	s23 =	smov.u32 s29  }
0x164: {  	v5 =	vld [tilespmem:s25+$0xFFFFFFC0]  }
0x165: {  	v6 =	vld [tilespmem:s17+$0xFFFFFFC0]  }
0x166: {  	v7 =	vld [tilespmem:s17+$0xFFFFFFD0]  }
0x167: {  	v8 =	vld [tilespmem:s25+$0xFFFFFFD0]  }
0x168: {  	v9 =	vld [tilespmem:s17+$0xFFFFFFE0]  }
0x169: {  	v10 =	vld [tilespmem:s25+$0xFFFFFFE0]  }
0x16a: {  	v5 =	vmul.f32 v6, v5;
	v6 =	vld [tilespmem:s17+$0xFFFFFFF0]  }
0x16b: {  	v11 =	vld [tilespmem:s25+$0xFFFFFFF0]  }
0x16c: {  	v5 =	vadd.f32 $0.0e+00, v5;
	v7 =	vmul.f32 v7, v8;
	v8 =	vld [tilespmem:s17+$0x0]  }
0x16d: {  	v12 =	vld [tilespmem:s25+$0x0]  }
0x16e: {  	v5 =	vadd.f32 v7, v5;
	v7 =	vmul.f32 v9, v10;
	v9 =	vld [tilespmem:s17+$0x10]  }
0x16f: {  	v10 =	vld [tilespmem:s25+$0x10]  }
0x170: {  	v5 =	vadd.f32 v7, v5;
	v6 =	vmul.f32 v6, v11;
	v7 =	vld [tilespmem:s17+$0x20]  }
0x171: {  	v11 =	vld [tilespmem:s25+$0x20]  }
0x172: {  	v5 =	vadd.f32 v6, v5;
	v6 =	vmul.f32 v8, v12;
	v8 =	vld [tilespmem:s17+$0x30]  }
0x173: {  	v12 =	vld [tilespmem:s25+$0x30]  }
0x174: {  	v5 =	vadd.f32 v6, v5;
	v6 =	vmul.f32 v9, v10;
	_ =	sdelay $0x1  }
0x175: {  	v5 =	vadd.f32 v6, v5;
	v6 =	vmul.f32 v7, v11;
	_ =	sdelay $0x1  }
0x176: {  	v5 =	vadd.f32 v6, v5;
	v6 =	vmul.f32 v8, v12;
	_ =	sdelay $0x1  }
0x177: {  	v5 =	vadd.f32 v6, v5;
	_ =	sdelay $0x1  }
0x178: {  	(xrf2) =	vadd.scan.msk.f32 $0xffff, v5;
	_ =	sdelay $0x9  }
0x179: {  	v5, _, _ =	vpop (xrf2)  }
0x17a: {  	(v2sf) =	vpush v5, $0xF;
	_ =	sdelay $0xe  }
0x17b: {  	s28 =	spop (v2sf)  }
0x17c: {  	s28 =	smul.f32 $6.250000000e-02, s28  }
0x17d: {  	v5 =	vld [tilespmem:s3+$0xFFFFFFE0]  }
0x17e: {  	s28 =	smax.f32 s28, $0.0e+00  }
0x17f: {  	s28 =	smul.f32 s28, s28;
	_ =	sdelay $0x1  }
0x180: {  	v6 =	vmov s26;
	s28 =	sadd.f32 $1.000000010e-10, s28  }
0x181: {  	vm0 =	veq.s32 v6, v2;
	v7 =	vunpack.i.u.bf16.f32 v5;
	v5 =	vunpack.i.l.bf16.f32 v5  }
0x182: {  	v5 =	vmul.f32 s28, v5;
	v6 =	vmul.f32 s28, v7;
	v4 =	vsel vm0, s28, v4;
	_ =	sdelay $0x1  }
0x183: {  	[tilespmem:s29+$0xFFFFFFC0] =	vst v5  }
0x184: {  	[tilespmem:s29+$0xFFFFFFD0] =	vst v6  }
0x185: {  	v5 =	vld [tilespmem:s3+$0xFFFFFFF0];
	_ =	sdelay $0x4  }
0x186: {  	v6 =	vunpack.i.u.bf16.f32 v5;
	v5 =	vunpack.i.l.bf16.f32 v5  }
0x187: {  	v5 =	vmul.f32 s28, v5;
	v6 =	vmul.f32 s28, v6;
	_ =	sdelay $0x1  }
0x188: {  	[tilespmem:s29+$0xFFFFFFE0] =	vst v5  }
0x189: {  	[tilespmem:s29+$0xFFFFFFF0] =	vst v6  }
0x18a: {  	v5 =	vld [tilespmem:s3+$0x0];
	_ =	sdelay $0x4  }
0x18b: {  	v6 =	vunpack.i.u.bf16.f32 v5;
	v5 =	vunpack.i.l.bf16.f32 v5  }
0x18c: {  	v5 =	vmul.f32 s28, v5;
	v6 =	vmul.f32 s28, v6;
	_ =	sdelay $0x1  }
0x18d: {  	[tilespmem:s29+$0x0] =	vst v5  }
0x18e: {  	[tilespmem:s29+$0x10] =	vst v6  }
.Ltmp10:
0x18f: {  	v5 =	vld [tilespmem:s3+$0x10];
	(pc) =	sbr.rel @p4 .LBB2_13-.Ltmp10, $2  }
0x190: {  	_ =	sdelay $0x2  }
0x191: {  	s25 =	sadd.s32 $0x80, s25  }
0x192: {  	v6 =	vunpack.i.l.bf16.f32 v5  }
.Ltmp11:
0x193: {  	v5 =	vunpack.i.u.bf16.f32 v5;
	v6 =	vmul.f32 s28, v6;
	(pc) =	sbr.rel @p3 .LBB2_12-.Ltmp11, $4  }
0x194: {  	v5 =	vmul.f32 s28, v5  }
0x195: {  	s2 =	sshll.u32 s15, $0x4;
	[tilespmem:s23+$0x20] =	vst v6  }
0x196: {  	s2 =	sand.u32 $0x3FFFFFF0, s2;
	[tilespmem:s23+$0x30] =	vst v5  }
0x197: {  	s15 =	simm.s32 $0x1;
	p4 =	por $0x0, $0x0;
	[tilespmem:s2+$0x300] =	vst v4  }
0x198: {  	s2 =	rddreg [dreg:$0x3];
	s3 =	simm.s32 $0x200;
	s9 =	simm.s32 $0x300  }
0x199: {  	[spmem:s2] =	stream.indirect.scatter.add.f32 [tilespmem:s9], [sflag:$0xB], $0x1, s3, s14, $0xb8;
	[tilespmem:$0x1E6F8] =	vst v63  }
0x19a: {  	s29 =	rddreg [dreg:$0x2]  }
0x19b: {  	[spmem:s29] =	stream.indirect.scatter.add.f32 [tilespmem:s22], [sflag:$0xD], $0x80, s3, s14, $0xb8;
	[tilespmem:$0x1E6F8] =	vst v63  }
0x19c: {  	_ =	swait.ge [sflag:s16], $0x20  }
0x19d: {  	[sflag:s16] =	ssyncset.done $0x0  }
0x19e: {  	[sflag:s16] =	ssyncadd.s32 $0xFFFFFFE0  }
0x19f: {  	_ =	swait.ge [sflag:s18], $0x1000  }
0x1a0: {  	[sflag:s18] =	ssyncset.done $0x0  }
0x1a1: {  	[sflag:s18] =	ssyncadd.s32 $0xFFFFF000  }
.LBB2_16:
0x1a2: {  	s2 =	sadd.s32 $0x2, s13  }
0x1a3: {  	p3 =	sge.u32 s2, s10  }
0x1a4: {  	s2 =	sshll.u32 @!p3 s2, $0x5  }
0x1a5: {  	s2 =	sadd.s32 @!p3 s12, s2  }
0x1a6: {  	s2 =	sshrl.u32 @!p3 s2, $0x3  }
0x1a7: {  	s9 =	simm.s32 @!p3 $0x0;
	s3 =	sadd.s32 @!p3 s1, s2  }
0x1a8: {  	[tilespmem:s9], [sflag:$0x1] =	stream.linear.gather @!p3 [hbm4b:s3+s9], $0x20, $0x38;
	[tilespmem:$0x1E6F8] =	vst v63  }
0x1a9: {  	s2 =	sadd.s32 @!p3 s5, s2;
	s3 =	simm.s32 @!p3 $0x100  }
0x1aa: {  	[tilespmem:s3], [sflag:$0x3] =	stream.linear.gather @!p3 [hbm4b:s2+s9], $0x20, $0x38;
	[tilespmem:$0x1E6F8] =	vst v63  }
0x1ab: {  	s2 =	simm.s32 @!p3 $0x1  }
0x1ac: {  	_ =	swait.ge @!p3 [sflag:s2], $0x20  }
0x1ad: {  	[sflag:s2] =	ssyncset.done @!p3 $0x0  }
0x1ae: {  	[sflag:s2] =	ssyncadd.s32 @!p3 $0xFFFFFFE0;
	s2 =	simm.s32 @!p3 $0x3  }
0x1af: {  	_ =	swait.ge @!p3 [sflag:s2], $0x20  }
0x1b0: {  	[sflag:s2] =	ssyncset.done @!p3 $0x0  }
0x1b1: {  	s15 =	simm.s32 @!p3 $0x2C00;
	[sflag:s2] =	ssyncadd.s32 @!p3 $0xFFFFFFE0;
	s2 =	simm.s32 @!p3 $0x20  }
0x1b2: {  	[tilespmem:s15], [sflag:$0x5] =	stream.indirect.gather @!p3 [hbm4b:s6+s2], $0x80, s9, s2, $0xb8;
	[tilespmem:$0x1E6F8] =	vst v63  }
.Ltmp12:
0x1b3: {  	_ = 	snop;
	(pc) =	sbr.rel @p2 .LBB2_22-.Ltmp12, $4  }
0x1b4: {  	s15 =	simm.s32 @!p3 $0x6C00  }
0x1b5: {  	[tilespmem:s15], [sflag:$0x7] =	stream.indirect.gather @!p3 [hbm4b:s8+s2], $0x80, s3, s2, $0xb8;
	[tilespmem:$0x1E6F8] =	vst v63  }
0x1b6: {  	s3 =	simm.s32 @!p3 $0x4C00  }
0x1b7: {  	[tilespmem:s3], [sflag:$0x9] =	stream.indirect.gather @!p3 [hbm4b:s7+s2], $0x80, s9, s2, $0xb8;
	[tilespmem:$0x1E6F8] =	vst v63  }
0x1b8: {  	_ =	swait.ge [sflag:s19], $0x1000  }
0x1b9: {  	[sflag:s19] =	ssyncset.done $0x0  }
0x1ba: {  	[sflag:s19] =	ssyncadd.s32 $0xFFFFF000  }
0x1bb: {  	_ =	swait.ge [sflag:s21], $0x1000  }
0x1bc: {  	[sflag:s21] =	ssyncset.done $0x0  }
0x1bd: {  	[sflag:s21] =	ssyncadd.s32 $0xFFFFF000  }
0x1be: {  	_ =	swait.ge [sflag:s24], $0x1000  }
0x1bf: {  	[sflag:s24] =	ssyncset.done $0x0  }
0x1c0: {  	[sflag:s24] =	ssyncadd.s32 $0xFFFFF000  }
0x1c1: {  	v4 =	vld [tilespmem:$0x180]  }
0x1c2: {  	v5 =	vld [tilespmem:$0x190];
	_ =	sdelay $0x3  }
0x1c3: {  	v4 =	vadd.s32 v0, v4  }
0x1c4: {  	[tilespmem:$0x280] =	vst v4;
	v4 =	vadd.s32 v0, v5  }
0x1c5: {  	s9 =	simm.s32 $0x0;
	p3 =	por $0x1, $0x1;
	s15 =	simm.s32 $0x0;
	[tilespmem:$0x290] =	vst v4  }
.LBB2_18:
0x1c6: {  	s2 =	sshll.u32 s15, $0xB  }
0x1c7: {  	s2 =	sand.u32 $0x3FFFF800, s2  }
0x1c8: {  	s23 =	sadd.s32 $0x3C40, s2  }
0x1c9: {  	s17 =	sadd.s32 $0x7C40, s2;
	v4 =	vld [tilespmem:s23+$0xFFFFFFC0]  }
0x1ca: {  	v5 =	vld [tilespmem:s17+$0xFFFFFFC0]  }
0x1cb: {  	v6 =	vld [tilespmem:s17+$0xFFFFFFD0]  }
0x1cc: {  	v7 =	vld [tilespmem:s23+$0xFFFFFFD0]  }
0x1cd: {  	v8 =	vld [tilespmem:s17+$0xFFFFFFE0]  }
0x1ce: {  	v9 =	vld [tilespmem:s23+$0xFFFFFFE0]  }
0x1cf: {  	v10 =	vld [tilespmem:s23+$0xFFFFFFF0];
	v4 =	vmul.f32 v5, v4  }
0x1d0: {  	v5 =	vld [tilespmem:s17+$0xFFFFFFF0]  }
0x1d1: {  	v11 =	vld [tilespmem:s23+$0x0];
	v6 =	vmul.f32 v6, v7;
	v4 =	vadd.f32 $0.0e+00, v4  }
0x1d2: {  	v7 =	vld [tilespmem:s17+$0x0]  }
0x1d3: {  	v60 =	vld [tilespmem:s17+$0x10];
	v4 =	vadd.f32 v6, v4;
	v6 =	vmul.f32 v8, v9  }
0x1d4: {  	v61 =	vld [tilespmem:s23+$0x10]  }
0x1d5: {  	v62 =	vld [tilespmem:s23+$0x20];
	v5 =	vmul.f32 v5, v10;
	v4 =	vadd.f32 v6, v4  }
0x1d6: {  	v6 =	vld [tilespmem:s17+$0x20]  }
0x1d7: {  	v63 =	vld [tilespmem:s23+$0x30];
	v4 =	vadd.f32 v5, v4;
	v5 =	vmul.f32 v7, v11  }
0x1d8: {  	v7 =	vld [tilespmem:s17+$0x30]  }
0x1d9: {  	v4 =	vadd.f32 v5, v4;
	v5 =	vmul.f32 v60, v61;
	_ =	sdelay $0x1  }
0x1da: {  	v4 =	vadd.f32 v5, v4;
	v5 =	vmul.f32 v6, v62;
	_ =	sdelay $0x1  }
0x1db: {  	v4 =	vadd.f32 v5, v4;
	v5 =	vmul.f32 v7, v63;
	_ =	sdelay $0x1  }
0x1dc: {  	v4 =	vadd.f32 v5, v4;
	_ =	sdelay $0x1  }
0x1dd: {  	(xrf2) =	vadd.scan.msk.f32 $0xffff, v4;
	_ =	sdelay $0x9  }
0x1de: {  	v4, _, _ =	vpop (xrf2)  }
0x1df: {  	(v2sf) =	vpush v4, $0xF;
	_ =	sdelay $0xe  }
0x1e0: {  	s25 =	spop (v2sf)  }
0x1e1: {  	s3 =	sadd.s32 $0x5C20, s2;
	s25 =	smul.f32 $6.250000000e-02, s25  }
0x1e2: {  	v4 =	vld [tilespmem:s3+$0xFFFFFFE0]  }
0x1e3: {  	s25 =	smax.f32 s25, $0.0e+00  }
0x1e4: {  	s25 =	smul.f32 s25, s25;
	_ =	sdelay $0x1  }
0x1e5: {  	s28 =	sadd.f32 $1.000000010e-10, s25  }
0x1e6: {  	v5 =	vunpack.i.l.bf16.f32 v4  }
0x1e7: {  	v4 =	vunpack.i.u.bf16.f32 v4;
	v5 =	vmul.f32 s28, v5  }
0x1e8: {  	s29 =	sadd.s32 $0x9C40, s2;
	v4 =	vmul.f32 s28, v4  }
0x1e9: {  	[tilespmem:s29+$0xFFFFFFC0] =	vst v5  }
0x1ea: {  	[tilespmem:s29+$0xFFFFFFD0] =	vst v4  }
0x1eb: {  	v4 =	vld [tilespmem:s3+$0xFFFFFFF0];
	_ =	sdelay $0x4  }
0x1ec: {  	v5 =	vunpack.i.l.bf16.f32 v4  }
0x1ed: {  	v4 =	vunpack.i.u.bf16.f32 v4;
	v5 =	vmul.f32 s28, v5  }
0x1ee: {  	v4 =	vmul.f32 s28, v4  }
0x1ef: {  	[tilespmem:s29+$0xFFFFFFE0] =	vst v5  }
0x1f0: {  	[tilespmem:s29+$0xFFFFFFF0] =	vst v4  }
0x1f1: {  	v4 =	vld [tilespmem:s3+$0x0];
	_ =	sdelay $0x4  }
0x1f2: {  	v5 =	vunpack.i.l.bf16.f32 v4  }
0x1f3: {  	v4 =	vunpack.i.u.bf16.f32 v4;
	v5 =	vmul.f32 s28, v5  }
0x1f4: {  	v4 =	vmul.f32 s28, v4  }
0x1f5: {  	v6 =	vmov s9;
	[tilespmem:s29+$0x0] =	vst v5  }
0x1f6: {  	vm0 =	veq.s32 v6, v2;
	v5 =	vimm.f32 $0.0e+00;
	[tilespmem:s29+$0x10] =	vst v4  }
0x1f7: {  	v4 =	vsel vm0, s28, v5;
	v5 =	vld [tilespmem:s3+$0x10];
	_ =	sdelay $0x2  }
0x1f8: {  	p2 =	por p3, p3  }
0x1f9: {  	s2 =	simm.s32 $0x1;
	s25 =	sadd.s32 $0x80, s23;
	s23 =	smov.u32 s29  }
.LBB2_19:
0x1fa: {  	v6 =	vunpack.i.u.bf16.f32 v5;
	v5 =	vunpack.i.l.bf16.f32 v5;
	s3 =	sadd.s32 $0x80, s3;
	s17 =	sadd.s32 $0x80, s17;
	s29 =	sadd.s32 $0x80, s29  }
0x1fb: {  	p3 =	sne.s32 s2, $0xF;
	s26 =	smov.u32 s2;
	s2 =	sadd.s32 $0x1, s2;
	v5 =	vmul.f32 s28, v5;
	v6 =	vmul.f32 s28, v6  }
0x1fc: {  	_ = 	snop  }
0x1fd: {  	[tilespmem:s23+$0x20] =	vst v5  }
0x1fe: {  	[tilespmem:s23+$0x30] =	vst v6;
	s23 =	smov.u32 s29  }
0x1ff: {  	v5 =	vld [tilespmem:s25+$0xFFFFFFC0]  }
0x200: {  	v6 =	vld [tilespmem:s17+$0xFFFFFFC0]  }
0x201: {  	v7 =	vld [tilespmem:s17+$0xFFFFFFD0]  }
0x202: {  	v8 =	vld [tilespmem:s25+$0xFFFFFFD0]  }
0x203: {  	v9 =	vld [tilespmem:s17+$0xFFFFFFE0]  }
0x204: {  	v10 =	vld [tilespmem:s25+$0xFFFFFFE0]  }
0x205: {  	v5 =	vmul.f32 v6, v5;
	v6 =	vld [tilespmem:s17+$0xFFFFFFF0]  }
0x206: {  	v11 =	vld [tilespmem:s25+$0xFFFFFFF0]  }
0x207: {  	v5 =	vadd.f32 $0.0e+00, v5;
	v7 =	vmul.f32 v7, v8;
	v8 =	vld [tilespmem:s17+$0x0]  }
0x208: {  	v12 =	vld [tilespmem:s25+$0x0]  }
0x209: {  	v5 =	vadd.f32 v7, v5;
	v7 =	vmul.f32 v9, v10;
	v9 =	vld [tilespmem:s17+$0x10]  }
0x20a: {  	v10 =	vld [tilespmem:s25+$0x10]  }
0x20b: {  	v5 =	vadd.f32 v7, v5;
	v6 =	vmul.f32 v6, v11;
	v7 =	vld [tilespmem:s17+$0x20]  }
0x20c: {  	v11 =	vld [tilespmem:s25+$0x20]  }
0x20d: {  	v5 =	vadd.f32 v6, v5;
	v6 =	vmul.f32 v8, v12;
	v8 =	vld [tilespmem:s17+$0x30]  }
0x20e: {  	v12 =	vld [tilespmem:s25+$0x30]  }
0x20f: {  	v5 =	vadd.f32 v6, v5;
	v6 =	vmul.f32 v9, v10;
	_ =	sdelay $0x1  }
0x210: {  	v5 =	vadd.f32 v6, v5;
	v6 =	vmul.f32 v7, v11;
	_ =	sdelay $0x1  }
0x211: {  	v5 =	vadd.f32 v6, v5;
	v6 =	vmul.f32 v8, v12;
	_ =	sdelay $0x1  }
0x212: {  	v5 =	vadd.f32 v6, v5;
	_ =	sdelay $0x1  }
0x213: {  	(xrf2) =	vadd.scan.msk.f32 $0xffff, v5;
	_ =	sdelay $0x9  }
0x214: {  	v5, _, _ =	vpop (xrf2)  }
0x215: {  	(v2sf) =	vpush v5, $0xF;
	_ =	sdelay $0xe  }
0x216: {  	s28 =	spop (v2sf)  }
0x217: {  	s28 =	smul.f32 $6.250000000e-02, s28  }
0x218: {  	v5 =	vld [tilespmem:s3+$0xFFFFFFE0]  }
0x219: {  	s28 =	smax.f32 s28, $0.0e+00  }
0x21a: {  	s28 =	smul.f32 s28, s28;
	_ =	sdelay $0x1  }
0x21b: {  	v6 =	vmov s26;
	s28 =	sadd.f32 $1.000000010e-10, s28  }
0x21c: {  	vm0 =	veq.s32 v6, v2;
	v7 =	vunpack.i.u.bf16.f32 v5;
	v5 =	vunpack.i.l.bf16.f32 v5  }
0x21d: {  	v5 =	vmul.f32 s28, v5;
	v6 =	vmul.f32 s28, v7;
	v4 =	vsel vm0, s28, v4;
	_ =	sdelay $0x1  }
0x21e: {  	[tilespmem:s29+$0xFFFFFFC0] =	vst v5  }
0x21f: {  	[tilespmem:s29+$0xFFFFFFD0] =	vst v6  }
0x220: {  	v5 =	vld [tilespmem:s3+$0xFFFFFFF0];
	_ =	sdelay $0x4  }
0x221: {  	v6 =	vunpack.i.u.bf16.f32 v5;
	v5 =	vunpack.i.l.bf16.f32 v5  }
0x222: {  	v5 =	vmul.f32 s28, v5;
	v6 =	vmul.f32 s28, v6;
	_ =	sdelay $0x1  }
0x223: {  	[tilespmem:s29+$0xFFFFFFE0] =	vst v5  }
0x224: {  	[tilespmem:s29+$0xFFFFFFF0] =	vst v6  }
0x225: {  	v5 =	vld [tilespmem:s3+$0x0];
	_ =	sdelay $0x4  }
0x226: {  	v6 =	vunpack.i.u.bf16.f32 v5;
	v5 =	vunpack.i.l.bf16.f32 v5  }
0x227: {  	v5 =	vmul.f32 s28, v5;
	v6 =	vmul.f32 s28, v6;
	_ =	sdelay $0x1  }
0x228: {  	[tilespmem:s29+$0x0] =	vst v5  }
0x229: {  	[tilespmem:s29+$0x10] =	vst v6  }
.Ltmp13:
0x22a: {  	v5 =	vld [tilespmem:s3+$0x10];
	(pc) =	sbr.rel @p3 .LBB2_19-.Ltmp13, $2  }
0x22b: {  	_ =	sdelay $0x2  }
0x22c: {  	s25 =	sadd.s32 $0x80, s25  }
0x22d: {  	v6 =	vunpack.i.l.bf16.f32 v5  }
.Ltmp14:
0x22e: {  	v5 =	vunpack.i.u.bf16.f32 v5;
	v6 =	vmul.f32 s28, v6;
	(pc) =	sbr.rel @p2 .LBB2_18-.Ltmp14, $4  }
0x22f: {  	v5 =	vmul.f32 s28, v5  }
0x230: {  	s2 =	sshll.u32 s15, $0x4;
	[tilespmem:s23+$0x20] =	vst v6  }
0x231: {  	s2 =	sand.u32 $0x3FFFFFF0, s2;
	[tilespmem:s23+$0x30] =	vst v5  }
0x232: {  	s15 =	simm.s32 $0x1;
	p3 =	por $0x0, $0x0;
	[tilespmem:s2+$0x380] =	vst v4  }
0x233: {  	s2 =	rddreg [dreg:$0x3];
	s3 =	simm.s32 $0x280;
	s9 =	simm.s32 $0x380  }
0x234: {  	[spmem:s2] =	stream.indirect.scatter.add.f32 [tilespmem:s9], [sflag:$0xC], $0x1, s3, s14, $0xb8;
	[tilespmem:$0x1E6F8] =	vst v63  }
0x235: {  	s28 =	rddreg [dreg:$0x2];
	s29 =	simm.s32 $0x9C00  }
0x236: {  	[spmem:s28] =	stream.indirect.scatter.add.f32 [tilespmem:s29], [sflag:$0xE], $0x80, s3, s14, $0xb8;
	[tilespmem:$0x1E6F8] =	vst v63  }
0x237: {  	_ =	swait.ge [sflag:s11], $0x20  }
.Ltmp15:
0x238: {  	[sflag:s11] =	ssyncset.done $0x0;
	(pc) =	sbr.rel .LBB2_22-.Ltmp15, $4  }
0x239: {  	[sflag:s11] =	ssyncadd.s32 $0xFFFFFFE0  }
0x23a: {  	_ =	swait.ge [sflag:s4], $0x1000  }
0x23b: {  	[sflag:s4] =	ssyncset.done $0x0  }
0x23c: {  	[sflag:s4] =	ssyncadd.s32 $0xFFFFF000  }
.LBB2_23:
0x23d: {  	[bflag:$0x0] =	sbarrier.arrive $0xFFFF  }
.Ltmp16:
0x23e: {  	s3 =	simm.s32 $0x480;
	s2 =	rddreg [dreg:$0x3];
	(pc) =	sbr.rel @p1 .LBB2_30-.Ltmp16, $4  }
0x23f: {  	[tilespmem:s3], [sflag:$0xF] =	stream.linear.gather [spmem:s2], $0x2710, $0x38;
	[tilespmem:$0x1E6F8] =	vst v63  }
0x240: {  	_ =	swait.ge [sflag:s0], $0x2710  }
0x241: {  	[sflag:s0] =	ssyncset.done $0x0  }
0x242: {  	s2 =	simm.s32 $0x0;
	s3 =	simm.s32 $0x0;
	[sflag:s0] =	ssyncadd.s32 $0xFFFFD8F0  }
.LBB2_24:
0x243: {  	s13 =	sshll.u32 s3, $0x5;
	s9 =	rddreg [dreg:$0x9]  }
0x244: {  	s9 =	sadd.s32 s9, s13  }
0x245: {  	s15 =	sshll.u32 s9, $0x7  }
0x246: {  	s17 =	rddreg [dreg:$0x2];
	s15 =	sand.u32 $0x3FFFFF80, s15  }
0x247: {  	s15 =	sadd.s32 s15, s17  }
0x248: {  	[tilespmem:s22], [sflag:$0xF] =	stream.linear.gather [spmem:s15], $0x1000, $0x38;
	[tilespmem:$0x1E6F8] =	vst v63  }
0x249: {  	_ =	swait.ge [sflag:s0], $0x1000  }
0x24a: {  	[sflag:s0] =	ssyncset.done $0x0  }
0x24b: {  	[sflag:s0] =	ssyncadd.s32 $0xFFFFF000  }
0x24c: {  	v4 =	vld.idx.msk [tilespmem:v3+s13+$0x480 ss:$0x1], $0xffff;
	_ =	sdelay $0x4  }
0x24d: {  	v4 =	vadd.f32 $1.000000000e-30, v4;
	_ =	sdelay $0x1  }
0x24e: {  	(erf) = vrcp.f32 v4;
	_ =	sdelay $0x8  }
0x24f: {  	v4 =	vpop (erf)  }
0x250: {  	[tilespmem:$0x400] =	vst v4  }
0x251: {  	v4 =	vld.idx.msk [tilespmem:v3+s13+$0x490 ss:$0x1], $0xffff;
	_ =	sdelay $0x4  }
0x252: {  	v4 =	vadd.f32 $1.000000000e-30, v4;
	_ =	sdelay $0x1  }
0x253: {  	(erf) = vrcp.f32 v4;
	_ =	sdelay $0x8  }
0x254: {  	v5 =	vmov s2;
	v4 =	vpop (erf)  }
0x255: {  	s13 =	simm.s32 $0x8C40;
	[tilespmem:$0x410] =	vst v4  }
0x256: {  	v8 =	vld [tilespmem:s13+$0x30]  }
0x257: {  	v11 =	vld [tilespmem:s13+$0x10]  }
0x258: {  	v9 =	vld [tilespmem:s13+$0xFFFFFFC0]  }
0x259: {  	v5 =	vld.idx.msk [tilespmem:v5+s30+$0x0], $0xffff  }
0x25a: {  	v13 =	vld [tilespmem:s13+$0xFFFFFFE0]  }
0x25b: {  	v4 =	vld [tilespmem:s13+$0xFFFFFFF0]  }
0x25c: {  	v6 =	vld [tilespmem:s13+$0x20]  }
0x25d: {  	v7 =	vld [tilespmem:s13+$0xFFFFFFD0]  }
0x25e: {  	v12 =	vmul.f32 v8, v5;
	v8 =	vld [tilespmem:s13+$0x0]  }
0x25f: {  	v10 =	vmul.f32 v9, v5  }
0x260: {  	s17 =	simm.s32 $0x8C40;
	s15 =	simm.s32 $0x1;
	v9 =	vmul.f32 v13, v5;
	v11 =	vmul.f32 v11, v5  }
.LBB2_25:
0x261: {  	p2 =	sne.s32 s15, $0x1F  }
0x262: {  	v7 =	vmul.f32 v7, v5;
	v6 =	vmul.f32 v6, v5;
	[tilespmem:s13+$0x30] =	vst v12;
	s17 =	sadd.s32 $0x80, s17;
	s20 =	smov.u32 s15;
	s15 =	sadd.s32 $0x1, s15  }
0x263: {  	[tilespmem:s13+$0xFFFFFFC0] =	vst v10;
	v10 =	vmul.f32 v4, v5;
	v5 =	vmul.f32 v8, v5  }
0x264: {  	[tilespmem:s13+$0x10] =	vst v11  }
0x265: {  	v8 =	vmov s20;
	[tilespmem:s13+$0xFFFFFFE0] =	vst v9  }
0x266: {  	v4 =	vld [tilespmem:s17+$0xFFFFFFF0];
	[tilespmem:s13+$0xFFFFFFF0] =	vst v10  }
0x267: {  	v9 =	vld [tilespmem:s17+$0x30];
	[tilespmem:s13+$0x0] =	vst v5  }
0x268: {  	v11 =	vld [tilespmem:s17+$0x10];
	[tilespmem:s13+$0x20] =	vst v6  }
0x269: {  	v10 =	vld [tilespmem:s17+$0xFFFFFFC0];
	[tilespmem:s13+$0xFFFFFFD0] =	vst v7;
	s13 =	smov.u32 s17  }
0x26a: {  	v5 =	vld.idx.msk [tilespmem:v8+s30+$0x0], $0xffff  }
0x26b: {  	v13 =	vld [tilespmem:s17+$0xFFFFFFE0]  }
0x26c: {  	v6 =	vld [tilespmem:s17+$0x20]  }
.Ltmp17:
0x26d: {  	v7 =	vld [tilespmem:s17+$0xFFFFFFD0];
	(pc) =	sbr.rel @p2 .LBB2_25-.Ltmp17, $3  }
0x26e: {  	v8 =	vld [tilespmem:s17+$0x0];
	_ =	sdelay $0x1  }
0x26f: {  	v10 =	vmul.f32 v10, v5;
	v12 =	vmul.f32 v9, v5  }
0x270: {  	v11 =	vmul.f32 v11, v5;
	v9 =	vmul.f32 v13, v5  }
0x271: {  	[tilespmem:s13+$0x30] =	vst v12  }
0x272: {  	[tilespmem:s13+$0xFFFFFFC0] =	vst v10  }
0x273: {  	v4 =	vmul.f32 v4, v5;
	[tilespmem:s13+$0x10] =	vst v11  }
0x274: {  	v6 =	vmul.f32 v6, v5;
	[tilespmem:s13+$0xFFFFFFE0] =	vst v9  }
0x275: {  	s15 =	rddreg [dreg:$0xb];
	v8 =	vmul.f32 v8, v5;
	[tilespmem:s13+$0xFFFFFFF0] =	vst v4  }
0x276: {  	s3 =	sadd.s32 $0x1, s3;
	s9 =	sadd.s32 s15, s9;
	v4 =	vmul.f32 v7, v5;
	[tilespmem:s13+$0x20] =	vst v6  }
0x277: {  	s28 =	rddreg [dreg:$0x5];
	p2 =	sne.s32 s3, $0x1F;
	s9 =	sshll.u32 s9, $0x4;
	[tilespmem:s13+$0x0] =	vst v8  }
.Ltmp18:
0x278: {  	s29 =	simm.s32 $0x0;
	s9 =	sadd.s32 s28, s9;
	[tilespmem:s13+$0xFFFFFFD0] =	vst v4;
	(pc) =	sbr.rel @p2 .LBB2_24-.Ltmp18, $4  }
0x279: {  	[hbm4b:s9+s29] =	stream.linear.scatter [tilespmem:s22], [sflag:$0xF], $0x1000, $0x38;
	[tilespmem:$0x1E6F8] =	vst v63  }
0x27a: {  	_ =	swait.ge [sflag:s0], $0x1000  }
0x27b: {  	[sflag:s0] =	ssyncset.done $0x0  }
0x27c: {  	[sflag:s0] =	ssyncadd.s32 $0xFFFFF000  }
0x27d: {  	s2 =	rddreg [dreg:$0x10]  }
0x27e: {  	[tilespmem:s22], [sflag:$0xF] =	stream.linear.gather [spmem:s2], $0x400, $0x38;
	[tilespmem:$0x1E6F8] =	vst v63  }
0x27f: {  	_ =	swait.ge [sflag:s0], $0x400  }
0x280: {  	[sflag:s0] =	ssyncset.done $0x0  }
0x281: {  	s28 =	rddreg [dreg:$0xe];
	[sflag:s0] =	ssyncadd.s32 $0xFFFFFC00  }
0x282: {  	v4 =	vld [tilespmem:s28+$0x480];
	_ =	sdelay $0x4  }
0x283: {  	v4 =	vadd.f32 $1.000000000e-30, v4;
	_ =	sdelay $0x1  }
0x284: {  	(erf) = vrcp.f32 v4;
	_ =	sdelay $0x7  }
0x285: {  	s29 =	simm.s32 $0x0  }
0x286: {  	v5 =	vmov s29;
	v4 =	vpop (erf)  }
0x287: {  	s2 =	simm.s32 $0x8C40;
	[tilespmem:$0x400] =	vst v4  }
0x288: {  	v8 =	vld [tilespmem:s2+$0x30]  }
0x289: {  	v11 =	vld [tilespmem:s2+$0x10]  }
0x28a: {  	v9 =	vld [tilespmem:s2+$0xFFFFFFC0]  }
0x28b: {  	v5 =	vld.idx.msk [tilespmem:v5+s30+$0x0], $0xffff  }
0x28c: {  	v13 =	vld [tilespmem:s2+$0xFFFFFFE0]  }
0x28d: {  	v4 =	vld [tilespmem:s2+$0xFFFFFFF0]  }
0x28e: {  	v6 =	vld [tilespmem:s2+$0x20]  }
0x28f: {  	v7 =	vld [tilespmem:s2+$0xFFFFFFD0]  }
0x290: {  	v12 =	vmul.f32 v8, v5;
	v8 =	vld [tilespmem:s2+$0x0]  }
0x291: {  	v10 =	vmul.f32 v9, v5  }
0x292: {  	s3 =	simm.s32 $0x1;
	s9 =	simm.s32 $0x8C40;
	v9 =	vmul.f32 v13, v5;
	v11 =	vmul.f32 v11, v5  }
.LBB2_28:
0x293: {  	p2 =	sne.s32 s3, $0x7  }
0x294: {  	v7 =	vmul.f32 v7, v5;
	v6 =	vmul.f32 v6, v5;
	[tilespmem:s2+$0x30] =	vst v12;
	s9 =	sadd.s32 $0x80, s9;
	s13 =	smov.u32 s3;
	s3 =	sadd.s32 $0x1, s3  }
0x295: {  	[tilespmem:s2+$0xFFFFFFC0] =	vst v10;
	v10 =	vmul.f32 v4, v5;
	v5 =	vmul.f32 v8, v5  }
0x296: {  	[tilespmem:s2+$0x10] =	vst v11  }
0x297: {  	v8 =	vmov s13;
	[tilespmem:s2+$0xFFFFFFE0] =	vst v9  }
0x298: {  	v4 =	vld [tilespmem:s9+$0xFFFFFFF0];
	[tilespmem:s2+$0xFFFFFFF0] =	vst v10  }
0x299: {  	v9 =	vld [tilespmem:s9+$0x30];
	[tilespmem:s2+$0x0] =	vst v5  }
0x29a: {  	v11 =	vld [tilespmem:s9+$0x10];
	[tilespmem:s2+$0x20] =	vst v6  }
0x29b: {  	v10 =	vld [tilespmem:s9+$0xFFFFFFC0];
	[tilespmem:s2+$0xFFFFFFD0] =	vst v7;
	s2 =	smov.u32 s9  }
0x29c: {  	v5 =	vld.idx.msk [tilespmem:v8+s30+$0x0], $0xffff  }
0x29d: {  	v13 =	vld [tilespmem:s9+$0xFFFFFFE0]  }
0x29e: {  	v6 =	vld [tilespmem:s9+$0x20]  }
.Ltmp19:
0x29f: {  	v7 =	vld [tilespmem:s9+$0xFFFFFFD0];
	(pc) =	sbr.rel @p2 .LBB2_28-.Ltmp19, $3  }
0x2a0: {  	v8 =	vld [tilespmem:s9+$0x0];
	_ =	sdelay $0x1  }
0x2a1: {  	v10 =	vmul.f32 v10, v5;
	v12 =	vmul.f32 v9, v5  }
0x2a2: {  	v11 =	vmul.f32 v11, v5;
	v9 =	vmul.f32 v13, v5  }
0x2a3: {  	[tilespmem:s2+$0x30] =	vst v12  }
0x2a4: {  	[tilespmem:s2+$0xFFFFFFC0] =	vst v10  }
0x2a5: {  	v4 =	vmul.f32 v4, v5;
	[tilespmem:s2+$0x10] =	vst v11  }
0x2a6: {  	v6 =	vmul.f32 v6, v5;
	[tilespmem:s2+$0xFFFFFFE0] =	vst v9  }
0x2a7: {  	v8 =	vmul.f32 v8, v5;
	[tilespmem:s2+$0xFFFFFFF0] =	vst v4  }
0x2a8: {  	v4 =	vmul.f32 v7, v5;
	[tilespmem:s2+$0x20] =	vst v6  }
0x2a9: {  	[tilespmem:s2+$0x0] =	vst v8  }
.Ltmp20:
0x2aa: {  	s29 =	simm.s32 $0x0;
	s3 =	rddreg [dreg:$0x11];
	[tilespmem:s2+$0xFFFFFFD0] =	vst v4;
	(pc) =	sbr.rel .LBB2_30-.Ltmp20, $4  }
0x2ab: {  	[hbm4b:s3+s29] =	stream.linear.scatter [tilespmem:s22], [sflag:$0xF], $0x400, $0x38;
	[tilespmem:$0x1E6F8] =	vst v63  }
0x2ac: {  	_ =	swait.ge [sflag:s0], $0x400  }
0x2ad: {  	[sflag:s0] =	ssyncset.done $0x0  }
0x2ae: {  	[sflag:s0] =	ssyncadd.s32 $0xFFFFFC00  }
.LBB2_31:
0x2af: {  	_ =	sfence.sel $0x180000  }
0x2b0: {  	[bflag:$0x0] =	sbarrier.arrive $0xFFFF  }
0x2b1: {  	_ =	strace $0x9000004A  }
0x2b2: {  	[bflag:$0x2] =	sbarrier.arrive $0xFFFF  }
0x2b3: {  	s0 =	rddreg [dreg:$0x4]  }
0x2b4: {  	s0 =	sadd.s32 @!p0 $0x100000, s0  }
0x2b5: {  	[sflag:s0] =	ssyncadd.tile.s32 @!p0 $0x1;
	_ =	shalt  }
.Lfunc_end2:
_tile_overlayer_lowered:
.L_overlay_start_2:
0x2b6: {  	(tag) =	ssettag $0x2  }
0x2b7: {  	s0 =	rddreg [dreg:$0x0];
	s2 =	stileid.u32  }
0x2b8: {  	s1 =	rddreg [dreg:$0x1];
	p0 =	sne.s32 s2, $0x0  }
0x2b9: {  	s3 =	rddreg [dreg:$0x2];
	[bflag:$0x3] =	sbarrier.arrive $0xFFFF;
	s2 =	simm.s32 @!p0 $0x1C0F  }
0x2ba: {  	[timem:s3], [sflag:s2] =	dma.local @!p0 [hbm:s0], s1  }
0x2bb: {  	s0 =	simm.s32 @!p0 $0xF  }
0x2bc: {  	_ =	swait.ge @!p0 [sflag:s0], s1  }
0x2bd: {  	s1 =	ssub.s32 @!p0 $0x0, s1;
	[sflag:s0] =	ssyncset.done @!p0 $0x0  }
0x2be: {  	[sflag:s0] =	ssyncadd.s32 @!p0 s1  }
0x2bf: {  	[bflag:$0x3] =	sbarrier.arrive $0xFFFF  }
0x2c0: {  	_ =	shalt  }

// kernel: sparse-core-data-format-call.cloned.1.call-start
scs
called_computation_lowered:
.L_overlay_start_0:
0x0: {  	s1 =	sld [smem:$0x3FD9]  }
0x1: {  	s2 =	sld [smem:$0x3FFE];
	_ =	sdelay $0x1  }
0x2: {  	s3 =	srdreg.scid  }
0x3: {  	s0 =	sand.u32 $0x1, s3  }
0x4: {  	s17 =	sshll.u32 s0, $0xA;
	s1 =	sadd.s32 s2, s1  }
0x5: {  	s1 =	sadd.s32 s1, s17  }
0x6: {  	[smem:$0x3FC1] =	sst s1  }
0x7: {  	_ = 	snop  }
0x8: {  	(tm) =	ssettm $0x1  }
0x9: {  	s18 =	sld [smem:$0x3FFB];
	_ =	sdelay $0x3  }
0xa: {  	_ =	strace s18  }
0xb: {  	s1 =	sld [smem:$0x3FFC];
	_ =	sdelay $0x3  }
0xc: {  	_ =	strace s1  }
0xd: {  	s1 =	sld [smem:$0x3FFD];
	_ =	sdelay $0x3  }
0xe: {  	_ =	strace s1  }
0xf: {  	_ =	strace $0x8FFFFFFF  }
0x10: {  	s19 =	sld [smem:$0x3FDB];
	_ =	sdelay $0x1  }
0x11: {  	s20 =	simm.s32 $_scs_section_size  }
0x12: {  	s4 =	simm.s32 $_size__tile_overlayer_lowered;
	s5 =	simm.s32 $_tile_overlayer_lowered  }
0x13: {  	s23 =	simm.s32 $0x1BFF;
	s22 =	sshll.u32 s5, $0x1;
	s1 =	sadd.s32 s20, s19  }
0x14: {  	s6 =	simm.s32 $0x0;
	s21 =	sshll.u32 s4, $0x1;
	s4 =	sadd.s32 s22, s1  }
0x15: {  	[timem:s6], [sflag:s23] =	dma.local [hbm:s4], s21  }
0x16: {  	_ =	swait.ge [sflag:s23], s21  }
0x17: {  	s2 =	ssub.s32 $0x0, s21;
	[sflag:s23] =	ssyncset.done $0x0  }
0x18: {  	[sflag:s23] =	ssyncadd.s32 s2;
	_ =	sdelay $0x1  }
0x19: {  	s24 =	simm.s32 $0x1B8B  }
0x1a: {  	_ =	swait.ge [sflag:s24], $0x1  }
0x1b: {  	[sflag:s24] =	ssyncset.done $0x0  }
0x1c: {  	s26 =	simm.s32 $0x1B8E;
	s25 =	sld [smem:$0x3FFE];
	[sflag:s24] =	ssyncadd.s32 $0xFFFFFFFF  }
0x1d: {  	s27 =	simm.s32 $execute0_lowered;
	[smem:$0x3FD2] =	sst s26  }
0x1e: {  	s4 =	sshll.u32 s27, $0x1;
	_ =	strace $0x80000046;
	[dreg:$0x1] =	wrdreg $0xFFFFFFFF  }
0x1f: {  	s28 =	simm.s32 $_size_execute0_lowered;
	s1 =	sadd.s32 s1, s4;
	[dreg:$0x0] =	wrdreg $0x0  }
0x20: {  	s4 =	sshll.u32 s28, $0x1;
	[dreg:$0x2] =	wrdreg s1  }
0x21: {  	[dreg:$0x3] =	wrdreg s4  }
0x22: {  	[dreg:$0x4] =	wrdreg $0xC0  }
0x23: {  	_ =	task [dreg:s6], $0x5FFFF  }
0x24: {  	[dreg:$0x1] =	wrdreg $0xFFFFFFFF  }
0x25: {  	[dreg:$0x0] =	wrdreg $0x60  }
0x26: {  	[dreg:$0x2] =	wrdreg s25  }
0x27: {  	[dreg:$0x3] =	wrdreg $0x9  }
0x28: {  	_ =	task.clear_ibuf [dreg:s6], $0x4FFFF;
	_ =	strace $0x90000046  }
0x29: {  	s29 =	simm.s32 $0x9;
	_ =	strace $0x80000048  }
0x2a: {  	_ =	swait.ge [sflag:s29], $0x1  }
0x2b: {  	[sflag:s29] =	ssyncadd.s32 $0xFFFFFFFF  }
0x2c: {  	_ =	strace $0x90000048  }
0x2d: {  	_ =	sfence  }
0x2e: {  	s30 =	sld [smem:$0x0];
	_ =	sdelay $0x2  }
0x2f: {  	s31 =	sshll.u32 s3, $0xD;
	s3 =	sshrl.u32 s3, $0x2  }
0x30: {  	s2 =	sand.u32 $0x4000, s31;
	s1 =	sadd.s32 s3, s30  }
0x31: {  	s0 =	sor.u32 s2, s0;
	s1 =	sshll.u32 s1, $0x11  }
0x32: {  	s0 =	sor.u32 s1, s0  }
0x33: {  	s0 =	sadd.s32 $0x8F2B, s0  }
0x34: {  	[sflag:s0] =	ssyncadd.remote.s32 $0x1  }
0x35: {  	_ =	sfence.sel $0xFFFF  }
0x36: {  	[dreg:$0x0] =	wrdreg $0xFFFFFFFF;
	(pc) =	sbr.abs _section_cstart, $3  }
0x37: {  	[dreg:$0x1] =	wrdreg $0xFFFFFFFF  }
0x38: {  	_ =	task.clear_ibuf [dreg:s6], $0x2FFFF;
	_ =	strace $0x9FFFFFFF  }
0x39: {  	(tm) =	ssettm $0x7FFFFFFF  }
tec
execute0_lowered:
.L_overlay_start_1:
0x0: {  	(tag) =	ssettag $0x1  }
0x1: {  	s3 =	rddreg [dreg:$0x0]  }
0x2: {  	s1 =	stileid.u32;
	s2 =	srdreg.scid  }
0x3: {  	s0 =	rddreg [dreg:$0x1];
	_ =	strace $0x80000047;
	s7 =	simm.s32 $0x2  }
0x4: {  	s13 =	simm.s32 $0x0;
	p0 =	por $0x0, $0x0;
	s9 =	simm.s32 $0x13C00  }
0x5: {  	s14 =	simm.s32 $0x0;
	s4 =	sshll.u32 s1, $0x4;
	s5 =	sshll.u32 s2, $0x8  }
.Ltmp0:
0x6: {  	s12 =	simm.s32 $0x0;
	s4 =	sor.u32 s4, s5;
	(pc) =	sbr.rel .LBB1_1-.Ltmp0, $4  }
0x7: {  	s2 =	sadd.s32 $0x9E000, s3;
	s5 =	simm.s32 $0x1;
	s4 =	sand.u32 $0x180, s4  }
0x8: {  	s3 =	sadd.s32 $0x1D6800, s3;
	[sflag:s5] =	ssyncpa.u1 $0x0;
	s8 =	ssub.s32 $0x2700, s4  }
0x9: {  	s6 =	sand.u32 $0x7, s1;
	[sflag:s7] =	ssyncpa.u1 $0x0;
	s7 =	sshrl.u32 s8, $0x9  }
0xa: {  	s11 =	smov.u32 s6;
	s10 =	smov.u32 s4;
	s8 =	sadd.s32 $0x2, s7  }
.LBB1_5:
0xb: {  	s15 =	sadd.s32 $0x200, s10  }
0xc: {  	s13 =	sadd.s32 $0x8, s11;
	s17 =	smov.u32 s11;
	p2 =	sgt.s32 s15, $0x270F  }
0xd: {  	s17 =	smov.u32 @p2 s13  }
0xe: {  	s15 =	smov.u32 @p2 s4;
	p2 =	sgt.s32 s17, $0x7  }
0xf: {  	s17 =	smov.u32 @p2 s6;
	p2 =	sne.s32 s12, s8  }
.Ltmp1:
0x10: {  	p1 =	slt.u32 s12, $0x2;
	(pc) =	sbr.rel @!p2 .LBB1_6-.Ltmp1, $4  }
0x11: {  	s16 =	simm.s32 @!p1 $0x2  }
0x12: {  	s14 =	smov.u32 s11;
	p0 =	por !p0, !p0;
	_ =	swait.ge @!p1 [sflag:s16], $0x4000  }
0x13: {  	s13 =	smov.u32 s10;
	[sflag:s16] =	ssyncset.done @!p1 $0x0;
	s10 =	smov.u32 s15  }
0x14: {  	s12 =	sadd.s32 $0x1, s12;
	[sflag:s16] =	ssyncadd.s32 @!p1 $0xFFFFC000;
	s11 =	smov.u32 s17  }
.LBB1_1:
0x15: {  	p1 =	sgt.u32 s12, s7;
	s16 =	smov.u32 s11  }
0x16: {  	s19 =	smov.u32 s10;
	p2 =	sgt.s32 @!p1 s11, $0x7;
	s15 =	sand.u32 @!p1 $0x1FFFFFF, s10  }
0x17: {  	s18 =	sshra.s32 @!p1 s11, $0x1F;
	s20 =	sshra.s32 @!p1 s10, $0x1F;
	p2 =	por !p2, p1  }
0x18: {  	s17 =	smulhi.u32 @!p1 $0x1A36E2F, s15;
	s16 =	simm.s32 @p2 $0x7;
	p2 =	sgt.s32 @!p1 s10, $0x2690  }
0x19: {  	s18 =	sand.u32 @!p1 s18, s11;
	s20 =	sand.u32 @!p1 s20, s10;
	p2 =	por !p2, p1  }
0x1a: {  	s16 =	ssub.s32 @!p1 s16, s18;
	s17 =	sshrl.u32 @!p1 s17, $0x6;
	s19 =	simm.s32 @p2 $0x2690  }
0x1b: {  	s16 =	sadd.s32 @!p1 $0xFFFFFFF9, s16;
	s17 =	smul.u32 @!p1 $0x2710, s17;
	s18 =	ssub.s32 @!p1 s19, s20  }
0x1c: {  	p2 =	sgt.s32 @!p1 s16, $0x0;
	s16 =	sshll.u32 @!p1 s16, $0x7;
	s19 =	sadd.s32 @!p1 $0xFFFFD970, s18  }
0x1d: {  	s20 =	smul.u32 @!p1 $0x27100, s11;
	s18 =	ssub.s32 @!p1 $0x2710, s18;
	p3 =	sgt.s32 @!p1 s19, $0x7F  }
0x1e: {  	s16 =	ssub.s32 @!p1 $0x80, s16;
	p2 =	por !p2, p1;
	p3 =	por !p3, p1  }
0x1f: {  	s19 =	sxor.u32 @!p1 $0xFFFFFFFF, s12;
	s16 =	simm.s32 @!p2 $0x0;
	s18 =	simm.s32 @!p3 $0x0  }
0x20: {  	s15 =	ssub.s32 @!p1 s15, s17;
	s17 =	sshll.u32 @!p1 s19, $0xE;
	s16 =	smul.u32 @!p1 s18, s16  }
0x21: {  	s15 =	sshll.u32 @!p1 s15, $0x4;
	s17 =	sand.u32 @!p1 $0x4000, s17;
	s18 =	sadd.s32 @!p1 s2, s20  }
0x22: {  	s15 =	sadd.s32 @!p1 s15, s18;
	s18 =	simm.s32 @!p1 $0x0;
	s16 =	sand.u32 @!p1 $0x3FFFFF80, s16  }
0x23: {  	[tilespmem:s17], [sflag:$0x1] =	stream.linear.gather @!p1 [hbm4b:s15+s18], s16, $0x38;
	[tilespmem:$0x10100] =	vst v63  }
0x24: {  	p1 =	seq.s32 s12, $0x0  }
0x25: {  	p2 =	sge.u32 @!p1 s12, s8  }
0x26: {  	p1 =	por p1, p2  }
.Ltmp2:
0x27: {  	_ = 	snop;
	(pc) =	sbr.rel @p1 .LBB1_5-.Ltmp2, $1  }
0x28: {  	_ =	sdelay $0x3  }
0x29: {  	p1 =	sgt.s32 s14, $0x7;
	s15 =	smov.u32 s14  }
0x2a: {  	s16 =	sshra.s32 s14, $0x1F;
	s17 =	smov.u32 s13;
	s18 =	sshra.s32 s13, $0x1F  }
0x2b: {  	s15 =	simm.s32 @!p1 $0x7;
	s16 =	sand.u32 s16, s14;
	p1 =	sgt.s32 s13, $0x2690  }
0x2c: {  	s27 =	sand.u32 s18, s13;
	s15 =	ssub.s32 s15, s16;
	s17 =	simm.s32 @!p1 $0x2690  }
0x2d: {  	s15 =	sadd.s32 $0xFFFFFFF9, s15;
	s16 =	ssub.s32 s17, s27  }
0x2e: {  	p1 =	sgt.s32 s15, $0x0;
	s17 =	sadd.s32 $0xFFFFD970, s16;
	s15 =	sshll.u32 s15, $0x7  }
0x2f: {  	s16 =	ssub.s32 $0x2710, s16;
	p2 =	sgt.s32 s17, $0x7F;
	s15 =	ssub.s32 $0x80, s15  }
0x30: {  	s16 =	simm.s32 @p2 $0x0;
	s15 =	simm.s32 @p1 $0x0  }
0x31: {  	s15 =	smul.u32 s16, s15;
	_ =	sdelay $0x1  }
0x32: {  	s16 =	simm.s32 $0x1;
	s15 =	sand.u32 $0x3FFFFF80, s15  }
0x33: {  	s16 =	simm.s32 @!p0 $0x0;
	_ =	swait.ge [sflag:s5], s15  }
0x34: {  	s28 =	sshll.u32 s16, $0xE;
	s15 =	ssub.s32 $0x0, s15;
	[sflag:s5] =	ssyncset.done $0x0  }
0x35: {  	s29 =	sor.u32 $0x40, s28;
	[sflag:s5] =	ssyncadd.s32 s15  }
0x36: {  	s30 =	smul.u32 $0x10200, s16;
	v0 =	vld [tilespmem:s29+$0x30]  }
0x37: {  	v1 =	vld [tilespmem:s29+$0xFFFFFFD0]  }
0x38: {  	s15 =	sshrl.u32 s30, $0x2;
	v5 =	vld [tilespmem:s29+$0xFFFFFFE0]  }
0x39: {  	s16 =	sor.u32 $0x8000, s15;
	v6 =	vld [tilespmem:s29+$0xFFFFFFF0]  }
0x3a: {  	s31 =	sand.u32 $0x1, s12;
	v4 =	vld [tilespmem:s29+$0x0];
	s17 =	sadd.s32 $0x0, s16  }
0x3b: {  	s15 =	smul.u32 $0x10200, s31;
	v3 =	vld [tilespmem:s29+$0x10];
	[tilespmem:s17+$0x3870 ss:$0x81] =	vst.msk $0xffff, v0  }
0x3c: {  	v2 =	vld [tilespmem:s29+$0x20];
	[tilespmem:s17+$0x810 ss:$0x81] =	vst.msk $0xffff, v1  }
0x3d: {  	s18 =	sadd.s32 $0x80, s29;
	s15 =	sshrl.u32 s15, $0x2;
	v0 =	vld [tilespmem:s29+$0xFFFFFFC0];
	[tilespmem:s17+$0x1020 ss:$0x81] =	vst.msk $0xffff, v5  }
0x3e: {  	s19 =	simm.s32 $0x4;
	s20 =	simm.s32 $0x8;
	s15 =	sor.u32 $0x8000, s15;
	v1 =	vld [tilespmem:s18+$0x30];
	[tilespmem:s17+$0x1830 ss:$0x81] =	vst.msk $0xffff, v6  }
.LBB1_3:
0x3f: {  	p1 =	sne.s32 s20, $0x1FC;
	v5 =	vld [tilespmem:s18+$0xFFFFFFD0];
	[tilespmem:s17+$0x2040 ss:$0x81] =	vst.msk $0xffff, v4  }
0x40: {  	v6 =	vld [tilespmem:s18+$0xFFFFFFE0];
	[tilespmem:s17+$0x2850 ss:$0x81] =	vst.msk $0xffff, v3  }
0x41: {  	s21 =	sshra.s32 s19, $0x2;
	s19 =	smov.u32 s20;
	v7 =	vld [tilespmem:s18+$0xFFFFFFF0];
	[tilespmem:s17+$0x3060 ss:$0x81] =	vst.msk $0xffff, v2  }
.Ltmp3:
0x42: {  	v4 =	vld [tilespmem:s18+$0x0];
	[tilespmem:s17+$0x0 ss:$0x81] =	vst.msk $0xffff, v0;
	s17 =	sadd.s32 s21, s16;
	(pc) =	sbr.rel @p1 .LBB1_3-.Ltmp3, $4  }
0x43: {  	v3 =	vld [tilespmem:s18+$0x10];
	[tilespmem:s17+$0x3870 ss:$0x81] =	vst.msk $0xffff, v1  }
0x44: {  	[tilespmem:s17+$0x810 ss:$0x81] =	vst.msk $0xffff, v5;
	v2 =	vld [tilespmem:s18+$0x20]  }
0x45: {  	v0 =	vld [tilespmem:s18+$0xFFFFFFC0];
	[tilespmem:s17+$0x1020 ss:$0x81] =	vst.msk $0xffff, v6;
	s18 =	sadd.s32 $0x80, s18  }
0x46: {  	s20 =	sadd.s32 $0x4, s20;
	v1 =	vld [tilespmem:s18+$0x30];
	[tilespmem:s17+$0x1830 ss:$0x81] =	vst.msk $0xffff, v7  }
0x47: {  	s20 =	sshrl.u32 s14, $0x3  }
0x48: {  	s21 =	sshll.u32 s13, $0x3;
	s20 =	smul.u32 $0x13C00, s20  }
0x49: {  	s29 =	sshll.u32 s14, $0x7;
	s21 =	sand.u32 $0xFFFFFC00, s21  }
0x4a: {  	v5 =	vld [tilespmem:s18+$0xFFFFFFD0];
	[tilespmem:s17+$0x2040 ss:$0x81] =	vst.msk $0xffff, v4;
	s14 =	sand.u32 $0x380, s29;
	s20 =	sadd.s32 s20, s21  }
0x4b: {  	v58 =	vld [tilespmem:s18+$0xFFFFFFE0];
	s30 =	sand.u32 $0x7F, s13;
	[tilespmem:s17+$0x2850 ss:$0x81] =	vst.msk $0xffff, v3;
	s14 =	sor.u32 s14, s20  }
0x4c: {  	s19 =	sshra.s32 s19, $0x2;
	v59 =	vld [tilespmem:s18+$0xFFFFFFF0];
	[tilespmem:s17+$0x3060 ss:$0x81] =	vst.msk $0xffff, v2;
	s13 =	sor.u32 s30, s14  }
0x4d: {  	v60 =	vld [tilespmem:s18+$0x0];
	s16 =	sadd.s32 s19, s16;
	[tilespmem:s17+$0x0 ss:$0x81] =	vst.msk $0xffff, v0;
	s31 =	smulhi.u32 $0xCF6474A9, s13  }
0x4e: {  	v61 =	vld [tilespmem:s18+$0x10];
	[tilespmem:s16+$0x3870 ss:$0x81] =	vst.msk $0xffff, v1  }
0x4f: {  	v62 =	vld [tilespmem:s18+$0x20];
	[tilespmem:s16+$0x810 ss:$0x81] =	vst.msk $0xffff, v5;
	s14 =	smulhi.u32 $0xCF6474A9, s14;
	s17 =	sshrl.u32 s31, $0xD  }
0x50: {  	v63 =	vld [tilespmem:s18+$0xFFFFFFC0];
	[tilespmem:s16+$0x1020 ss:$0x81] =	vst.msk $0xffff, v58;
	s17 =	smul.u32 $0x2780, s17  }
0x51: {  	[tilespmem:s16+$0x1830 ss:$0x81] =	vst.msk $0xffff, v59;
	s14 =	sshrl.u32 s14, $0xD  }
.Ltmp4:
0x52: {  	[tilespmem:s16+$0x2040 ss:$0x81] =	vst.msk $0xffff, v60;
	s14 =	sand.u32 $0x7, s14;
	s13 =	ssub.s32 s13, s17;
	(pc) =	sbr.rel .LBB1_5-.Ltmp4, $4  }
0x53: {  	[tilespmem:s16+$0x2850 ss:$0x81] =	vst.msk $0xffff, v61;
	s14 =	smul.u32 $0x4F0, s14;
	s17 =	sshrl.u32 s13, $0x3;
	s13 =	sand.u32 $0x7, s13  }
0x54: {  	[tilespmem:s16+$0x3060 ss:$0x81] =	vst.msk $0xffff, v62;
	s17 =	sadd.s32 s3, s17;
	s13 =	sshll.u32 s13, $0x12  }
0x55: {  	[tilespmem:s16+$0x0 ss:$0x81] =	vst.msk $0xffff, v63;
	s14 =	sadd.s32 s14, s17;
	s13 =	sor.u32 $0x80, s13  }
0x56: {  	[hbm4b:s14+s13] =	stream.strided.scatter [tilespmem:s15], [sflag:$0x2], $0x4000, s9, s13, $0x20;
	[tilespmem:$0x10100] =	vst v63  }
.LBB1_6:
0x57: {  	_ =	sfence.sel $0x180000  }
0x58: {  	s2 =	simm.s32 $0x1;
	[bflag:$0x0] =	sbarrier.arrive $0xFFFF  }
0x59: {  	s31 =	simm.s32 $0x2;
	[sflag:s2] =	ssyncpa.u1 $0x1  }
0x5a: {  	[sflag:s31] =	ssyncpa.u1 $0x1  }
0x5b: {  	p0 =	sne.s32 s1, $0x0;
	_ =	strace $0x90000047  }
0x5c: {  	s0 =	sadd.s32 @!p0 $0x100000, s0;
	[bflag:$0x2] =	sbarrier.arrive $0xFFFF  }
0x5d: {  	[sflag:s0] =	ssyncadd.tile.s32 @!p0 $0x1;
	_ =	shalt  }
.Lfunc_end1:
_tile_overlayer_lowered:
.L_overlay_start_2:
0x5e: {  	(tag) =	ssettag $0x2  }
0x5f: {  	s0 =	rddreg [dreg:$0x0];
	s2 =	stileid.u32  }
0x60: {  	s1 =	rddreg [dreg:$0x1];
	p0 =	sne.s32 s2, $0x0  }
0x61: {  	s3 =	rddreg [dreg:$0x2];
	[bflag:$0x3] =	sbarrier.arrive $0xFFFF;
	s2 =	simm.s32 @!p0 $0x1C01  }
0x62: {  	[timem:s3], [sflag:s2] =	dma.local @!p0 [hbm:s0], s1  }
0x63: {  	s0 =	simm.s32 @!p0 $0x1  }
0x64: {  	_ =	swait.ge @!p0 [sflag:s0], s1  }
0x65: {  	s1 =	ssub.s32 @!p0 $0x0, s1;
	[sflag:s0] =	ssyncset.done @!p0 $0x0  }
0x66: {  	[sflag:s0] =	ssyncadd.s32 @!p0 s1  }
0x67: {  	[bflag:$0x3] =	sbarrier.arrive $0xFFFF  }
0x68: {  	_ =	shalt  }

</sc_bundles>
